<compile_context>
chip_gen: v7x
topology: tpu7x:2x2x1
jax: 0.10.2.dev20260603
libtpu: 0.0.44.dev20260713+nightly
codegen_flags: <defaults>
</compile_context>

<pallas_src>
import functools

import jax
import jax.numpy as jnp
from jax import lax
from jax.experimental import pallas as pl
from jax.experimental.pallas import tpu as pltpu
from jax.experimental.pallas import tpu_sc as plsc

_THRESH = 0.3
_B = 512


def _rank_kernel(vals_ref, valsT_ref, rank_ref, *, nb, B):
    f32 = jnp.float32
    i32 = jnp.int32
    lane_b = jax.lax.broadcasted_iota(i32, (1, B), 1)
    sub_b = jax.lax.broadcasted_iota(i32, (B, 1), 0)
    ones_col = jnp.ones((B, 1), f32)
    for r in range(nb):
        b0 = r * B
        s_i = valsT_ref[b0:b0 + B, 4:5]
        i_ids = sub_b + b0

        def rank_body(c, cnt):
            c0 = pl.multiple_of(c * B, B)
            s_j = vals_ref[4:5, pl.ds(c0, B)]
            j_ids = lane_b + c * B
            beats = (s_j > s_i) | ((s_j == s_i) & (j_ids < i_ids))
            bf = jnp.where(beats, 1.0, 0.0)
            return cnt + jnp.dot(bf, ones_col, preferred_element_type=f32)

        cnt_c = jax.lax.fori_loop(0, nb, rank_body, jnp.zeros((B, 1), f32))
        rank_ref[b0:b0 + B, :] = cnt_c.astype(i32)


def _nms_kernel(srt_ref, out_ref, keep_ref, sup_ref, *, nb, B):
    f32 = jnp.float32
    i32 = jnp.int32

    for c in range(nb):
        c0 = c * B
        out_ref[:, c0:c0 + B] = jnp.transpose(srt_ref[c0:c0 + B, 0:8])

    keep_ref[...] = jnp.ones_like(keep_ref)
    tri = (jax.lax.broadcasted_iota(i32, (B, B), 1)
           > jax.lax.broadcasted_iota(i32, (B, B), 0))

    def iou_tile(i0, j0):
        x1c = srt_ref[i0:i0 + B, 0:1]
        y1c = srt_ref[i0:i0 + B, 1:2]
        x2c = srt_ref[i0:i0 + B, 2:3]
        y2c = srt_ref[i0:i0 + B, 3:4]
        a_col = (x2c - x1c + 1.0) * (y2c - y1c + 1.0)
        x1r = out_ref[0:1, pl.ds(j0, B)]
        y1r = out_ref[1:2, pl.ds(j0, B)]
        x2r = out_ref[2:3, pl.ds(j0, B)]
        y2r = out_ref[3:4, pl.ds(j0, B)]
        a_row = (x2r - x1r + 1.0) * (y2r - y1r + 1.0)
        xx1 = jnp.maximum(x1c, x1r)
        yy1 = jnp.maximum(y1c, y1r)
        xx2 = jnp.minimum(x2c, x2r)
        yy2 = jnp.minimum(y2c, y2r)
        iw = jnp.maximum(xx2 - xx1 + 1.0, 0.0)
        ih = jnp.maximum(yy2 - yy1 + 1.0, 0.0)
        inter = iw * ih
        union = (a_col + a_row) - inter
        return inter / union

    for bi in range(nb):
        b0 = bi * B
        sup_ref[...] = ((iou_tile(b0, b0) > _THRESH) & tri).astype(f32)
        k0 = keep_ref[0:1, b0:b0 + B]

        def self_cond(carry):
            return carry[1]

        def self_body(carry):
            k, _ = carry
            cnt = jnp.dot(k, sup_ref[...], preferred_element_type=f32)
            knew = k0 * (cnt < 0.5).astype(f32)
            return knew, jnp.any(knew != k)

        kb, _ = jax.lax.while_loop(self_cond, self_body,
                                   (k0, jnp.bool_(True)))
        keep_ref[0:1, b0:b0 + B] = kb

        def cross_body(rj, _):
            j0 = pl.multiple_of(rj * B, B)
            supm = (iou_tile(b0, j0) > _THRESH).astype(f32)
            cnt = jnp.dot(kb, supm, preferred_element_type=f32)
            keep_ref[0:1, pl.ds(j0, B)] = (keep_ref[0:1, pl.ds(j0, B)]
                                           * (cnt < 0.5).astype(f32))
            return 0

        if bi + 1 < nb:
            jax.lax.fori_loop(bi + 1, nb, cross_body, 0)

    out_ref[...] = out_ref[...] * keep_ref[...]


def _sc_scatter(valsT128, rank1d, P):
    info = plsc.get_sparse_core_info()
    nw = info.num_cores * info.num_subcores
    b_per_w = P // nw
    mesh = plsc.VectorSubcoreMesh(core_axis_name="c", subcore_axis_name="s")

    @functools.partial(
        pl.kernel, mesh=mesh,
        out_type=jax.ShapeDtypeStruct((P, 128), jnp.float32),
        scratch_types=[
            pltpu.VMEM((b_per_w,), jnp.int32),
            pltpu.VMEM((b_per_w, 128), jnp.float32),
            pltpu.SemaphoreType.DMA,
        ],
    )
    def k(rows_hbm, idx_hbm, out_hbm, idx_v, rows_v, sem):
        wid = lax.axis_index("s") * info.num_cores + lax.axis_index("c")
        base = wid * b_per_w
        pltpu.sync_copy(idx_hbm.at[pl.ds(base, b_per_w)], idx_v)
        pltpu.sync_copy(rows_hbm.at[pl.ds(base, b_per_w)], rows_v)
        pltpu.async_copy(rows_v, out_hbm.at[idx_v], sem).wait()

    return k(valsT128, rank1d)


def kernel(pred_boxes, scores):
    N = pred_boxes.shape[0]
    B = _B
    P = ((N + B - 1) // B) * B
    pad = P - N
    boxes_p = jnp.pad(pred_boxes.astype(jnp.float32), ((0, pad), (0, 0)))
    scores_p = jnp.pad(scores.astype(jnp.float32), (0, pad),
                       constant_values=-1.0)
    vals8 = jnp.concatenate(
        [boxes_p.T, scores_p[None, :], jnp.zeros((3, P), jnp.float32)], axis=0)
    valsT = vals8.T
    rank = pl.pallas_call(
        functools.partial(_rank_kernel, nb=P // B, B=B),
        out_shape=jax.ShapeDtypeStruct((P, 1), jnp.int32),
    )(vals8, valsT)
    valsT128 = jnp.concatenate([valsT, jnp.zeros((P, 120), jnp.float32)], axis=1)
    srt = _sc_scatter(valsT128, rank[:, 0], P)
    out = pl.pallas_call(
        functools.partial(_nms_kernel, nb=P // B, B=B),
        out_shape=jax.ShapeDtypeStruct((8, P), jnp.float32),
        scratch_shapes=[
            pltpu.VMEM((1, P), jnp.float32),
            pltpu.VMEM((B, B), jnp.float32),
        ],
    )(srt)
    return out[:5, :N].T

# --- scband reference (transcript-rebuilt; emitter-appended) ---
"""Pipeline reference for scband-faster-rcnn-46462956208215 (READ-ONLY COPY).

The authoritative reference and input builder live on the scoring server;
editing this copy changes nothing except your own understanding.
"""

import jax, jax.numpy as jnp
import numpy as np

N = 5000
NMS_THRESH = 0.3


def setup_inputs(seed: int = 0) -> dict:
    key = jax.random.key(seed)
    k1, k2 = jax.random.split(key, 2)
    r = jax.random.uniform(k1, (N, 4), dtype=jnp.float32)
    x1 = r[:, 0] * 900.0
    y1 = r[:, 1] * 900.0
    w = r[:, 2] * 100.0 + 1.0
    h = r[:, 3] * 100.0 + 1.0
    pred_boxes = jnp.stack([x1, y1, x1 + w, y1 + h], axis=1)
    scores = jax.random.uniform(k2, (N,), dtype=jnp.float32)
    return {"pred_boxes": pred_boxes, "scores": scores}


def _nms_detections(pred_boxes, scores, thresh=NMS_THRESH):
    # faithful jax port of nms_detections: dets = hstack(boxes, scores); keep = nms(dets, thresh)
    order = jnp.argsort(-scores)
    b = pred_boxes[order]
    s = scores[order]
    x1, y1, x2, y2 = b[:, 0], b[:, 1], b[:, 2], b[:, 3]
    areas = (x2 - x1 + 1.0) * (y2 - y1 + 1.0)
    xx1 = jnp.maximum(x1[:, None], x1[None, :])
    yy1 = jnp.maximum(y1[:, None], y1[None, :])
    xx2 = jnp.minimum(x2[:, None], x2[None, :])
    yy2 = jnp.minimum(y2[:, None], y2[None, :])
    iw = jnp.maximum(xx2 - xx1 + 1.0, 0.0)
    ih = jnp.maximum(yy2 - yy1 + 1.0, 0.0)
    inter = iw * ih
    iou = inter / (areas[:, None] + areas[None, :] - inter)
    n = b.shape[0]
    idxs = jnp.arange(n)

    def body(i, keep):
        sup = (iou[i] > thresh) & (idxs > i) & keep[i]
        return keep & (~sup)

    keep = jax.lax.fori_loop(0, n, body, jnp.ones((n,), dtype=bool))
    keepf = keep.astype(b.dtype)
    # return dense dets [N,5] with suppressed rows zeroed (static shape for jit)
    dets = jnp.concatenate([b * keepf[:, None], (s * keepf)[:, None]], axis=1)
    return dets


def reference(pred_boxes, scores):
    return _nms_detections(pred_boxes, scores)

if __name__ == "__main__":
    import jax
    _d = setup_inputs()
    print(jax.jit(kernel)(*tuple(_d.values())))

</pallas_src>

<mosaic_0001>
#map = affine_map<(d0, d1) -> (0, 0)>
#map1 = affine_map<(d0, d1) -> (0)>
module attributes {stable_mosaic.version = 14 : i64} {
  func.func @k(%arg0: i32, %arg1: i32, %arg2: memref<5120x128xf32, #tpu.memory_space<hbm>>, %arg3: memref<5120xi32, #tpu.memory_space<hbm>>, %arg4: memref<5120x128xf32, #tpu.memory_space<hbm>>, %arg5: memref<160xi32, #tpu.memory_space<vmem>>, %arg6: memref<160x128xf32, #tpu.memory_space<vmem>>, %arg7: memref<!tpu.dma_semaphore, #tpu.memory_space<semaphore_mem>>) attributes {dimension_semantics = [#tpu.dimension_semantics<core_parallel>, #tpu.dimension_semantics<subcore_parallel>], iteration_bounds = array<i64: 2, 16>, scalar_prefetch = 0 : i64, scratch_operands = 3 : i64, tpu.core_type = #tpu.core_type<sc_vector_subcore>, window_params = [{transform_indices = #map}, {transform_indices = #map1}, {transform_indices = #map}]} {
    %mul3A = arith.constant 2 : i32
    %mul3A_0 = arith.muli %arg1, %mul3A : i32
    %add3A = arith.addi %mul3A_0, %arg0 : i32
    %mul3A_1 = arith.constant 160 : i32
    %mul3A_2 = arith.muli %add3A, %mul3A_1 : i32
    "tpu.region"() ({
      %run_scoped3A = tpu.sem_alloc : memref<!tpu.dma_semaphore, #tpu.memory_space<semaphore_mem>>
      %dma_start3A_7 = tpu.memref_slice %arg3[%mul3A_2] : memref<5120xi32, #tpu.memory_space<hbm>> -> memref<160xi32, #tpu.memory_space<hbm>>
      %dma_start3A_8 = tpu.memref_slice %arg3[%mul3A_2] : memref<5120xi32, #tpu.memory_space<hbm>> -> memref<160xi32, #tpu.memory_space<hbm>>
      tpu.enqueue_dma source(%dma_start3A_8 : memref<160xi32, #tpu.memory_space<hbm>>) target(%arg5 : memref<160xi32, #tpu.memory_space<vmem>>) target_semaphore(%run_scoped3A : memref<!tpu.dma_semaphore, #tpu.memory_space<semaphore_mem>>)
      %dma_wait3A_9 = tpu.memref_slice %arg3[%mul3A_2] : memref<5120xi32, #tpu.memory_space<hbm>> -> memref<160xi32, #tpu.memory_space<hbm>>
      %dma_wait3A_10 = tpu.memref_slice %arg3[%mul3A_2] : memref<5120xi32, #tpu.memory_space<hbm>> -> memref<160xi32, #tpu.memory_space<hbm>>
      tpu.wait_dma2 semaphore(%run_scoped3A : memref<!tpu.dma_semaphore, #tpu.memory_space<semaphore_mem>>) src(%dma_wait3A_10 : memref<160xi32, #tpu.memory_space<hbm>>) dst(%arg5 : memref<160xi32, #tpu.memory_space<vmem>>)
      tpu.yield
    }) : () -> ()
    "tpu.region"() ({
      %run_scoped3A = tpu.sem_alloc : memref<!tpu.dma_semaphore, #tpu.memory_space<semaphore_mem>>
      %dma_start3A_7 = arith.constant 0 : i32
      %dma_start3A_8 = tpu.memref_slice %arg2[%mul3A_2, %dma_start3A_7] : memref<5120x128xf32, #tpu.memory_space<hbm>> -> memref<160x128xf32, #tpu.memory_space<hbm>>
      %dma_start3A_9 = arith.constant 0 : i32
      %dma_start3A_10 = tpu.memref_slice %arg2[%mul3A_2, %dma_start3A_9] : memref<5120x128xf32, #tpu.memory_space<hbm>> -> memref<160x128xf32, #tpu.memory_space<hbm>>
      tpu.enqueue_dma source(%dma_start3A_10 : memref<160x128xf32, #tpu.memory_space<hbm>>) target(%arg6 : memref<160x128xf32, #tpu.memory_space<vmem>>) target_semaphore(%run_scoped3A : memref<!tpu.dma_semaphore, #tpu.memory_space<semaphore_mem>>)
      %dma_wait3A_11 = arith.constant 0 : i32
      %dma_wait3A_12 = tpu.memref_slice %arg2[%mul3A_2, %dma_wait3A_11] : memref<5120x128xf32, #tpu.memory_space<hbm>> -> memref<160x128xf32, #tpu.memory_space<hbm>>
      %dma_wait3A_13 = arith.constant 0 : i32
      %dma_wait3A_14 = tpu.memref_slice %arg2[%mul3A_2, %dma_wait3A_13] : memref<5120x128xf32, #tpu.memory_space<hbm>> -> memref<160x128xf32, #tpu.memory_space<hbm>>
      tpu.wait_dma2 semaphore(%run_scoped3A : memref<!tpu.dma_semaphore, #tpu.memory_space<semaphore_mem>>) src(%dma_wait3A_14 : memref<160x128xf32, #tpu.memory_space<hbm>>) dst(%arg6 : memref<160x128xf32, #tpu.memory_space<vmem>>)
      tpu.yield
    }) : () -> ()
    %dma_start3A = arith.constant 0 : i32
    %dma_start3A_3 = arith.constant 0 : i32
    %dma_start3A_4 = tpu.memref_slice %arg4[%dma_start3A, %dma_start3A_3] : memref<5120x128xf32, #tpu.memory_space<hbm>> -> memref<5120x128xf32, #tpu.memory_space<hbm>>
    tpu.enqueue_indirect_dma source(%arg6 : memref<160x128xf32, #tpu.memory_space<vmem>>) target(%dma_start3A_4 : memref<5120x128xf32, #tpu.memory_space<hbm>>) offsets(%arg5 : memref<160xi32, #tpu.memory_space<vmem>>) semaphore(%arg7 : memref<!tpu.dma_semaphore, #tpu.memory_space<semaphore_mem>>)
    %dma_wait3A = arith.constant 0 : i32
    %dma_wait3A_5 = arith.constant 0 : i32
    %dma_wait3A_6 = tpu.memref_slice %arg4[%dma_wait3A, %dma_wait3A_5] : memref<5120x128xf32, #tpu.memory_space<hbm>> -> memref<5120x128xf32, #tpu.memory_space<hbm>>
    tpu.wait_indirect_dma semaphore(%arg7 : memref<!tpu.dma_semaphore, #tpu.memory_space<semaphore_mem>>) src(%arg6 : memref<160x128xf32, #tpu.memory_space<vmem>>) dst(%dma_wait3A_6 : memref<5120x128xf32, #tpu.memory_space<hbm>>)
    return
  }
}

module attributes {stable_mosaic.version = 14 : i64} {
  func.func @_rank_kernel(%arg0: memref<8x5120xf32, #tpu.memory_space<vmem>>, %arg1: memref<5120x8xf32, #tpu.memory_space<vmem>>, %arg2: memref<5120x1xi32, #tpu.memory_space<vmem>>) attributes {dimension_semantics = [], scalar_prefetch = 0 : i64, scratch_operands = 0 : i64, tpu.core_type = #tpu.core_type<tc>} {
    %iota3A = tpu.iota {dimensions = array<i32: 1>} : vector<1x512xi32>
    %iota3A_0 = tpu.iota {dimensions = array<i32: 0>} : vector<512x1xi32>
    %broadcast_in_dim3A = arith.constant 1.000000e+00 : f32
    %broadcast_in_dim3A_1 = vector.broadcast %broadcast_in_dim3A : f32 to vector<512x1xf32>
    %get3A = arith.constant 0 : index
    %get3A_2 = arith.constant 4 : index
    %get3A_3 = vector.load %arg1[%get3A, %get3A_2] : memref<5120x8xf32, #tpu.memory_space<vmem>>, vector<512x1xf32>
    %add3A = arith.constant 0 : i32
    %add3A_4 = vector.broadcast %add3A : i32 to vector<512x1xi32>
    %add3A_5 = arith.addi %iota3A_0, %add3A_4 : vector<512x1xi32>
    %broadcast_in_dim3A_6 = arith.constant 0.000000e+00 : f32
    %broadcast_in_dim3A_7 = vector.broadcast %broadcast_in_dim3A_6 : f32 to vector<512x1xf32>
    %scan3A = arith.constant 0 : i32
    %scan3A_8 = arith.constant 10 : i32
    %scan3A_9 = arith.addi %scan3A, %scan3A_8 : i32
    %scan3A_10 = arith.constant 1 : i32
    %scan3A_11 = scf.for %scan3A_177 = %scan3A to %scan3A_9 step %scan3A_10 iter_args(%scan3A_178 = %broadcast_in_dim3A_7) -> (vector<512x1xf32>)  : i32 {
      %mul3A = arith.constant 512 : i32
      %mul3A_179 = arith.muli %scan3A_177, %mul3A : i32
      %multiple_of3A = tpu.assume_multiple %mul3A_179, 512 : i32
      %get3A_180 = arith.constant 4 : index
      %get3A_181 = arith.index_cast %multiple_of3A : i32 to index
      %get3A_182 = vector.load %arg0[%get3A_180, %get3A_181] : memref<8x5120xf32, #tpu.memory_space<vmem>>, vector<1x512xf32>
      %mul3A_183 = arith.constant 512 : i32
      %mul3A_184 = arith.muli %scan3A_177, %mul3A_183 : i32
      %add3A_185 = vector.broadcast %mul3A_184 : i32 to vector<1x512xi32>
      %add3A_186 = arith.addi %iota3A, %add3A_185 : vector<1x512xi32>
      %gt3A = vector.broadcast %get3A_182 : vector<1x512xf32> to vector<512x512xf32>
      %gt3A_187 = vector.broadcast %get3A_3 : vector<512x1xf32> to vector<512x512xf32>
      %gt3A_188 = arith.cmpf ogt, %gt3A, %gt3A_187 : vector<512x512xf32>
      %eq3A = vector.broadcast %get3A_182 : vector<1x512xf32> to vector<512x512xf32>
      %eq3A_189 = vector.broadcast %get3A_3 : vector<512x1xf32> to vector<512x512xf32>
      %eq3A_190 = arith.cmpf oeq, %eq3A, %eq3A_189 : vector<512x512xf32>
      %lt3A = vector.broadcast %add3A_186 : vector<1x512xi32> to vector<512x512xi32>
      %lt3A_191 = vector.broadcast %add3A_5 : vector<512x1xi32> to vector<512x512xi32>
      %lt3A_192 = arith.cmpi slt, %lt3A, %lt3A_191 : vector<512x512xi32>
      %and3A = arith.andi %eq3A_190, %lt3A_192 : vector<512x512xi1>
      %or3A = arith.ori %gt3A_188, %and3A : vector<512x512xi1>
      %jit3A = arith.constant 1.000000e+00 : f32
      %jit3A_193 = arith.constant 0.000000e+00 : f32
      %broadcast_in_dim3A_194 = vector.broadcast %jit3A : f32 to vector<512x512xf32>
      %broadcast_in_dim3A_195 = vector.broadcast %jit3A_193 : f32 to vector<512x512xf32>
      %select_n3A = arith.select %or3A, %broadcast_in_dim3A_194, %broadcast_in_dim3A_195 : vector<512x512xi1>, vector<512x512xf32>
      %dot_general3A = arith.constant dense<0.000000e+00> : vector<512x1xf32>
      %dot_general3A_196 = tpu.matmul %select_n3A, %broadcast_in_dim3A_1, %dot_general3A {dimension_numbers = #tpu.dot_dimension_numbers<[1], [0], [0], [1], [0, 0, 1, 1], [], []>, transpose_lhs_hint = false} : vector<512x512xf32>, vector<512x1xf32>, vector<512x1xf32> -> vector<512x1xf32>
      %add3A_197 = arith.addf %scan3A_178, %dot_general3A_196 : vector<512x1xf32>
      scf.yield %add3A_197 : vector<512x1xf32>
    }
    %scan3A_12 = arith.constant 10 : i32
    %convert_element_type3A = arith.fptosi %scan3A_11 : vector<512x1xf32> to vector<512x1xi32>
    %swap3A = arith.constant 0 : index
    %swap3A_13 = arith.constant 0 : index
    %swap3A_14 = vector.load %arg2[%swap3A, %swap3A_13] : memref<5120x1xi32, #tpu.memory_space<vmem>>, vector<512x1xi32>
    tpu.vector_store %arg2[%swap3A, %swap3A_13], %convert_element_type3A {strides = array<i32>} : memref<5120x1xi32, #tpu.memory_space<vmem>>, vector<512x1xi32>,
    %get3A_15 = arith.constant 512 : index
    %get3A_16 = arith.constant 4 : index
    %get3A_17 = vector.load %arg1[%get3A_15, %get3A_16] : memref<5120x8xf32, #tpu.memory_space<vmem>>, vector<512x1xf32>
    %add3A_18 = arith.constant 512 : i32
    %add3A_19 = vector.broadcast %add3A_18 : i32 to vector<512x1xi32>
    %add3A_20 = arith.addi %iota3A_0, %add3A_19 : vector<512x1xi32>
    %broadcast_in_dim3A_21 = arith.constant 0.000000e+00 : f32
    %broadcast_in_dim3A_22 = vector.broadcast %broadcast_in_dim3A_21 : f32 to vector<512x1xf32>
    %scan3A_23 = arith.constant 0 : i32
    %scan3A_24 = arith.constant 10 : i32
    %scan3A_25 = arith.addi %scan3A_23, %scan3A_24 : i32
    %scan3A_26 = arith.constant 1 : i32
    %scan3A_27 = scf.for %scan3A_177 = %scan3A_23 to %scan3A_25 step %scan3A_26 iter_args(%scan3A_178 = %broadcast_in_dim3A_22) -> (vector<512x1xf32>)  : i32 {
      %mul3A = arith.constant 512 : i32
      %mul3A_179 = arith.muli %scan3A_177, %mul3A : i32
      %multiple_of3A = tpu.assume_multiple %mul3A_179, 512 : i32
      %get3A_180 = arith.constant 4 : index
      %get3A_181 = arith.index_cast %multiple_of3A : i32 to index
      %get3A_182 = vector.load %arg0[%get3A_180, %get3A_181] : memref<8x5120xf32, #tpu.memory_space<vmem>>, vector<1x512xf32>
      %mul3A_183 = arith.constant 512 : i32
      %mul3A_184 = arith.muli %scan3A_177, %mul3A_183 : i32
      %add3A_185 = vector.broadcast %mul3A_184 : i32 to vector<1x512xi32>
      %add3A_186 = arith.addi %iota3A, %add3A_185 : vector<1x512xi32>
      %gt3A = vector.broadcast %get3A_182 : vector<1x512xf32> to vector<512x512xf32>
      %gt3A_187 = vector.broadcast %get3A_17 : vector<512x1xf32> to vector<512x512xf32>
      %gt3A_188 = arith.cmpf ogt, %gt3A, %gt3A_187 : vector<512x512xf32>
      %eq3A = vector.broadcast %get3A_182 : vector<1x512xf32> to vector<512x512xf32>
      %eq3A_189 = vector.broadcast %get3A_17 : vector<512x1xf32> to vector<512x512xf32>
      %eq3A_190 = arith.cmpf oeq, %eq3A, %eq3A_189 : vector<512x512xf32>
      %lt3A = vector.broadcast %add3A_186 : vector<1x512xi32> to vector<512x512xi32>
      %lt3A_191 = vector.broadcast %add3A_20 : vector<512x1xi32> to vector<512x512xi32>
      %lt3A_192 = arith.cmpi slt, %lt3A, %lt3A_191 : vector<512x512xi32>
      %and3A = arith.andi %eq3A_190, %lt3A_192 : vector<512x512xi1>
      %or3A = arith.ori %gt3A_188, %and3A : vector<512x512xi1>
      %jit3A = arith.constant 1.000000e+00 : f32
      %jit3A_193 = arith.constant 0.000000e+00 : f32
      %broadcast_in_dim3A_194 = vector.broadcast %jit3A : f32 to vector<512x512xf32>
      %broadcast_in_dim3A_195 = vector.broadcast %jit3A_193 : f32 to vector<512x512xf32>
      %select_n3A = arith.select %or3A, %broadcast_in_dim3A_194, %broadcast_in_dim3A_195 : vector<512x512xi1>, vector<512x512xf32>
      %dot_general3A = arith.constant dense<0.000000e+00> : vector<512x1xf32>
      %dot_general3A_196 = tpu.matmul %select_n3A, %broadcast_in_dim3A_1, %dot_general3A {dimension_numbers = #tpu.dot_dimension_numbers<[1], [0], [0], [1], [0, 0, 1, 1], [], []>, transpose_lhs_hint = false} : vector<512x512xf32>, vector<512x1xf32>, vector<512x1xf32> -> vector<512x1xf32>
      %add3A_197 = arith.addf %scan3A_178, %dot_general3A_196 : vector<512x1xf32>
      scf.yield %add3A_197 : vector<512x1xf32>
    }
    %scan3A_28 = arith.constant 10 : i32
    %convert_element_type3A_29 = arith.fptosi %scan3A_27 : vector<512x1xf32> to vector<512x1xi32>
    %swap3A_30 = arith.constant 512 : index
    %swap3A_31 = arith.constant 0 : index
    %swap3A_32 = vector.load %arg2[%swap3A_30, %swap3A_31] : memref<5120x1xi32, #tpu.memory_space<vmem>>, vector<512x1xi32>
    tpu.vector_store %arg2[%swap3A_30, %swap3A_31], %convert_element_type3A_29 {strides = array<i32>} : memref<5120x1xi32, #tpu.memory_space<vmem>>, vector<512x1xi32>,
    %get3A_33 = arith.constant 1024 : index
    %get3A_34 = arith.constant 4 : index
    %get3A_35 = vector.load %arg1[%get3A_33, %get3A_34] : memref<5120x8xf32, #tpu.memory_space<vmem>>, vector<512x1xf32>
    %add3A_36 = arith.constant 1024 : i32
    %add3A_37 = vector.broadcast %add3A_36 : i32 to vector<512x1xi32>
    %add3A_38 = arith.addi %iota3A_0, %add3A_37 : vector<512x1xi32>
    %broadcast_in_dim3A_39 = arith.constant 0.000000e+00 : f32
    %broadcast_in_dim3A_40 = vector.broadcast %broadcast_in_dim3A_39 : f32 to vector<512x1xf32>
    %scan3A_41 = arith.constant 0 : i32
    %scan3A_42 = arith.constant 10 : i32
    %scan3A_43 = arith.addi %scan3A_41, %scan3A_42 : i32
    %scan3A_44 = arith.constant 1 : i32
    %scan3A_45 = scf.for %scan3A_177 = %scan3A_41 to %scan3A_43 step %scan3A_44 iter_args(%scan3A_178 = %broadcast_in_dim3A_40) -> (vector<512x1xf32>)  : i32 {
      %mul3A = arith.constant 512 : i32
      %mul3A_179 = arith.muli %scan3A_177, %mul3A : i32
      %multiple_of3A = tpu.assume_multiple %mul3A_179, 512 : i32
      %get3A_180 = arith.constant 4 : index
      %get3A_181 = arith.index_cast %multiple_of3A : i32 to index
      %get3A_182 = vector.load %arg0[%get3A_180, %get3A_181] : memref<8x5120xf32, #tpu.memory_space<vmem>>, vector<1x512xf32>
      %mul3A_183 = arith.constant 512 : i32
      %mul3A_184 = arith.muli %scan3A_177, %mul3A_183 : i32
      %add3A_185 = vector.broadcast %mul3A_184 : i32 to vector<1x512xi32>
      %add3A_186 = arith.addi %iota3A, %add3A_185 : vector<1x512xi32>
      %gt3A = vector.broadcast %get3A_182 : vector<1x512xf32> to vector<512x512xf32>
      %gt3A_187 = vector.broadcast %get3A_35 : vector<512x1xf32> to vector<512x512xf32>
      %gt3A_188 = arith.cmpf ogt, %gt3A, %gt3A_187 : vector<512x512xf32>
      %eq3A = vector.broadcast %get3A_182 : vector<1x512xf32> to vector<512x512xf32>
      %eq3A_189 = vector.broadcast %get3A_35 : vector<512x1xf32> to vector<512x512xf32>
      %eq3A_190 = arith.cmpf oeq, %eq3A, %eq3A_189 : vector<512x512xf32>
      %lt3A = vector.broadcast %add3A_186 : vector<1x512xi32> to vector<512x512xi32>
      %lt3A_191 = vector.broadcast %add3A_38 : vector<512x1xi32> to vector<512x512xi32>
      %lt3A_192 = arith.cmpi slt, %lt3A, %lt3A_191 : vector<512x512xi32>
      %and3A = arith.andi %eq3A_190, %lt3A_192 : vector<512x512xi1>
      %or3A = arith.ori %gt3A_188, %and3A : vector<512x512xi1>
      %jit3A = arith.constant 1.000000e+00 : f32
      %jit3A_193 = arith.constant 0.000000e+00 : f32
      %broadcast_in_dim3A_194 = vector.broadcast %jit3A : f32 to vector<512x512xf32>
      %broadcast_in_dim3A_195 = vector.broadcast %jit3A_193 : f32 to vector<512x512xf32>
      %select_n3A = arith.select %or3A, %broadcast_in_dim3A_194, %broadcast_in_dim3A_195 : vector<512x512xi1>, vector<512x512xf32>
      %dot_general3A = arith.constant dense<0.000000e+00> : vector<512x1xf32>
      %dot_general3A_196 = tpu.matmul %select_n3A, %broadcast_in_dim3A_1, %dot_general3A {dimension_numbers = #tpu.dot_dimension_numbers<[1], [0], [0], [1], [0, 0, 1, 1], [], []>, transpose_lhs_hint = false} : vector<512x512xf32>, vector<512x1xf32>, vector<512x1xf32> -> vector<512x1xf32>
      %add3A_197 = arith.addf %scan3A_178, %dot_general3A_196 : vector<512x1xf32>
      scf.yield %add3A_197 : vector<512x1xf32>
    }
    %scan3A_46 = arith.constant 10 : i32
    %convert_element_type3A_47 = arith.fptosi %scan3A_45 : vector<512x1xf32> to vector<512x1xi32>
    %swap3A_48 = arith.constant 1024 : index
    %swap3A_49 = arith.constant 0 : index
    %swap3A_50 = vector.load %arg2[%swap3A_48, %swap3A_49] : memref<5120x1xi32, #tpu.memory_space<vmem>>, vector<512x1xi32>
    tpu.vector_store %arg2[%swap3A_48, %swap3A_49], %convert_element_type3A_47 {strides = array<i32>} : memref<5120x1xi32, #tpu.memory_space<vmem>>, vector<512x1xi32>,
    %get3A_51 = arith.constant 1536 : index
    %get3A_52 = arith.constant 4 : index
    %get3A_53 = vector.load %arg1[%get3A_51, %get3A_52] : memref<5120x8xf32, #tpu.memory_space<vmem>>, vector<512x1xf32>
    %add3A_54 = arith.constant 1536 : i32
    %add3A_55 = vector.broadcast %add3A_54 : i32 to vector<512x1xi32>
    %add3A_56 = arith.addi %iota3A_0, %add3A_55 : vector<512x1xi32>
    %broadcast_in_dim3A_57 = arith.constant 0.000000e+00 : f32
    %broadcast_in_dim3A_58 = vector.broadcast %broadcast_in_dim3A_57 : f32 to vector<512x1xf32>
    %scan3A_59 = arith.constant 0 : i32
    %scan3A_60 = arith.constant 10 : i32
    %scan3A_61 = arith.addi %scan3A_59, %scan3A_60 : i32
    %scan3A_62 = arith.constant 1 : i32
    %scan3A_63 = scf.for %scan3A_177 = %scan3A_59 to %scan3A_61 step %scan3A_62 iter_args(%scan3A_178 = %broadcast_in_dim3A_58) -> (vector<512x1xf32>)  : i32 {
      %mul3A = arith.constant 512 : i32
      %mul3A_179 = arith.muli %scan3A_177, %mul3A : i32
      %multiple_of3A = tpu.assume_multiple %mul3A_179, 512 : i32
      %get3A_180 = arith.constant 4 : index
      %get3A_181 = arith.index_cast %multiple_of3A : i32 to index
      %get3A_182 = vector.load %arg0[%get3A_180, %get3A_181] : memref<8x5120xf32, #tpu.memory_space<vmem>>, vector<1x512xf32>
      %mul3A_183 = arith.constant 512 : i32
      %mul3A_184 = arith.muli %scan3A_177, %mul3A_183 : i32
      %add3A_185 = vector.broadcast %mul3A_184 : i32 to vector<1x512xi32>
      %add3A_186 = arith.addi %iota3A, %add3A_185 : vector<1x512xi32>
      %gt3A = vector.broadcast %get3A_182 : vector<1x512xf32> to vector<512x512xf32>
      %gt3A_187 = vector.broadcast %get3A_53 : vector<512x1xf32> to vector<512x512xf32>
      %gt3A_188 = arith.cmpf ogt, %gt3A, %gt3A_187 : vector<512x512xf32>
      %eq3A = vector.broadcast %get3A_182 : vector<1x512xf32> to vector<512x512xf32>
      %eq3A_189 = vector.broadcast %get3A_53 : vector<512x1xf32> to vector<512x512xf32>
      %eq3A_190 = arith.cmpf oeq, %eq3A, %eq3A_189 : vector<512x512xf32>
      %lt3A = vector.broadcast %add3A_186 : vector<1x512xi32> to vector<512x512xi32>
      %lt3A_191 = vector.broadcast %add3A_56 : vector<512x1xi32> to vector<512x512xi32>
      %lt3A_192 = arith.cmpi slt, %lt3A, %lt3A_191 : vector<512x512xi32>
      %and3A = arith.andi %eq3A_190, %lt3A_192 : vector<512x512xi1>
      %or3A = arith.ori %gt3A_188, %and3A : vector<512x512xi1>
      %jit3A = arith.constant 1.000000e+00 : f32
      %jit3A_193 = arith.constant 0.000000e+00 : f32
      %broadcast_in_dim3A_194 = vector.broadcast %jit3A : f32 to vector<512x512xf32>
      %broadcast_in_dim3A_195 = vector.broadcast %jit3A_193 : f32 to vector<512x512xf32>
      %select_n3A = arith.select %or3A, %broadcast_in_dim3A_194, %broadcast_in_dim3A_195 : vector<512x512xi1>, vector<512x512xf32>
      %dot_general3A = arith.constant dense<0.000000e+00> : vector<512x1xf32>
      %dot_general3A_196 = tpu.matmul %select_n3A, %broadcast_in_dim3A_1, %dot_general3A {dimension_numbers = #tpu.dot_dimension_numbers<[1], [0], [0], [1], [0, 0, 1, 1], [], []>, transpose_lhs_hint = false} : vector<512x512xf32>, vector<512x1xf32>, vector<512x1xf32> -> vector<512x1xf32>
      %add3A_197 = arith.addf %scan3A_178, %dot_general3A_196 : vector<512x1xf32>
      scf.yield %add3A_197 : vector<512x1xf32>
    }
    %scan3A_64 = arith.constant 10 : i32
    %convert_element_type3A_65 = arith.fptosi %scan3A_63 : vector<512x1xf32> to vector<512x1xi32>
    %swap3A_66 = arith.constant 1536 : index
    %swap3A_67 = arith.constant 0 : index
    %swap3A_68 = vector.load %arg2[%swap3A_66, %swap3A_67] : memref<5120x1xi32, #tpu.memory_space<vmem>>, vector<512x1xi32>
    tpu.vector_store %arg2[%swap3A_66, %swap3A_67], %convert_element_type3A_65 {strides = array<i32>} : memref<5120x1xi32, #tpu.memory_space<vmem>>, vector<512x1xi32>,
    %get3A_69 = arith.constant 2048 : index
    %get3A_70 = arith.constant 4 : index
    %get3A_71 = vector.load %arg1[%get3A_69, %get3A_70] : memref<5120x8xf32, #tpu.memory_space<vmem>>, vector<512x1xf32>
    %add3A_72 = arith.constant 2048 : i32
    %add3A_73 = vector.broadcast %add3A_72 : i32 to vector<512x1xi32>
    %add3A_74 = arith.addi %iota3A_0, %add3A_73 : vector<512x1xi32>
    %broadcast_in_dim3A_75 = arith.constant 0.000000e+00 : f32
    %broadcast_in_dim3A_76 = vector.broadcast %broadcast_in_dim3A_75 : f32 to vector<512x1xf32>
    %scan3A_77 = arith.constant 0 : i32
    %scan3A_78 = arith.constant 10 : i32
    %scan3A_79 = arith.addi %scan3A_77, %scan3A_78 : i32
    %scan3A_80 = arith.constant 1 : i32
    %scan3A_81 = scf.for %scan3A_177 = %scan3A_77 to %scan3A_79 step %scan3A_80 iter_args(%scan3A_178 = %broadcast_in_dim3A_76) -> (vector<512x1xf32>)  : i32 {
      %mul3A = arith.constant 512 : i32
      %mul3A_179 = arith.muli %scan3A_177, %mul3A : i32
      %multiple_of3A = tpu.assume_multiple %mul3A_179, 512 : i32
      %get3A_180 = arith.constant 4 : index
      %get3A_181 = arith.index_cast %multiple_of3A : i32 to index
      %get3A_182 = vector.load %arg0[%get3A_180, %get3A_181] : memref<8x5120xf32, #tpu.memory_space<vmem>>, vector<1x512xf32>
      %mul3A_183 = arith.constant 512 : i32
      %mul3A_184 = arith.muli %scan3A_177, %mul3A_183 : i32
      %add3A_185 = vector.broadcast %mul3A_184 : i32 to vector<1x512xi32>
      %add3A_186 = arith.addi %iota3A, %add3A_185 : vector<1x512xi32>
      %gt3A = vector.broadcast %get3A_182 : vector<1x512xf32> to vector<512x512xf32>
      %gt3A_187 = vector.broadcast %get3A_71 : vector<512x1xf32> to vector<512x512xf32>
      %gt3A_188 = arith.cmpf ogt, %gt3A, %gt3A_187 : vector<512x512xf32>
      %eq3A = vector.broadcast %get3A_182 : vector<1x512xf32> to vector<512x512xf32>
      %eq3A_189 = vector.broadcast %get3A_71 : vector<512x1xf32> to vector<512x512xf32>
      %eq3A_190 = arith.cmpf oeq, %eq3A, %eq3A_189 : vector<512x512xf32>
      %lt3A = vector.broadcast %add3A_186 : vector<1x512xi32> to vector<512x512xi32>
      %lt3A_191 = vector.broadcast %add3A_74 : vector<512x1xi32> to vector<512x512xi32>
      %lt3A_192 = arith.cmpi slt, %lt3A, %lt3A_191 : vector<512x512xi32>
      %and3A = arith.andi %eq3A_190, %lt3A_192 : vector<512x512xi1>
      %or3A = arith.ori %gt3A_188, %and3A : vector<512x512xi1>
      %jit3A = arith.constant 1.000000e+00 : f32
      %jit3A_193 = arith.constant 0.000000e+00 : f32
      %broadcast_in_dim3A_194 = vector.broadcast %jit3A : f32 to vector<512x512xf32>
      %broadcast_in_dim3A_195 = vector.broadcast %jit3A_193 : f32 to vector<512x512xf32>
      %select_n3A = arith.select %or3A, %broadcast_in_dim3A_194, %broadcast_in_dim3A_195 : vector<512x512xi1>, vector<512x512xf32>
      %dot_general3A = arith.constant dense<0.000000e+00> : vector<512x1xf32>
      %dot_general3A_196 = tpu.matmul %select_n3A, %broadcast_in_dim3A_1, %dot_general3A {dimension_numbers = #tpu.dot_dimension_numbers<[1], [0], [0], [1], [0, 0, 1, 1], [], []>, transpose_lhs_hint = false} : vector<512x512xf32>, vector<512x1xf32>, vector<512x1xf32> -> vector<512x1xf32>
      %add3A_197 = arith.addf %scan3A_178, %dot_general3A_196 : vector<512x1xf32>
      scf.yield %add3A_197 : vector<512x1xf32>
    }
    %scan3A_82 = arith.constant 10 : i32
    %convert_element_type3A_83 = arith.fptosi %scan3A_81 : vector<512x1xf32> to vector<512x1xi32>
    %swap3A_84 = arith.constant 2048 : index
    %swap3A_85 = arith.constant 0 : index
    %swap3A_86 = vector.load %arg2[%swap3A_84, %swap3A_85] : memref<5120x1xi32, #tpu.memory_space<vmem>>, vector<512x1xi32>
    tpu.vector_store %arg2[%swap3A_84, %swap3A_85], %convert_element_type3A_83 {strides = array<i32>} : memref<5120x1xi32, #tpu.memory_space<vmem>>, vector<512x1xi32>,
    %get3A_87 = arith.constant 2560 : index
    %get3A_88 = arith.constant 4 : index
    %get3A_89 = vector.load %arg1[%get3A_87, %get3A_88] : memref<5120x8xf32, #tpu.memory_space<vmem>>, vector<512x1xf32>
    %add3A_90 = arith.constant 2560 : i32
    %add3A_91 = vector.broadcast %add3A_90 : i32 to vector<512x1xi32>
    %add3A_92 = arith.addi %iota3A_0, %add3A_91 : vector<512x1xi32>
    %broadcast_in_dim3A_93 = arith.constant 0.000000e+00 : f32
    %broadcast_in_dim3A_94 = vector.broadcast %broadcast_in_dim3A_93 : f32 to vector<512x1xf32>
    %scan3A_95 = arith.constant 0 : i32
    %scan3A_96 = arith.constant 10 : i32
    %scan3A_97 = arith.addi %scan3A_95, %scan3A_96 : i32
    %scan3A_98 = arith.constant 1 : i32
    %scan3A_99 = scf.for %scan3A_177 = %scan3A_95 to %scan3A_97 step %scan3A_98 iter_args(%scan3A_178 = %broadcast_in_dim3A_94) -> (vector<512x1xf32>)  : i32 {
      %mul3A = arith.constant 512 : i32
      %mul3A_179 = arith.muli %scan3A_177, %mul3A : i32
      %multiple_of3A = tpu.assume_multiple %mul3A_179, 512 : i32
      %get3A_180 = arith.constant 4 : index
      %get3A_181 = arith.index_cast %multiple_of3A : i32 to index
      %get3A_182 = vector.load %arg0[%get3A_180, %get3A_181] : memref<8x5120xf32, #tpu.memory_space<vmem>>, vector<1x512xf32>
      %mul3A_183 = arith.constant 512 : i32
      %mul3A_184 = arith.muli %scan3A_177, %mul3A_183 : i32
      %add3A_185 = vector.broadcast %mul3A_184 : i32 to vector<1x512xi32>
      %add3A_186 = arith.addi %iota3A, %add3A_185 : vector<1x512xi32>
      %gt3A = vector.broadcast %get3A_182 : vector<1x512xf32> to vector<512x512xf32>
      %gt3A_187 = vector.broadcast %get3A_89 : vector<512x1xf32> to vector<512x512xf32>
      %gt3A_188 = arith.cmpf ogt, %gt3A, %gt3A_187 : vector<512x512xf32>
      %eq3A = vector.broadcast %get3A_182 : vector<1x512xf32> to vector<512x512xf32>
      %eq3A_189 = vector.broadcast %get3A_89 : vector<512x1xf32> to vector<512x512xf32>
      %eq3A_190 = arith.cmpf oeq, %eq3A, %eq3A_189 : vector<512x512xf32>
      %lt3A = vector.broadcast %add3A_186 : vector<1x512xi32> to vector<512x512xi32>
      %lt3A_191 = vector.broadcast %add3A_92 : vector<512x1xi32> to vector<512x512xi32>
      %lt3A_192 = arith.cmpi slt, %lt3A, %lt3A_191 : vector<512x512xi32>
      %and3A = arith.andi %eq3A_190, %lt3A_192 : vector<512x512xi1>
      %or3A = arith.ori %gt3A_188, %and3A : vector<512x512xi1>
      %jit3A = arith.constant 1.000000e+00 : f32
      %jit3A_193 = arith.constant 0.000000e+00 : f32
      %broadcast_in_dim3A_194 = vector.broadcast %jit3A : f32 to vector<512x512xf32>
      %broadcast_in_dim3A_195 = vector.broadcast %jit3A_193 : f32 to vector<512x512xf32>
      %select_n3A = arith.select %or3A, %broadcast_in_dim3A_194, %broadcast_in_dim3A_195 : vector<512x512xi1>, vector<512x512xf32>
      %dot_general3A = arith.constant dense<0.000000e+00> : vector<512x1xf32>
      %dot_general3A_196 = tpu.matmul %select_n3A, %broadcast_in_dim3A_1, %dot_general3A {dimension_numbers = #tpu.dot_dimension_numbers<[1], [0], [0], [1], [0, 0, 1, 1], [], []>, transpose_lhs_hint = false} : vector<512x512xf32>, vector<512x1xf32>, vector<512x1xf32> -> vector<512x1xf32>
      %add3A_197 = arith.addf %scan3A_178, %dot_general3A_196 : vector<512x1xf32>
      scf.yield %add3A_197 : vector<512x1xf32>
    }
    %scan3A_100 = arith.constant 10 : i32
    %convert_element_type3A_101 = arith.fptosi %scan3A_99 : vector<512x1xf32> to vector<512x1xi32>
    %swap3A_102 = arith.constant 2560 : index
    %swap3A_103 = arith.constant 0 : index
    %swap3A_104 = vector.load %arg2[%swap3A_102, %swap3A_103] : memref<5120x1xi32, #tpu.memory_space<vmem>>, vector<512x1xi32>
    tpu.vector_store %arg2[%swap3A_102, %swap3A_103], %convert_element_type3A_101 {strides = array<i32>} : memref<5120x1xi32, #tpu.memory_space<vmem>>, vector<512x1xi32>,
    %get3A_105 = arith.constant 3072 : index
    %get3A_106 = arith.constant 4 : index
    %get3A_107 = vector.load %arg1[%get3A_105, %get3A_106] : memref<5120x8xf32, #tpu.memory_space<vmem>>, vector<512x1xf32>
    %add3A_108 = arith.constant 3072 : i32
    %add3A_109 = vector.broadcast %add3A_108 : i32 to vector<512x1xi32>
    %add3A_110 = arith.addi %iota3A_0, %add3A_109 : vector<512x1xi32>
    %broadcast_in_dim3A_111 = arith.constant 0.000000e+00 : f32
    %broadcast_in_dim3A_112 = vector.broadcast %broadcast_in_dim3A_111 : f32 to vector<512x1xf32>
    %scan3A_113 = arith.constant 0 : i32
    %scan3A_114 = arith.constant 10 : i32
    %scan3A_115 = arith.addi %scan3A_113, %scan3A_114 : i32
    %scan3A_116 = arith.constant 1 : i32
    %scan3A_117 = scf.for %scan3A_177 = %scan3A_113 to %scan3A_115 step %scan3A_116 iter_args(%scan3A_178 = %broadcast_in_dim3A_112) -> (vector<512x1xf32>)  : i32 {
      %mul3A = arith.constant 512 : i32
      %mul3A_179 = arith.muli %scan3A_177, %mul3A : i32
      %multiple_of3A = tpu.assume_multiple %mul3A_179, 512 : i32
      %get3A_180 = arith.constant 4 : index
      %get3A_181 = arith.index_cast %multiple_of3A : i32 to index
      %get3A_182 = vector.load %arg0[%get3A_180, %get3A_181] : memref<8x5120xf32, #tpu.memory_space<vmem>>, vector<1x512xf32>
      %mul3A_183 = arith.constant 512 : i32
      %mul3A_184 = arith.muli %scan3A_177, %mul3A_183 : i32
      %add3A_185 = vector.broadcast %mul3A_184 : i32 to vector<1x512xi32>
      %add3A_186 = arith.addi %iota3A, %add3A_185 : vector<1x512xi32>
      %gt3A = vector.broadcast %get3A_182 : vector<1x512xf32> to vector<512x512xf32>
      %gt3A_187 = vector.broadcast %get3A_107 : vector<512x1xf32> to vector<512x512xf32>
      %gt3A_188 = arith.cmpf ogt, %gt3A, %gt3A_187 : vector<512x512xf32>
      %eq3A = vector.broadcast %get3A_182 : vector<1x512xf32> to vector<512x512xf32>
      %eq3A_189 = vector.broadcast %get3A_107 : vector<512x1xf32> to vector<512x512xf32>
      %eq3A_190 = arith.cmpf oeq, %eq3A, %eq3A_189 : vector<512x512xf32>
      %lt3A = vector.broadcast %add3A_186 : vector<1x512xi32> to vector<512x512xi32>
      %lt3A_191 = vector.broadcast %add3A_110 : vector<512x1xi32> to vector<512x512xi32>
      %lt3A_192 = arith.cmpi slt, %lt3A, %lt3A_191 : vector<512x512xi32>
      %and3A = arith.andi %eq3A_190, %lt3A_192 : vector<512x512xi1>
      %or3A = arith.ori %gt3A_188, %and3A : vector<512x512xi1>
      %jit3A = arith.constant 1.000000e+00 : f32
      %jit3A_193 = arith.constant 0.000000e+00 : f32
      %broadcast_in_dim3A_194 = vector.broadcast %jit3A : f32 to vector<512x512xf32>
      %broadcast_in_dim3A_195 = vector.broadcast %jit3A_193 : f32 to vector<512x512xf32>
      %select_n3A = arith.select %or3A, %broadcast_in_dim3A_194, %broadcast_in_dim3A_195 : vector<512x512xi1>, vector<512x512xf32>
      %dot_general3A = arith.constant dense<0.000000e+00> : vector<512x1xf32>
      %dot_general3A_196 = tpu.matmul %select_n3A, %broadcast_in_dim3A_1, %dot_general3A {dimension_numbers = #tpu.dot_dimension_numbers<[1], [0], [0], [1], [0, 0, 1, 1], [], []>, transpose_lhs_hint = false} : vector<512x512xf32>, vector<512x1xf32>, vector<512x1xf32> -> vector<512x1xf32>
      %add3A_197 = arith.addf %scan3A_178, %dot_general3A_196 : vector<512x1xf32>
      scf.yield %add3A_197 : vector<512x1xf32>
    }
    %scan3A_118 = arith.constant 10 : i32
    %convert_element_type3A_119 = arith.fptosi %scan3A_117 : vector<512x1xf32> to vector<512x1xi32>
    %swap3A_120 = arith.constant 3072 : index
    %swap3A_121 = arith.constant 0 : index
    %swap3A_122 = vector.load %arg2[%swap3A_120, %swap3A_121] : memref<5120x1xi32, #tpu.memory_space<vmem>>, vector<512x1xi32>
    tpu.vector_store %arg2[%swap3A_120, %swap3A_121], %convert_element_type3A_119 {strides = array<i32>} : memref<5120x1xi32, #tpu.memory_space<vmem>>, vector<512x1xi32>,
    %get3A_123 = arith.constant 3584 : index
    %get3A_124 = arith.constant 4 : index
    %get3A_125 = vector.load %arg1[%get3A_123, %get3A_124] : memref<5120x8xf32, #tpu.memory_space<vmem>>, vector<512x1xf32>
    %add3A_126 = arith.constant 3584 : i32
    %add3A_127 = vector.broadcast %add3A_126 : i32 to vector<512x1xi32>
    %add3A_128 = arith.addi %iota3A_0, %add3A_127 : vector<512x1xi32>
    %broadcast_in_dim3A_129 = arith.constant 0.000000e+00 : f32
    %broadcast_in_dim3A_130 = vector.broadcast %broadcast_in_dim3A_129 : f32 to vector<512x1xf32>
    %scan3A_131 = arith.constant 0 : i32
    %scan3A_132 = arith.constant 10 : i32
    %scan3A_133 = arith.addi %scan3A_131, %scan3A_132 : i32
    %scan3A_134 = arith.constant 1 : i32
    %scan3A_135 = scf.for %scan3A_177 = %scan3A_131 to %scan3A_133 step %scan3A_134 iter_args(%scan3A_178 = %broadcast_in_dim3A_130) -> (vector<512x1xf32>)  : i32 {
      %mul3A = arith.constant 512 : i32
      %mul3A_179 = arith.muli %scan3A_177, %mul3A : i32
      %multiple_of3A = tpu.assume_multiple %mul3A_179, 512 : i32
      %get3A_180 = arith.constant 4 : index
      %get3A_181 = arith.index_cast %multiple_of3A : i32 to index
      %get3A_182 = vector.load %arg0[%get3A_180, %get3A_181] : memref<8x5120xf32, #tpu.memory_space<vmem>>, vector<1x512xf32>
      %mul3A_183 = arith.constant 512 : i32
      %mul3A_184 = arith.muli %scan3A_177, %mul3A_183 : i32
      %add3A_185 = vector.broadcast %mul3A_184 : i32 to vector<1x512xi32>
      %add3A_186 = arith.addi %iota3A, %add3A_185 : vector<1x512xi32>
      %gt3A = vector.broadcast %get3A_182 : vector<1x512xf32> to vector<512x512xf32>
      %gt3A_187 = vector.broadcast %get3A_125 : vector<512x1xf32> to vector<512x512xf32>
      %gt3A_188 = arith.cmpf ogt, %gt3A, %gt3A_187 : vector<512x512xf32>
      %eq3A = vector.broadcast %get3A_182 : vector<1x512xf32> to vector<512x512xf32>
      %eq3A_189 = vector.broadcast %get3A_125 : vector<512x1xf32> to vector<512x512xf32>
      %eq3A_190 = arith.cmpf oeq, %eq3A, %eq3A_189 : vector<512x512xf32>
      %lt3A = vector.broadcast %add3A_186 : vector<1x512xi32> to vector<512x512xi32>
      %lt3A_191 = vector.broadcast %add3A_128 : vector<512x1xi32> to vector<512x512xi32>
      %lt3A_192 = arith.cmpi slt, %lt3A, %lt3A_191 : vector<512x512xi32>
      %and3A = arith.andi %eq3A_190, %lt3A_192 : vector<512x512xi1>
      %or3A = arith.ori %gt3A_188, %and3A : vector<512x512xi1>
      %jit3A = arith.constant 1.000000e+00 : f32
      %jit3A_193 = arith.constant 0.000000e+00 : f32
      %broadcast_in_dim3A_194 = vector.broadcast %jit3A : f32 to vector<512x512xf32>
      %broadcast_in_dim3A_195 = vector.broadcast %jit3A_193 : f32 to vector<512x512xf32>
      %select_n3A = arith.select %or3A, %broadcast_in_dim3A_194, %broadcast_in_dim3A_195 : vector<512x512xi1>, vector<512x512xf32>
      %dot_general3A = arith.constant dense<0.000000e+00> : vector<512x1xf32>
      %dot_general3A_196 = tpu.matmul %select_n3A, %broadcast_in_dim3A_1, %dot_general3A {dimension_numbers = #tpu.dot_dimension_numbers<[1], [0], [0], [1], [0, 0, 1, 1], [], []>, transpose_lhs_hint = false} : vector<512x512xf32>, vector<512x1xf32>, vector<512x1xf32> -> vector<512x1xf32>
      %add3A_197 = arith.addf %scan3A_178, %dot_general3A_196 : vector<512x1xf32>
      scf.yield %add3A_197 : vector<512x1xf32>
    }
    %scan3A_136 = arith.constant 10 : i32
    %convert_element_type3A_137 = arith.fptosi %scan3A_135 : vector<512x1xf32> to vector<512x1xi32>
    %swap3A_138 = arith.constant 3584 : index
    %swap3A_139 = arith.constant 0 : index
    %swap3A_140 = vector.load %arg2[%swap3A_138, %swap3A_139] : memref<5120x1xi32, #tpu.memory_space<vmem>>, vector<512x1xi32>
    tpu.vector_store %arg2[%swap3A_138, %swap3A_139], %convert_element_type3A_137 {strides = array<i32>} : memref<5120x1xi32, #tpu.memory_space<vmem>>, vector<512x1xi32>,
    %get3A_141 = arith.constant 4096 : index
    %get3A_142 = arith.constant 4 : index
    %get3A_143 = vector.load %arg1[%get3A_141, %get3A_142] : memref<5120x8xf32, #tpu.memory_space<vmem>>, vector<512x1xf32>
    %add3A_144 = arith.constant 4096 : i32
    %add3A_145 = vector.broadcast %add3A_144 : i32 to vector<512x1xi32>
    %add3A_146 = arith.addi %iota3A_0, %add3A_145 : vector<512x1xi32>
    %broadcast_in_dim3A_147 = arith.constant 0.000000e+00 : f32
    %broadcast_in_dim3A_148 = vector.broadcast %broadcast_in_dim3A_147 : f32 to vector<512x1xf32>
    %scan3A_149 = arith.constant 0 : i32
    %scan3A_150 = arith.constant 10 : i32
    %scan3A_151 = arith.addi %scan3A_149, %scan3A_150 : i32
    %scan3A_152 = arith.constant 1 : i32
    %scan3A_153 = scf.for %scan3A_177 = %scan3A_149 to %scan3A_151 step %scan3A_152 iter_args(%scan3A_178 = %broadcast_in_dim3A_148) -> (vector<512x1xf32>)  : i32 {
      %mul3A = arith.constant 512 : i32
      %mul3A_179 = arith.muli %scan3A_177, %mul3A : i32
      %multiple_of3A = tpu.assume_multiple %mul3A_179, 512 : i32
      %get3A_180 = arith.constant 4 : index
      %get3A_181 = arith.index_cast %multiple_of3A : i32 to index
      %get3A_182 = vector.load %arg0[%get3A_180, %get3A_181] : memref<8x5120xf32, #tpu.memory_space<vmem>>, vector<1x512xf32>
      %mul3A_183 = arith.constant 512 : i32
      %mul3A_184 = arith.muli %scan3A_177, %mul3A_183 : i32
      %add3A_185 = vector.broadcast %mul3A_184 : i32 to vector<1x512xi32>
      %add3A_186 = arith.addi %iota3A, %add3A_185 : vector<1x512xi32>
      %gt3A = vector.broadcast %get3A_182 : vector<1x512xf32> to vector<512x512xf32>
      %gt3A_187 = vector.broadcast %get3A_143 : vector<512x1xf32> to vector<512x512xf32>
      %gt3A_188 = arith.cmpf ogt, %gt3A, %gt3A_187 : vector<512x512xf32>
      %eq3A = vector.broadcast %get3A_182 : vector<1x512xf32> to vector<512x512xf32>
      %eq3A_189 = vector.broadcast %get3A_143 : vector<512x1xf32> to vector<512x512xf32>
      %eq3A_190 = arith.cmpf oeq, %eq3A, %eq3A_189 : vector<512x512xf32>
      %lt3A = vector.broadcast %add3A_186 : vector<1x512xi32> to vector<512x512xi32>
      %lt3A_191 = vector.broadcast %add3A_146 : vector<512x1xi32> to vector<512x512xi32>
      %lt3A_192 = arith.cmpi slt, %lt3A, %lt3A_191 : vector<512x512xi32>
      %and3A = arith.andi %eq3A_190, %lt3A_192 : vector<512x512xi1>
      %or3A = arith.ori %gt3A_188, %and3A : vector<512x512xi1>
      %jit3A = arith.constant 1.000000e+00 : f32
      %jit3A_193 = arith.constant 0.000000e+00 : f32
      %broadcast_in_dim3A_194 = vector.broadcast %jit3A : f32 to vector<512x512xf32>
      %broadcast_in_dim3A_195 = vector.broadcast %jit3A_193 : f32 to vector<512x512xf32>
      %select_n3A = arith.select %or3A, %broadcast_in_dim3A_194, %broadcast_in_dim3A_195 : vector<512x512xi1>, vector<512x512xf32>
      %dot_general3A = arith.constant dense<0.000000e+00> : vector<512x1xf32>
      %dot_general3A_196 = tpu.matmul %select_n3A, %broadcast_in_dim3A_1, %dot_general3A {dimension_numbers = #tpu.dot_dimension_numbers<[1], [0], [0], [1], [0, 0, 1, 1], [], []>, transpose_lhs_hint = false} : vector<512x512xf32>, vector<512x1xf32>, vector<512x1xf32> -> vector<512x1xf32>
      %add3A_197 = arith.addf %scan3A_178, %dot_general3A_196 : vector<512x1xf32>
      scf.yield %add3A_197 : vector<512x1xf32>
    }
    %scan3A_154 = arith.constant 10 : i32
    %convert_element_type3A_155 = arith.fptosi %scan3A_153 : vector<512x1xf32> to vector<512x1xi32>
    %swap3A_156 = arith.constant 4096 : index
    %swap3A_157 = arith.constant 0 : index
    %swap3A_158 = vector.load %arg2[%swap3A_156, %swap3A_157] : memref<5120x1xi32, #tpu.memory_space<vmem>>, vector<512x1xi32>
    tpu.vector_store %arg2[%swap3A_156, %swap3A_157], %convert_element_type3A_155 {strides = array<i32>} : memref<5120x1xi32, #tpu.memory_space<vmem>>, vector<512x1xi32>,
    %get3A_159 = arith.constant 4608 : index
    %get3A_160 = arith.constant 4 : index
    %get3A_161 = vector.load %arg1[%get3A_159, %get3A_160] : memref<5120x8xf32, #tpu.memory_space<vmem>>, vector<512x1xf32>
    %add3A_162 = arith.constant 4608 : i32
    %add3A_163 = vector.broadcast %add3A_162 : i32 to vector<512x1xi32>
    %add3A_164 = arith.addi %iota3A_0, %add3A_163 : vector<512x1xi32>
    %broadcast_in_dim3A_165 = arith.constant 0.000000e+00 : f32
    %broadcast_in_dim3A_166 = vector.broadcast %broadcast_in_dim3A_165 : f32 to vector<512x1xf32>
    %scan3A_167 = arith.constant 0 : i32
    %scan3A_168 = arith.constant 10 : i32
    %scan3A_169 = arith.addi %scan3A_167, %scan3A_168 : i32
    %scan3A_170 = arith.constant 1 : i32
    %scan3A_171 = scf.for %scan3A_177 = %scan3A_167 to %scan3A_169 step %scan3A_170 iter_args(%scan3A_178 = %broadcast_in_dim3A_166) -> (vector<512x1xf32>)  : i32 {
      %mul3A = arith.constant 512 : i32
      %mul3A_179 = arith.muli %scan3A_177, %mul3A : i32
      %multiple_of3A = tpu.assume_multiple %mul3A_179, 512 : i32
      %get3A_180 = arith.constant 4 : index
      %get3A_181 = arith.index_cast %multiple_of3A : i32 to index
      %get3A_182 = vector.load %arg0[%get3A_180, %get3A_181] : memref<8x5120xf32, #tpu.memory_space<vmem>>, vector<1x512xf32>
      %mul3A_183 = arith.constant 512 : i32
      %mul3A_184 = arith.muli %scan3A_177, %mul3A_183 : i32
      %add3A_185 = vector.broadcast %mul3A_184 : i32 to vector<1x512xi32>
      %add3A_186 = arith.addi %iota3A, %add3A_185 : vector<1x512xi32>
      %gt3A = vector.broadcast %get3A_182 : vector<1x512xf32> to vector<512x512xf32>
      %gt3A_187 = vector.broadcast %get3A_161 : vector<512x1xf32> to vector<512x512xf32>
      %gt3A_188 = arith.cmpf ogt, %gt3A, %gt3A_187 : vector<512x512xf32>
      %eq3A = vector.broadcast %get3A_182 : vector<1x512xf32> to vector<512x512xf32>
      %eq3A_189 = vector.broadcast %get3A_161 : vector<512x1xf32> to vector<512x512xf32>
      %eq3A_190 = arith.cmpf oeq, %eq3A, %eq3A_189 : vector<512x512xf32>
      %lt3A = vector.broadcast %add3A_186 : vector<1x512xi32> to vector<512x512xi32>
      %lt3A_191 = vector.broadcast %add3A_164 : vector<512x1xi32> to vector<512x512xi32>
      %lt3A_192 = arith.cmpi slt, %lt3A, %lt3A_191 : vector<512x512xi32>
      %and3A = arith.andi %eq3A_190, %lt3A_192 : vector<512x512xi1>
      %or3A = arith.ori %gt3A_188, %and3A : vector<512x512xi1>
      %jit3A = arith.constant 1.000000e+00 : f32
      %jit3A_193 = arith.constant 0.000000e+00 : f32
      %broadcast_in_dim3A_194 = vector.broadcast %jit3A : f32 to vector<512x512xf32>
      %broadcast_in_dim3A_195 = vector.broadcast %jit3A_193 : f32 to vector<512x512xf32>
      %select_n3A = arith.select %or3A, %broadcast_in_dim3A_194, %broadcast_in_dim3A_195 : vector<512x512xi1>, vector<512x512xf32>
      %dot_general3A = arith.constant dense<0.000000e+00> : vector<512x1xf32>
      %dot_general3A_196 = tpu.matmul %select_n3A, %broadcast_in_dim3A_1, %dot_general3A {dimension_numbers = #tpu.dot_dimension_numbers<[1], [0], [0], [1], [0, 0, 1, 1], [], []>, transpose_lhs_hint = false} : vector<512x512xf32>, vector<512x1xf32>, vector<512x1xf32> -> vector<512x1xf32>
      %add3A_197 = arith.addf %scan3A_178, %dot_general3A_196 : vector<512x1xf32>
      scf.yield %add3A_197 : vector<512x1xf32>
    }
    %scan3A_172 = arith.constant 10 : i32
    %convert_element_type3A_173 = arith.fptosi %scan3A_171 : vector<512x1xf32> to vector<512x1xi32>
    %swap3A_174 = arith.constant 4608 : index
    %swap3A_175 = arith.constant 0 : index
    %swap3A_176 = vector.load %arg2[%swap3A_174, %swap3A_175] : memref<5120x1xi32, #tpu.memory_space<vmem>>, vector<512x1xi32>
    tpu.vector_store %arg2[%swap3A_174, %swap3A_175], %convert_element_type3A_173 {strides = array<i32>} : memref<5120x1xi32, #tpu.memory_space<vmem>>, vector<512x1xi32>,
    return
  }
}

module attributes {stable_mosaic.version = 14 : i64} {
  func.func @_nms_kernel(%arg0: memref<5120x128xf32, #tpu.memory_space<vmem>>, %arg1: memref<8x5120xf32, #tpu.memory_space<vmem>>, %arg2: memref<1x5120xf32, #tpu.memory_space<vmem>>, %arg3: memref<512x512xf32, #tpu.memory_space<vmem>>) attributes {dimension_semantics = [], scalar_prefetch = 0 : i64, scratch_operands = 2 : i64, tpu.core_type = #tpu.core_type<tc>} {
    %get3A = arith.constant 0 : index
    %get3A_0 = arith.constant 0 : index
    %get3A_1 = vector.load %arg0[%get3A, %get3A_0] : memref<5120x128xf32, #tpu.memory_space<vmem>>, vector<512x8xf32>
    %transpose3A = tpu.transpose %get3A_1, [1, 0] : vector<512x8xf32> -> vector<8x512xf32>
    %swap3A = arith.constant 0 : index
    %swap3A_2 = arith.constant 0 : index
    %swap3A_3 = vector.load %arg1[%swap3A, %swap3A_2] : memref<8x5120xf32, #tpu.memory_space<vmem>>, vector<8x512xf32>
    tpu.vector_store %arg1[%swap3A, %swap3A_2], %transpose3A {strides = array<i32>} : memref<8x5120xf32, #tpu.memory_space<vmem>>, vector<8x512xf32>,
    %get3A_4 = arith.constant 512 : index
    %get3A_5 = arith.constant 0 : index
    %get3A_6 = vector.load %arg0[%get3A_4, %get3A_5] : memref<5120x128xf32, #tpu.memory_space<vmem>>, vector<512x8xf32>
    %transpose3A_7 = tpu.transpose %get3A_6, [1, 0] : vector<512x8xf32> -> vector<8x512xf32>
    %swap3A_8 = arith.constant 0 : index
    %swap3A_9 = arith.constant 512 : index
    %swap3A_10 = vector.load %arg1[%swap3A_8, %swap3A_9] : memref<8x5120xf32, #tpu.memory_space<vmem>>, vector<8x512xf32>
    tpu.vector_store %arg1[%swap3A_8, %swap3A_9], %transpose3A_7 {strides = array<i32>} : memref<8x5120xf32, #tpu.memory_space<vmem>>, vector<8x512xf32>,
    %get3A_11 = arith.constant 1024 : index
    %get3A_12 = arith.constant 0 : index
    %get3A_13 = vector.load %arg0[%get3A_11, %get3A_12] : memref<5120x128xf32, #tpu.memory_space<vmem>>, vector<512x8xf32>
    %transpose3A_14 = tpu.transpose %get3A_13, [1, 0] : vector<512x8xf32> -> vector<8x512xf32>
    %swap3A_15 = arith.constant 0 : index
    %swap3A_16 = arith.constant 1024 : index
    %swap3A_17 = vector.load %arg1[%swap3A_15, %swap3A_16] : memref<8x5120xf32, #tpu.memory_space<vmem>>, vector<8x512xf32>
    tpu.vector_store %arg1[%swap3A_15, %swap3A_16], %transpose3A_14 {strides = array<i32>} : memref<8x5120xf32, #tpu.memory_space<vmem>>, vector<8x512xf32>,
    %get3A_18 = arith.constant 1536 : index
    %get3A_19 = arith.constant 0 : index
    %get3A_20 = vector.load %arg0[%get3A_18, %get3A_19] : memref<5120x128xf32, #tpu.memory_space<vmem>>, vector<512x8xf32>
    %transpose3A_21 = tpu.transpose %get3A_20, [1, 0] : vector<512x8xf32> -> vector<8x512xf32>
    %swap3A_22 = arith.constant 0 : index
    %swap3A_23 = arith.constant 1536 : index
    %swap3A_24 = vector.load %arg1[%swap3A_22, %swap3A_23] : memref<8x5120xf32, #tpu.memory_space<vmem>>, vector<8x512xf32>
    tpu.vector_store %arg1[%swap3A_22, %swap3A_23], %transpose3A_21 {strides = array<i32>} : memref<8x5120xf32, #tpu.memory_space<vmem>>, vector<8x512xf32>,
    %get3A_25 = arith.constant 2048 : index
    %get3A_26 = arith.constant 0 : index
    %get3A_27 = vector.load %arg0[%get3A_25, %get3A_26] : memref<5120x128xf32, #tpu.memory_space<vmem>>, vector<512x8xf32>
    %transpose3A_28 = tpu.transpose %get3A_27, [1, 0] : vector<512x8xf32> -> vector<8x512xf32>
    %swap3A_29 = arith.constant 0 : index
    %swap3A_30 = arith.constant 2048 : index
    %swap3A_31 = vector.load %arg1[%swap3A_29, %swap3A_30] : memref<8x5120xf32, #tpu.memory_space<vmem>>, vector<8x512xf32>
    tpu.vector_store %arg1[%swap3A_29, %swap3A_30], %transpose3A_28 {strides = array<i32>} : memref<8x5120xf32, #tpu.memory_space<vmem>>, vector<8x512xf32>,
    %get3A_32 = arith.constant 2560 : index
    %get3A_33 = arith.constant 0 : index
    %get3A_34 = vector.load %arg0[%get3A_32, %get3A_33] : memref<5120x128xf32, #tpu.memory_space<vmem>>, vector<512x8xf32>
    %transpose3A_35 = tpu.transpose %get3A_34, [1, 0] : vector<512x8xf32> -> vector<8x512xf32>
    %swap3A_36 = arith.constant 0 : index
    %swap3A_37 = arith.constant 2560 : index
    %swap3A_38 = vector.load %arg1[%swap3A_36, %swap3A_37] : memref<8x5120xf32, #tpu.memory_space<vmem>>, vector<8x512xf32>
    tpu.vector_store %arg1[%swap3A_36, %swap3A_37], %transpose3A_35 {strides = array<i32>} : memref<8x5120xf32, #tpu.memory_space<vmem>>, vector<8x512xf32>,
    %get3A_39 = arith.constant 3072 : index
    %get3A_40 = arith.constant 0 : index
    %get3A_41 = vector.load %arg0[%get3A_39, %get3A_40] : memref<5120x128xf32, #tpu.memory_space<vmem>>, vector<512x8xf32>
    %transpose3A_42 = tpu.transpose %get3A_41, [1, 0] : vector<512x8xf32> -> vector<8x512xf32>
    %swap3A_43 = arith.constant 0 : index
    %swap3A_44 = arith.constant 3072 : index
    %swap3A_45 = vector.load %arg1[%swap3A_43, %swap3A_44] : memref<8x5120xf32, #tpu.memory_space<vmem>>, vector<8x512xf32>
    tpu.vector_store %arg1[%swap3A_43, %swap3A_44], %transpose3A_42 {strides = array<i32>} : memref<8x5120xf32, #tpu.memory_space<vmem>>, vector<8x512xf32>,
    %get3A_46 = arith.constant 3584 : index
    %get3A_47 = arith.constant 0 : index
    %get3A_48 = vector.load %arg0[%get3A_46, %get3A_47] : memref<5120x128xf32, #tpu.memory_space<vmem>>, vector<512x8xf32>
    %transpose3A_49 = tpu.transpose %get3A_48, [1, 0] : vector<512x8xf32> -> vector<8x512xf32>
    %swap3A_50 = arith.constant 0 : index
    %swap3A_51 = arith.constant 3584 : index
    %swap3A_52 = vector.load %arg1[%swap3A_50, %swap3A_51] : memref<8x5120xf32, #tpu.memory_space<vmem>>, vector<8x512xf32>
    tpu.vector_store %arg1[%swap3A_50, %swap3A_51], %transpose3A_49 {strides = array<i32>} : memref<8x5120xf32, #tpu.memory_space<vmem>>, vector<8x512xf32>,
    %get3A_53 = arith.constant 4096 : index
    %get3A_54 = arith.constant 0 : index
    %get3A_55 = vector.load %arg0[%get3A_53, %get3A_54] : memref<5120x128xf32, #tpu.memory_space<vmem>>, vector<512x8xf32>
    %transpose3A_56 = tpu.transpose %get3A_55, [1, 0] : vector<512x8xf32> -> vector<8x512xf32>
    %swap3A_57 = arith.constant 0 : index
    %swap3A_58 = arith.constant 4096 : index
    %swap3A_59 = vector.load %arg1[%swap3A_57, %swap3A_58] : memref<8x5120xf32, #tpu.memory_space<vmem>>, vector<8x512xf32>
    tpu.vector_store %arg1[%swap3A_57, %swap3A_58], %transpose3A_56 {strides = array<i32>} : memref<8x5120xf32, #tpu.memory_space<vmem>>, vector<8x512xf32>,
    %get3A_60 = arith.constant 4608 : index
    %get3A_61 = arith.constant 0 : index
    %get3A_62 = vector.load %arg0[%get3A_60, %get3A_61] : memref<5120x128xf32, #tpu.memory_space<vmem>>, vector<512x8xf32>
    %transpose3A_63 = tpu.transpose %get3A_62, [1, 0] : vector<512x8xf32> -> vector<8x512xf32>
    %swap3A_64 = arith.constant 0 : index
    %swap3A_65 = arith.constant 4608 : index
    %swap3A_66 = vector.load %arg1[%swap3A_64, %swap3A_65] : memref<8x5120xf32, #tpu.memory_space<vmem>>, vector<8x512xf32>
    tpu.vector_store %arg1[%swap3A_64, %swap3A_65], %transpose3A_63 {strides = array<i32>} : memref<8x5120xf32, #tpu.memory_space<vmem>>, vector<8x512xf32>,
    %broadcast_in_dim3A = arith.constant 1.000000e+00 : f32
    %broadcast_in_dim3A_67 = vector.broadcast %broadcast_in_dim3A : f32 to vector<1x5120xf32>
    %swap3A_68 = arith.constant 0 : index
    %swap3A_69 = arith.constant 0 : index
    %swap3A_70 = vector.load %arg2[%swap3A_68, %swap3A_69] : memref<1x5120xf32, #tpu.memory_space<vmem>>, vector<1x5120xf32>
    tpu.vector_store %arg2[%swap3A_68, %swap3A_69], %broadcast_in_dim3A_67 {strides = array<i32>} : memref<1x5120xf32, #tpu.memory_space<vmem>>, vector<1x5120xf32>,
    %iota3A = tpu.iota {dimensions = array<i32: 1>} : vector<512x512xi32>
    %iota3A_71 = tpu.iota {dimensions = array<i32: 0>} : vector<512x512xi32>
    %gt3A = arith.cmpi sgt, %iota3A, %iota3A_71 : vector<512x512xi32>
    %get3A_72 = arith.constant 0 : index
    %get3A_73 = arith.constant 0 : index
    %get3A_74 = vector.load %arg0[%get3A_72, %get3A_73] : memref<5120x128xf32, #tpu.memory_space<vmem>>, vector<512x1xf32>
    %get3A_75 = arith.constant 0 : index
    %get3A_76 = arith.constant 1 : index
    %get3A_77 = vector.load %arg0[%get3A_75, %get3A_76] : memref<5120x128xf32, #tpu.memory_space<vmem>>, vector<512x1xf32>
    %get3A_78 = arith.constant 0 : index
    %get3A_79 = arith.constant 2 : index
    %get3A_80 = vector.load %arg0[%get3A_78, %get3A_79] : memref<5120x128xf32, #tpu.memory_space<vmem>>, vector<512x1xf32>
    %get3A_81 = arith.constant 0 : index
    %get3A_82 = arith.constant 3 : index
    %get3A_83 = vector.load %arg0[%get3A_81, %get3A_82] : memref<5120x128xf32, #tpu.memory_space<vmem>>, vector<512x1xf32>
    %sub3A = arith.subf %get3A_80, %get3A_74 : vector<512x1xf32>
    %add3A = arith.constant 1.000000e+00 : f32
    %add3A_84 = vector.broadcast %add3A : f32 to vector<512x1xf32>
    %add3A_85 = arith.addf %sub3A, %add3A_84 : vector<512x1xf32>
    %sub3A_86 = arith.subf %get3A_83, %get3A_77 : vector<512x1xf32>
    %add3A_87 = arith.constant 1.000000e+00 : f32
    %add3A_88 = vector.broadcast %add3A_87 : f32 to vector<512x1xf32>
    %add3A_89 = arith.addf %sub3A_86, %add3A_88 : vector<512x1xf32>
    %mul3A = arith.mulf %add3A_85, %add3A_89 : vector<512x1xf32>
    %get3A_90 = arith.constant 0 : index
    %get3A_91 = arith.constant 0 : index
    %get3A_92 = vector.load %arg1[%get3A_90, %get3A_91] : memref<8x5120xf32, #tpu.memory_space<vmem>>, vector<1x512xf32>
    %get3A_93 = arith.constant 1 : index
    %get3A_94 = arith.constant 0 : index
    %get3A_95 = vector.load %arg1[%get3A_93, %get3A_94] : memref<8x5120xf32, #tpu.memory_space<vmem>>, vector<1x512xf32>
    %get3A_96 = arith.constant 2 : index
    %get3A_97 = arith.constant 0 : index
    %get3A_98 = vector.load %arg1[%get3A_96, %get3A_97] : memref<8x5120xf32, #tpu.memory_space<vmem>>, vector<1x512xf32>
    %get3A_99 = arith.constant 3 : index
    %get3A_100 = arith.constant 0 : index
    %get3A_101 = vector.load %arg1[%get3A_99, %get3A_100] : memref<8x5120xf32, #tpu.memory_space<vmem>>, vector<1x512xf32>
    %sub3A_102 = arith.subf %get3A_98, %get3A_92 : vector<1x512xf32>
    %add3A_103 = arith.constant 1.000000e+00 : f32
    %add3A_104 = vector.broadcast %add3A_103 : f32 to vector<1x512xf32>
    %add3A_105 = arith.addf %sub3A_102, %add3A_104 : vector<1x512xf32>
    %sub3A_106 = arith.subf %get3A_101, %get3A_95 : vector<1x512xf32>
    %add3A_107 = arith.constant 1.000000e+00 : f32
    %add3A_108 = vector.broadcast %add3A_107 : f32 to vector<1x512xf32>
    %add3A_109 = arith.addf %sub3A_106, %add3A_108 : vector<1x512xf32>
    %mul3A_110 = arith.mulf %add3A_105, %add3A_109 : vector<1x512xf32>
    %max3A = vector.broadcast %get3A_74 : vector<512x1xf32> to vector<512x512xf32>
    %max3A_111 = vector.broadcast %get3A_92 : vector<1x512xf32> to vector<512x512xf32>
    %max3A_112 = arith.maximumf %max3A, %max3A_111 : vector<512x512xf32>
    %max3A_113 = vector.broadcast %get3A_77 : vector<512x1xf32> to vector<512x512xf32>
    %max3A_114 = vector.broadcast %get3A_95 : vector<1x512xf32> to vector<512x512xf32>
    %max3A_115 = arith.maximumf %max3A_113, %max3A_114 : vector<512x512xf32>
    %min3A = vector.broadcast %get3A_80 : vector<512x1xf32> to vector<512x512xf32>
    %min3A_116 = vector.broadcast %get3A_98 : vector<1x512xf32> to vector<512x512xf32>
    %min3A_117 = arith.minimumf %min3A, %min3A_116 : vector<512x512xf32>
    %min3A_118 = vector.broadcast %get3A_83 : vector<512x1xf32> to vector<512x512xf32>
    %min3A_119 = vector.broadcast %get3A_101 : vector<1x512xf32> to vector<512x512xf32>
    %min3A_120 = arith.minimumf %min3A_118, %min3A_119 : vector<512x512xf32>
    %sub3A_121 = arith.subf %min3A_117, %max3A_112 : vector<512x512xf32>
    %add3A_122 = arith.constant 1.000000e+00 : f32
    %add3A_123 = vector.broadcast %add3A_122 : f32 to vector<512x512xf32>
    %add3A_124 = arith.addf %sub3A_121, %add3A_123 : vector<512x512xf32>
    %max3A_125 = arith.constant 0.000000e+00 : f32
    %max3A_126 = vector.broadcast %max3A_125 : f32 to vector<512x512xf32>
    %max3A_127 = arith.maximumf %add3A_124, %max3A_126 : vector<512x512xf32>
    %sub3A_128 = arith.subf %min3A_120, %max3A_115 : vector<512x512xf32>
    %add3A_129 = arith.constant 1.000000e+00 : f32
    %add3A_130 = vector.broadcast %add3A_129 : f32 to vector<512x512xf32>
    %add3A_131 = arith.addf %sub3A_128, %add3A_130 : vector<512x512xf32>
    %max3A_132 = arith.constant 0.000000e+00 : f32
    %max3A_133 = vector.broadcast %max3A_132 : f32 to vector<512x512xf32>
    %max3A_134 = arith.maximumf %add3A_131, %max3A_133 : vector<512x512xf32>
    %mul3A_135 = arith.mulf %max3A_127, %max3A_134 : vector<512x512xf32>
    %add3A_136 = vector.broadcast %mul3A : vector<512x1xf32> to vector<512x512xf32>
    %add3A_137 = vector.broadcast %mul3A_110 : vector<1x512xf32> to vector<512x512xf32>
    %add3A_138 = arith.addf %add3A_136, %add3A_137 : vector<512x512xf32>
    %sub3A_139 = arith.subf %add3A_138, %mul3A_135 : vector<512x512xf32>
    %div3A = arith.divf %mul3A_135, %sub3A_139 : vector<512x512xf32>
    %gt3A_140 = arith.constant 3.000000e-01 : f32
    %gt3A_141 = vector.broadcast %gt3A_140 : f32 to vector<512x512xf32>
    %gt3A_142 = arith.cmpf ogt, %div3A, %gt3A_141 : vector<512x512xf32>
    %and3A = arith.andi %gt3A_142, %gt3A : vector<512x512xi1>
    %convert_element_type3A = arith.extui %and3A : vector<512x512xi1> to vector<512x512xi32>
    %convert_element_type3A_143 = arith.sitofp %convert_element_type3A : vector<512x512xi32> to vector<512x512xf32>
    %swap3A_144 = arith.constant 0 : index
    %swap3A_145 = arith.constant 0 : index
    %swap3A_146 = vector.load %arg3[%swap3A_144, %swap3A_145] : memref<512x512xf32, #tpu.memory_space<vmem>>, vector<512x512xf32>
    tpu.vector_store %arg3[%swap3A_144, %swap3A_145], %convert_element_type3A_143 {strides = array<i32>} : memref<512x512xf32, #tpu.memory_space<vmem>>, vector<512x512xf32>,
    %get3A_147 = arith.constant 0 : index
    %get3A_148 = arith.constant 0 : index
    %get3A_149 = vector.load %arg2[%get3A_147, %get3A_148] : memref<1x5120xf32, #tpu.memory_space<vmem>>, vector<1x512xf32>
    %while3A = arith.constant true
    %while3A_150:2 = scf.while (%while3A_1118 = %get3A_149, %while3A_1119 = %while3A) : (vector<1x512xf32>, i1) -> (vector<1x512xf32>, i1) {
      scf.condition(%while3A_1119) %while3A_1118, %while3A_1119 : vector<1x512xf32>, i1
    } do {
    ^bb0(%while3A_1118: vector<1x512xf32>, %while3A_1119: i1):
      %get3A_1120 = arith.constant 0 : index
      %get3A_1121 = arith.constant 0 : index
      %get3A_1122 = vector.load %arg3[%get3A_1120, %get3A_1121] : memref<512x512xf32, #tpu.memory_space<vmem>>, vector<512x512xf32>
      %dot_general3A_1123 = arith.constant dense<0.000000e+00> : vector<1x512xf32>
      %dot_general3A_1124 = tpu.matmul %while3A_1118, %get3A_1122, %dot_general3A_1123 {dimension_numbers = #tpu.dot_dimension_numbers<[1], [0], [0], [1], [0, 0, 1, 1], [], []>, transpose_lhs_hint = false} : vector<1x512xf32>, vector<512x512xf32>, vector<1x512xf32> -> vector<1x512xf32>
      %lt3A_1125 = arith.constant 5.000000e-01 : f32
      %lt3A_1126 = vector.broadcast %lt3A_1125 : f32 to vector<1x512xf32>
      %lt3A_1127 = arith.cmpf olt, %dot_general3A_1124, %lt3A_1126 : vector<1x512xf32>
      %convert_element_type3A_1128 = arith.extui %lt3A_1127 : vector<1x512xi1> to vector<1x512xi32>
      %convert_element_type3A_1129 = arith.sitofp %convert_element_type3A_1128 : vector<1x512xi32> to vector<1x512xf32>
      %mul3A_1130 = arith.mulf %get3A_149, %convert_element_type3A_1129 : vector<1x512xf32>
      %ne3A = arith.cmpf one, %mul3A_1130, %while3A_1118 : vector<1x512xf32>
      %reduce_or3A = arith.constant 1.000000e+00 : f32
      %reduce_or3A_1131 = arith.constant 0.000000e+00 : f32
      %reduce_or3A_1132 = vector.broadcast %reduce_or3A : f32 to vector<1x512xf32>
      %reduce_or3A_1133 = vector.broadcast %reduce_or3A_1131 : f32 to vector<1x512xf32>
      %reduce_or3A_1134 = arith.select %ne3A, %reduce_or3A_1132, %reduce_or3A_1133 : vector<1x512xi1>, vector<1x512xf32>
      %reduce_or3A_1135 = vector.shape_cast %reduce_or3A_1134 : vector<1x512xf32> to vector<1x1x512xf32>
      %reduce_or3A_1136 = arith.constant dense<0xFF800000> : vector<1xf32>
      %reduce_or3A_1137 = vector.multi_reduction <maximumf>, %reduce_or3A_1135, %reduce_or3A_1136 [1, 2] : vector<1x1x512xf32> to vector<1xf32>
      %reduce_or3A_1138 = vector.shape_cast %reduce_or3A_1137 : vector<1xf32> to vector<1x1x1xf32>
      %reduce_or3A_1139 = vector.extract %reduce_or3A_1138[0, 0, 0] : f32 from vector<1x1x1xf32>
      %reduce_or3A_1140 = arith.constant 0.000000e+00 : f32
      %reduce_or3A_1141 = arith.cmpf ogt, %reduce_or3A_1139, %reduce_or3A_1140 : f32
      scf.yield %mul3A_1130, %reduce_or3A_1141 : vector<1x512xf32>, i1
    }
    %swap3A_151 = arith.constant 0 : index
    %swap3A_152 = arith.constant 0 : index
    %swap3A_153 = vector.load %arg2[%swap3A_151, %swap3A_152] : memref<1x5120xf32, #tpu.memory_space<vmem>>, vector<1x512xf32>
    tpu.vector_store %arg2[%swap3A_151, %swap3A_152], %while3A_150#0 {strides = array<i32>} : memref<1x5120xf32, #tpu.memory_space<vmem>>, vector<1x512xf32>,
    %scan3A = arith.constant 1 : i32
    %scan3A_154 = arith.constant 9 : i32
    %scan3A_155 = arith.addi %scan3A, %scan3A_154 : i32
    %scan3A_156 = arith.constant 1 : i32
    scf.for %scan3A_1118 = %scan3A to %scan3A_155 step %scan3A_156  : i32 {
      %mul3A_1119 = arith.constant 512 : i32
      %mul3A_1120 = arith.muli %scan3A_1118, %mul3A_1119 : i32
      %multiple_of3A_1121 = tpu.assume_multiple %mul3A_1120, 512 : i32
      %get3A_1122 = arith.constant 0 : index
      %get3A_1123 = arith.constant 0 : index
      %get3A_1124 = vector.load %arg0[%get3A_1122, %get3A_1123] : memref<5120x128xf32, #tpu.memory_space<vmem>>, vector<512x1xf32>
      %get3A_1125 = arith.constant 0 : index
      %get3A_1126 = arith.constant 1 : index
      %get3A_1127 = vector.load %arg0[%get3A_1125, %get3A_1126] : memref<5120x128xf32, #tpu.memory_space<vmem>>, vector<512x1xf32>
      %get3A_1128 = arith.constant 0 : index
      %get3A_1129 = arith.constant 2 : index
      %get3A_1130 = vector.load %arg0[%get3A_1128, %get3A_1129] : memref<5120x128xf32, #tpu.memory_space<vmem>>, vector<512x1xf32>
      %get3A_1131 = arith.constant 0 : index
      %get3A_1132 = arith.constant 3 : index
      %get3A_1133 = vector.load %arg0[%get3A_1131, %get3A_1132] : memref<5120x128xf32, #tpu.memory_space<vmem>>, vector<512x1xf32>
      %sub3A_1134 = arith.subf %get3A_1130, %get3A_1124 : vector<512x1xf32>
      %add3A_1135 = arith.constant 1.000000e+00 : f32
      %add3A_1136 = vector.broadcast %add3A_1135 : f32 to vector<512x1xf32>
      %add3A_1137 = arith.addf %sub3A_1134, %add3A_1136 : vector<512x1xf32>
      %sub3A_1138 = arith.subf %get3A_1133, %get3A_1127 : vector<512x1xf32>
      %add3A_1139 = arith.constant 1.000000e+00 : f32
      %add3A_1140 = vector.broadcast %add3A_1139 : f32 to vector<512x1xf32>
      %add3A_1141 = arith.addf %sub3A_1138, %add3A_1140 : vector<512x1xf32>
      %mul3A_1142 = arith.mulf %add3A_1137, %add3A_1141 : vector<512x1xf32>
      %get3A_1143 = arith.constant 0 : index
      %get3A_1144 = arith.index_cast %multiple_of3A_1121 : i32 to index
      %get3A_1145 = vector.load %arg1[%get3A_1143, %get3A_1144] : memref<8x5120xf32, #tpu.memory_space<vmem>>, vector<1x512xf32>
      %get3A_1146 = arith.constant 1 : index
      %get3A_1147 = arith.index_cast %multiple_of3A_1121 : i32 to index
      %get3A_1148 = vector.load %arg1[%get3A_1146, %get3A_1147] : memref<8x5120xf32, #tpu.memory_space<vmem>>, vector<1x512xf32>
      %get3A_1149 = arith.constant 2 : index
      %get3A_1150 = arith.index_cast %multiple_of3A_1121 : i32 to index
      %get3A_1151 = vector.load %arg1[%get3A_1149, %get3A_1150] : memref<8x5120xf32, #tpu.memory_space<vmem>>, vector<1x512xf32>
      %get3A_1152 = arith.constant 3 : index
      %get3A_1153 = arith.index_cast %multiple_of3A_1121 : i32 to index
      %get3A_1154 = vector.load %arg1[%get3A_1152, %get3A_1153] : memref<8x5120xf32, #tpu.memory_space<vmem>>, vector<1x512xf32>
      %sub3A_1155 = arith.subf %get3A_1151, %get3A_1145 : vector<1x512xf32>
      %add3A_1156 = arith.constant 1.000000e+00 : f32
      %add3A_1157 = vector.broadcast %add3A_1156 : f32 to vector<1x512xf32>
      %add3A_1158 = arith.addf %sub3A_1155, %add3A_1157 : vector<1x512xf32>
      %sub3A_1159 = arith.subf %get3A_1154, %get3A_1148 : vector<1x512xf32>
      %add3A_1160 = arith.constant 1.000000e+00 : f32
      %add3A_1161 = vector.broadcast %add3A_1160 : f32 to vector<1x512xf32>
      %add3A_1162 = arith.addf %sub3A_1159, %add3A_1161 : vector<1x512xf32>
      %mul3A_1163 = arith.mulf %add3A_1158, %add3A_1162 : vector<1x512xf32>
      %max3A_1164 = vector.broadcast %get3A_1124 : vector<512x1xf32> to vector<512x512xf32>
      %max3A_1165 = vector.broadcast %get3A_1145 : vector<1x512xf32> to vector<512x512xf32>
      %max3A_1166 = arith.maximumf %max3A_1164, %max3A_1165 : vector<512x512xf32>
      %max3A_1167 = vector.broadcast %get3A_1127 : vector<512x1xf32> to vector<512x512xf32>
      %max3A_1168 = vector.broadcast %get3A_1148 : vector<1x512xf32> to vector<512x512xf32>
      %max3A_1169 = arith.maximumf %max3A_1167, %max3A_1168 : vector<512x512xf32>
      %min3A_1170 = vector.broadcast %get3A_1130 : vector<512x1xf32> to vector<512x512xf32>
      %min3A_1171 = vector.broadcast %get3A_1151 : vector<1x512xf32> to vector<512x512xf32>
      %min3A_1172 = arith.minimumf %min3A_1170, %min3A_1171 : vector<512x512xf32>
      %min3A_1173 = vector.broadcast %get3A_1133 : vector<512x1xf32> to vector<512x512xf32>
      %min3A_1174 = vector.broadcast %get3A_1154 : vector<1x512xf32> to vector<512x512xf32>
      %min3A_1175 = arith.minimumf %min3A_1173, %min3A_1174 : vector<512x512xf32>
      %sub3A_1176 = arith.subf %min3A_1172, %max3A_1166 : vector<512x512xf32>
      %add3A_1177 = arith.constant 1.000000e+00 : f32
      %add3A_1178 = vector.broadcast %add3A_1177 : f32 to vector<512x512xf32>
      %add3A_1179 = arith.addf %sub3A_1176, %add3A_1178 : vector<512x512xf32>
      %max3A_1180 = arith.constant 0.000000e+00 : f32
      %max3A_1181 = vector.broadcast %max3A_1180 : f32 to vector<512x512xf32>
      %max3A_1182 = arith.maximumf %add3A_1179, %max3A_1181 : vector<512x512xf32>
      %sub3A_1183 = arith.subf %min3A_1175, %max3A_1169 : vector<512x512xf32>
      %add3A_1184 = arith.constant 1.000000e+00 : f32
      %add3A_1185 = vector.broadcast %add3A_1184 : f32 to vector<512x512xf32>
      %add3A_1186 = arith.addf %sub3A_1183, %add3A_1185 : vector<512x512xf32>
      %max3A_1187 = arith.constant 0.000000e+00 : f32
      %max3A_1188 = vector.broadcast %max3A_1187 : f32 to vector<512x512xf32>
      %max3A_1189 = arith.maximumf %add3A_1186, %max3A_1188 : vector<512x512xf32>
      %mul3A_1190 = arith.mulf %max3A_1182, %max3A_1189 : vector<512x512xf32>
      %add3A_1191 = vector.broadcast %mul3A_1142 : vector<512x1xf32> to vector<512x512xf32>
      %add3A_1192 = vector.broadcast %mul3A_1163 : vector<1x512xf32> to vector<512x512xf32>
      %add3A_1193 = arith.addf %add3A_1191, %add3A_1192 : vector<512x512xf32>
      %sub3A_1194 = arith.subf %add3A_1193, %mul3A_1190 : vector<512x512xf32>
      %div3A_1195 = arith.divf %mul3A_1190, %sub3A_1194 : vector<512x512xf32>
      %gt3A_1196 = arith.constant 3.000000e-01 : f32
      %gt3A_1197 = vector.broadcast %gt3A_1196 : f32 to vector<512x512xf32>
      %gt3A_1198 = arith.cmpf ogt, %div3A_1195, %gt3A_1197 : vector<512x512xf32>
      %convert_element_type3A_1199 = arith.extui %gt3A_1198 : vector<512x512xi1> to vector<512x512xi32>
      %convert_element_type3A_1200 = arith.sitofp %convert_element_type3A_1199 : vector<512x512xi32> to vector<512x512xf32>
      %dot_general3A_1201 = arith.constant dense<0.000000e+00> : vector<1x512xf32>
      %dot_general3A_1202 = tpu.matmul %while3A_150#0, %convert_element_type3A_1200, %dot_general3A_1201 {dimension_numbers = #tpu.dot_dimension_numbers<[1], [0], [0], [1], [0, 0, 1, 1], [], []>, transpose_lhs_hint = false} : vector<1x512xf32>, vector<512x512xf32>, vector<1x512xf32> -> vector<1x512xf32>
      %get3A_1203 = arith.constant 0 : index
      %get3A_1204 = arith.index_cast %multiple_of3A_1121 : i32 to index
      %get3A_1205 = vector.load %arg2[%get3A_1203, %get3A_1204] : memref<1x5120xf32, #tpu.memory_space<vmem>>, vector<1x512xf32>
      %lt3A_1206 = arith.constant 5.000000e-01 : f32
      %lt3A_1207 = vector.broadcast %lt3A_1206 : f32 to vector<1x512xf32>
      %lt3A_1208 = arith.cmpf olt, %dot_general3A_1202, %lt3A_1207 : vector<1x512xf32>
      %convert_element_type3A_1209 = arith.extui %lt3A_1208 : vector<1x512xi1> to vector<1x512xi32>
      %convert_element_type3A_1210 = arith.sitofp %convert_element_type3A_1209 : vector<1x512xi32> to vector<1x512xf32>
      %mul3A_1211 = arith.mulf %get3A_1205, %convert_element_type3A_1210 : vector<1x512xf32>
      %swap3A_1212 = arith.constant 0 : index
      %swap3A_1213 = arith.index_cast %multiple_of3A_1121 : i32 to index
      %swap3A_1214 = vector.load %arg2[%swap3A_1212, %swap3A_1213] : memref<1x5120xf32, #tpu.memory_space<vmem>>, vector<1x512xf32>
      tpu.vector_store %arg2[%swap3A_1212, %swap3A_1213], %mul3A_1211 {strides = array<i32>} : memref<1x5120xf32, #tpu.memory_space<vmem>>, vector<1x512xf32>,
    }
    %scan3A_157 = arith.constant 9 : i32
    %get3A_158 = arith.constant 512 : index
    %get3A_159 = arith.constant 0 : index
    %get3A_160 = vector.load %arg0[%get3A_158, %get3A_159] : memref<5120x128xf32, #tpu.memory_space<vmem>>, vector<512x1xf32>
    %get3A_161 = arith.constant 512 : index
    %get3A_162 = arith.constant 1 : index
    %get3A_163 = vector.load %arg0[%get3A_161, %get3A_162] : memref<5120x128xf32, #tpu.memory_space<vmem>>, vector<512x1xf32>
    %get3A_164 = arith.constant 512 : index
    %get3A_165 = arith.constant 2 : index
    %get3A_166 = vector.load %arg0[%get3A_164, %get3A_165] : memref<5120x128xf32, #tpu.memory_space<vmem>>, vector<512x1xf32>
    %get3A_167 = arith.constant 512 : index
    %get3A_168 = arith.constant 3 : index
    %get3A_169 = vector.load %arg0[%get3A_167, %get3A_168] : memref<5120x128xf32, #tpu.memory_space<vmem>>, vector<512x1xf32>
    %sub3A_170 = arith.subf %get3A_166, %get3A_160 : vector<512x1xf32>
    %add3A_171 = arith.constant 1.000000e+00 : f32
    %add3A_172 = vector.broadcast %add3A_171 : f32 to vector<512x1xf32>
    %add3A_173 = arith.addf %sub3A_170, %add3A_172 : vector<512x1xf32>
    %sub3A_174 = arith.subf %get3A_169, %get3A_163 : vector<512x1xf32>
    %add3A_175 = arith.constant 1.000000e+00 : f32
    %add3A_176 = vector.broadcast %add3A_175 : f32 to vector<512x1xf32>
    %add3A_177 = arith.addf %sub3A_174, %add3A_176 : vector<512x1xf32>
    %mul3A_178 = arith.mulf %add3A_173, %add3A_177 : vector<512x1xf32>
    %get3A_179 = arith.constant 0 : index
    %get3A_180 = arith.constant 512 : index
    %get3A_181 = vector.load %arg1[%get3A_179, %get3A_180] : memref<8x5120xf32, #tpu.memory_space<vmem>>, vector<1x512xf32>
    %get3A_182 = arith.constant 1 : index
    %get3A_183 = arith.constant 512 : index
    %get3A_184 = vector.load %arg1[%get3A_182, %get3A_183] : memref<8x5120xf32, #tpu.memory_space<vmem>>, vector<1x512xf32>
    %get3A_185 = arith.constant 2 : index
    %get3A_186 = arith.constant 512 : index
    %get3A_187 = vector.load %arg1[%get3A_185, %get3A_186] : memref<8x5120xf32, #tpu.memory_space<vmem>>, vector<1x512xf32>
    %get3A_188 = arith.constant 3 : index
    %get3A_189 = arith.constant 512 : index
    %get3A_190 = vector.load %arg1[%get3A_188, %get3A_189] : memref<8x5120xf32, #tpu.memory_space<vmem>>, vector<1x512xf32>
    %sub3A_191 = arith.subf %get3A_187, %get3A_181 : vector<1x512xf32>
    %add3A_192 = arith.constant 1.000000e+00 : f32
    %add3A_193 = vector.broadcast %add3A_192 : f32 to vector<1x512xf32>
    %add3A_194 = arith.addf %sub3A_191, %add3A_193 : vector<1x512xf32>
    %sub3A_195 = arith.subf %get3A_190, %get3A_184 : vector<1x512xf32>
    %add3A_196 = arith.constant 1.000000e+00 : f32
    %add3A_197 = vector.broadcast %add3A_196 : f32 to vector<1x512xf32>
    %add3A_198 = arith.addf %sub3A_195, %add3A_197 : vector<1x512xf32>
    %mul3A_199 = arith.mulf %add3A_194, %add3A_198 : vector<1x512xf32>
    %max3A_200 = vector.broadcast %get3A_160 : vector<512x1xf32> to vector<512x512xf32>
    %max3A_201 = vector.broadcast %get3A_181 : vector<1x512xf32> to vector<512x512xf32>
    %max3A_202 = arith.maximumf %max3A_200, %max3A_201 : vector<512x512xf32>
    %max3A_203 = vector.broadcast %get3A_163 : vector<512x1xf32> to vector<512x512xf32>
    %max3A_204 = vector.broadcast %get3A_184 : vector<1x512xf32> to vector<512x512xf32>
    %max3A_205 = arith.maximumf %max3A_203, %max3A_204 : vector<512x512xf32>
    %min3A_206 = vector.broadcast %get3A_166 : vector<512x1xf32> to vector<512x512xf32>
    %min3A_207 = vector.broadcast %get3A_187 : vector<1x512xf32> to vector<512x512xf32>
    %min3A_208 = arith.minimumf %min3A_206, %min3A_207 : vector<512x512xf32>
    %min3A_209 = vector.broadcast %get3A_169 : vector<512x1xf32> to vector<512x512xf32>
    %min3A_210 = vector.broadcast %get3A_190 : vector<1x512xf32> to vector<512x512xf32>
    %min3A_211 = arith.minimumf %min3A_209, %min3A_210 : vector<512x512xf32>
    %sub3A_212 = arith.subf %min3A_208, %max3A_202 : vector<512x512xf32>
    %add3A_213 = arith.constant 1.000000e+00 : f32
    %add3A_214 = vector.broadcast %add3A_213 : f32 to vector<512x512xf32>
    %add3A_215 = arith.addf %sub3A_212, %add3A_214 : vector<512x512xf32>
    %max3A_216 = arith.constant 0.000000e+00 : f32
    %max3A_217 = vector.broadcast %max3A_216 : f32 to vector<512x512xf32>
    %max3A_218 = arith.maximumf %add3A_215, %max3A_217 : vector<512x512xf32>
    %sub3A_219 = arith.subf %min3A_211, %max3A_205 : vector<512x512xf32>
    %add3A_220 = arith.constant 1.000000e+00 : f32
    %add3A_221 = vector.broadcast %add3A_220 : f32 to vector<512x512xf32>
    %add3A_222 = arith.addf %sub3A_219, %add3A_221 : vector<512x512xf32>
    %max3A_223 = arith.constant 0.000000e+00 : f32
    %max3A_224 = vector.broadcast %max3A_223 : f32 to vector<512x512xf32>
    %max3A_225 = arith.maximumf %add3A_222, %max3A_224 : vector<512x512xf32>
    %mul3A_226 = arith.mulf %max3A_218, %max3A_225 : vector<512x512xf32>
    %add3A_227 = vector.broadcast %mul3A_178 : vector<512x1xf32> to vector<512x512xf32>
    %add3A_228 = vector.broadcast %mul3A_199 : vector<1x512xf32> to vector<512x512xf32>
    %add3A_229 = arith.addf %add3A_227, %add3A_228 : vector<512x512xf32>
    %sub3A_230 = arith.subf %add3A_229, %mul3A_226 : vector<512x512xf32>
    %div3A_231 = arith.divf %mul3A_226, %sub3A_230 : vector<512x512xf32>
    %gt3A_232 = arith.constant 3.000000e-01 : f32
    %gt3A_233 = vector.broadcast %gt3A_232 : f32 to vector<512x512xf32>
    %gt3A_234 = arith.cmpf ogt, %div3A_231, %gt3A_233 : vector<512x512xf32>
    %and3A_235 = arith.andi %gt3A_234, %gt3A : vector<512x512xi1>
    %convert_element_type3A_236 = arith.extui %and3A_235 : vector<512x512xi1> to vector<512x512xi32>
    %convert_element_type3A_237 = arith.sitofp %convert_element_type3A_236 : vector<512x512xi32> to vector<512x512xf32>
    %swap3A_238 = arith.constant 0 : index
    %swap3A_239 = arith.constant 0 : index
    %swap3A_240 = vector.load %arg3[%swap3A_238, %swap3A_239] : memref<512x512xf32, #tpu.memory_space<vmem>>, vector<512x512xf32>
    tpu.vector_store %arg3[%swap3A_238, %swap3A_239], %convert_element_type3A_237 {strides = array<i32>} : memref<512x512xf32, #tpu.memory_space<vmem>>, vector<512x512xf32>,
    %get3A_241 = arith.constant 0 : index
    %get3A_242 = arith.constant 512 : index
    %get3A_243 = vector.load %arg2[%get3A_241, %get3A_242] : memref<1x5120xf32, #tpu.memory_space<vmem>>, vector<1x512xf32>
    %while3A_244 = arith.constant true
    %while3A_245:2 = scf.while (%while3A_1118 = %get3A_243, %while3A_1119 = %while3A_244) : (vector<1x512xf32>, i1) -> (vector<1x512xf32>, i1) {
      scf.condition(%while3A_1119) %while3A_1118, %while3A_1119 : vector<1x512xf32>, i1
    } do {
    ^bb0(%while3A_1118: vector<1x512xf32>, %while3A_1119: i1):
      %get3A_1120 = arith.constant 0 : index
      %get3A_1121 = arith.constant 0 : index
      %get3A_1122 = vector.load %arg3[%get3A_1120, %get3A_1121] : memref<512x512xf32, #tpu.memory_space<vmem>>, vector<512x512xf32>
      %dot_general3A_1123 = arith.constant dense<0.000000e+00> : vector<1x512xf32>
      %dot_general3A_1124 = tpu.matmul %while3A_1118, %get3A_1122, %dot_general3A_1123 {dimension_numbers = #tpu.dot_dimension_numbers<[1], [0], [0], [1], [0, 0, 1, 1], [], []>, transpose_lhs_hint = false} : vector<1x512xf32>, vector<512x512xf32>, vector<1x512xf32> -> vector<1x512xf32>
      %lt3A_1125 = arith.constant 5.000000e-01 : f32
      %lt3A_1126 = vector.broadcast %lt3A_1125 : f32 to vector<1x512xf32>
      %lt3A_1127 = arith.cmpf olt, %dot_general3A_1124, %lt3A_1126 : vector<1x512xf32>
      %convert_element_type3A_1128 = arith.extui %lt3A_1127 : vector<1x512xi1> to vector<1x512xi32>
      %convert_element_type3A_1129 = arith.sitofp %convert_element_type3A_1128 : vector<1x512xi32> to vector<1x512xf32>
      %mul3A_1130 = arith.mulf %get3A_243, %convert_element_type3A_1129 : vector<1x512xf32>
      %ne3A = arith.cmpf one, %mul3A_1130, %while3A_1118 : vector<1x512xf32>
      %reduce_or3A = arith.constant 1.000000e+00 : f32
      %reduce_or3A_1131 = arith.constant 0.000000e+00 : f32
      %reduce_or3A_1132 = vector.broadcast %reduce_or3A : f32 to vector<1x512xf32>
      %reduce_or3A_1133 = vector.broadcast %reduce_or3A_1131 : f32 to vector<1x512xf32>
      %reduce_or3A_1134 = arith.select %ne3A, %reduce_or3A_1132, %reduce_or3A_1133 : vector<1x512xi1>, vector<1x512xf32>
      %reduce_or3A_1135 = vector.shape_cast %reduce_or3A_1134 : vector<1x512xf32> to vector<1x1x512xf32>
      %reduce_or3A_1136 = arith.constant dense<0xFF800000> : vector<1xf32>
      %reduce_or3A_1137 = vector.multi_reduction <maximumf>, %reduce_or3A_1135, %reduce_or3A_1136 [1, 2] : vector<1x1x512xf32> to vector<1xf32>
      %reduce_or3A_1138 = vector.shape_cast %reduce_or3A_1137 : vector<1xf32> to vector<1x1x1xf32>
      %reduce_or3A_1139 = vector.extract %reduce_or3A_1138[0, 0, 0] : f32 from vector<1x1x1xf32>
      %reduce_or3A_1140 = arith.constant 0.000000e+00 : f32
      %reduce_or3A_1141 = arith.cmpf ogt, %reduce_or3A_1139, %reduce_or3A_1140 : f32
      scf.yield %mul3A_1130, %reduce_or3A_1141 : vector<1x512xf32>, i1
    }
    %swap3A_246 = arith.constant 0 : index
    %swap3A_247 = arith.constant 512 : index
    %swap3A_248 = vector.load %arg2[%swap3A_246, %swap3A_247] : memref<1x5120xf32, #tpu.memory_space<vmem>>, vector<1x512xf32>
    tpu.vector_store %arg2[%swap3A_246, %swap3A_247], %while3A_245#0 {strides = array<i32>} : memref<1x5120xf32, #tpu.memory_space<vmem>>, vector<1x512xf32>,
    %scan3A_249 = arith.constant 2 : i32
    %scan3A_250 = arith.constant 8 : i32
    %scan3A_251 = arith.addi %scan3A_249, %scan3A_250 : i32
    %scan3A_252 = arith.constant 1 : i32
    scf.for %scan3A_1118 = %scan3A_249 to %scan3A_251 step %scan3A_252  : i32 {
      %mul3A_1119 = arith.constant 512 : i32
      %mul3A_1120 = arith.muli %scan3A_1118, %mul3A_1119 : i32
      %multiple_of3A_1121 = tpu.assume_multiple %mul3A_1120, 512 : i32
      %get3A_1122 = arith.constant 512 : index
      %get3A_1123 = arith.constant 0 : index
      %get3A_1124 = vector.load %arg0[%get3A_1122, %get3A_1123] : memref<5120x128xf32, #tpu.memory_space<vmem>>, vector<512x1xf32>
      %get3A_1125 = arith.constant 512 : index
      %get3A_1126 = arith.constant 1 : index
      %get3A_1127 = vector.load %arg0[%get3A_1125, %get3A_1126] : memref<5120x128xf32, #tpu.memory_space<vmem>>, vector<512x1xf32>
      %get3A_1128 = arith.constant 512 : index
      %get3A_1129 = arith.constant 2 : index
      %get3A_1130 = vector.load %arg0[%get3A_1128, %get3A_1129] : memref<5120x128xf32, #tpu.memory_space<vmem>>, vector<512x1xf32>
      %get3A_1131 = arith.constant 512 : index
      %get3A_1132 = arith.constant 3 : index
      %get3A_1133 = vector.load %arg0[%get3A_1131, %get3A_1132] : memref<5120x128xf32, #tpu.memory_space<vmem>>, vector<512x1xf32>
      %sub3A_1134 = arith.subf %get3A_1130, %get3A_1124 : vector<512x1xf32>
      %add3A_1135 = arith.constant 1.000000e+00 : f32
      %add3A_1136 = vector.broadcast %add3A_1135 : f32 to vector<512x1xf32>
      %add3A_1137 = arith.addf %sub3A_1134, %add3A_1136 : vector<512x1xf32>
      %sub3A_1138 = arith.subf %get3A_1133, %get3A_1127 : vector<512x1xf32>
      %add3A_1139 = arith.constant 1.000000e+00 : f32
      %add3A_1140 = vector.broadcast %add3A_1139 : f32 to vector<512x1xf32>
      %add3A_1141 = arith.addf %sub3A_1138, %add3A_1140 : vector<512x1xf32>
      %mul3A_1142 = arith.mulf %add3A_1137, %add3A_1141 : vector<512x1xf32>
      %get3A_1143 = arith.constant 0 : index
      %get3A_1144 = arith.index_cast %multiple_of3A_1121 : i32 to index
      %get3A_1145 = vector.load %arg1[%get3A_1143, %get3A_1144] : memref<8x5120xf32, #tpu.memory_space<vmem>>, vector<1x512xf32>
      %get3A_1146 = arith.constant 1 : index
      %get3A_1147 = arith.index_cast %multiple_of3A_1121 : i32 to index
      %get3A_1148 = vector.load %arg1[%get3A_1146, %get3A_1147] : memref<8x5120xf32, #tpu.memory_space<vmem>>, vector<1x512xf32>
      %get3A_1149 = arith.constant 2 : index
      %get3A_1150 = arith.index_cast %multiple_of3A_1121 : i32 to index
      %get3A_1151 = vector.load %arg1[%get3A_1149, %get3A_1150] : memref<8x5120xf32, #tpu.memory_space<vmem>>, vector<1x512xf32>
      %get3A_1152 = arith.constant 3 : index
      %get3A_1153 = arith.index_cast %multiple_of3A_1121 : i32 to index
      %get3A_1154 = vector.load %arg1[%get3A_1152, %get3A_1153] : memref<8x5120xf32, #tpu.memory_space<vmem>>, vector<1x512xf32>
      %sub3A_1155 = arith.subf %get3A_1151, %get3A_1145 : vector<1x512xf32>
      %add3A_1156 = arith.constant 1.000000e+00 : f32
      %add3A_1157 = vector.broadcast %add3A_1156 : f32 to vector<1x512xf32>
      %add3A_1158 = arith.addf %sub3A_1155, %add3A_1157 : vector<1x512xf32>
      %sub3A_1159 = arith.subf %get3A_1154, %get3A_1148 : vector<1x512xf32>
      %add3A_1160 = arith.constant 1.000000e+00 : f32
      %add3A_1161 = vector.broadcast %add3A_1160 : f32 to vector<1x512xf32>
      %add3A_1162 = arith.addf %sub3A_1159, %add3A_1161 : vector<1x512xf32>
      %mul3A_1163 = arith.mulf %add3A_1158, %add3A_1162 : vector<1x512xf32>
      %max3A_1164 = vector.broadcast %get3A_1124 : vector<512x1xf32> to vector<512x512xf32>
      %max3A_1165 = vector.broadcast %get3A_1145 : vector<1x512xf32> to vector<512x512xf32>
      %max3A_1166 = arith.maximumf %max3A_1164, %max3A_1165 : vector<512x512xf32>
      %max3A_1167 = vector.broadcast %get3A_1127 : vector<512x1xf32> to vector<512x512xf32>
      %max3A_1168 = vector.broadcast %get3A_1148 : vector<1x512xf32> to vector<512x512xf32>
      %max3A_1169 = arith.maximumf %max3A_1167, %max3A_1168 : vector<512x512xf32>
      %min3A_1170 = vector.broadcast %get3A_1130 : vector<512x1xf32> to vector<512x512xf32>
      %min3A_1171 = vector.broadcast %get3A_1151 : vector<1x512xf32> to vector<512x512xf32>
      %min3A_1172 = arith.minimumf %min3A_1170, %min3A_1171 : vector<512x512xf32>
      %min3A_1173 = vector.broadcast %get3A_1133 : vector<512x1xf32> to vector<512x512xf32>
      %min3A_1174 = vector.broadcast %get3A_1154 : vector<1x512xf32> to vector<512x512xf32>
      %min3A_1175 = arith.minimumf %min3A_1173, %min3A_1174 : vector<512x512xf32>
      %sub3A_1176 = arith.subf %min3A_1172, %max3A_1166 : vector<512x512xf32>
      %add3A_1177 = arith.constant 1.000000e+00 : f32
      %add3A_1178 = vector.broadcast %add3A_1177 : f32 to vector<512x512xf32>
      %add3A_1179 = arith.addf %sub3A_1176, %add3A_1178 : vector<512x512xf32>
      %max3A_1180 = arith.constant 0.000000e+00 : f32
      %max3A_1181 = vector.broadcast %max3A_1180 : f32 to vector<512x512xf32>
      %max3A_1182 = arith.maximumf %add3A_1179, %max3A_1181 : vector<512x512xf32>
      %sub3A_1183 = arith.subf %min3A_1175, %max3A_1169 : vector<512x512xf32>
      %add3A_1184 = arith.constant 1.000000e+00 : f32
      %add3A_1185 = vector.broadcast %add3A_1184 : f32 to vector<512x512xf32>
      %add3A_1186 = arith.addf %sub3A_1183, %add3A_1185 : vector<512x512xf32>
      %max3A_1187 = arith.constant 0.000000e+00 : f32
      %max3A_1188 = vector.broadcast %max3A_1187 : f32 to vector<512x512xf32>
      %max3A_1189 = arith.maximumf %add3A_1186, %max3A_1188 : vector<512x512xf32>
      %mul3A_1190 = arith.mulf %max3A_1182, %max3A_1189 : vector<512x512xf32>
      %add3A_1191 = vector.broadcast %mul3A_1142 : vector<512x1xf32> to vector<512x512xf32>
      %add3A_1192 = vector.broadcast %mul3A_1163 : vector<1x512xf32> to vector<512x512xf32>
      %add3A_1193 = arith.addf %add3A_1191, %add3A_1192 : vector<512x512xf32>
      %sub3A_1194 = arith.subf %add3A_1193, %mul3A_1190 : vector<512x512xf32>
      %div3A_1195 = arith.divf %mul3A_1190, %sub3A_1194 : vector<512x512xf32>
      %gt3A_1196 = arith.constant 3.000000e-01 : f32
      %gt3A_1197 = vector.broadcast %gt3A_1196 : f32 to vector<512x512xf32>
      %gt3A_1198 = arith.cmpf ogt, %div3A_1195, %gt3A_1197 : vector<512x512xf32>
      %convert_element_type3A_1199 = arith.extui %gt3A_1198 : vector<512x512xi1> to vector<512x512xi32>
      %convert_element_type3A_1200 = arith.sitofp %convert_element_type3A_1199 : vector<512x512xi32> to vector<512x512xf32>
      %dot_general3A_1201 = arith.constant dense<0.000000e+00> : vector<1x512xf32>
      %dot_general3A_1202 = tpu.matmul %while3A_245#0, %convert_element_type3A_1200, %dot_general3A_1201 {dimension_numbers = #tpu.dot_dimension_numbers<[1], [0], [0], [1], [0, 0, 1, 1], [], []>, transpose_lhs_hint = false} : vector<1x512xf32>, vector<512x512xf32>, vector<1x512xf32> -> vector<1x512xf32>
      %get3A_1203 = arith.constant 0 : index
      %get3A_1204 = arith.index_cast %multiple_of3A_1121 : i32 to index
      %get3A_1205 = vector.load %arg2[%get3A_1203, %get3A_1204] : memref<1x5120xf32, #tpu.memory_space<vmem>>, vector<1x512xf32>
      %lt3A_1206 = arith.constant 5.000000e-01 : f32
      %lt3A_1207 = vector.broadcast %lt3A_1206 : f32 to vector<1x512xf32>
      %lt3A_1208 = arith.cmpf olt, %dot_general3A_1202, %lt3A_1207 : vector<1x512xf32>
      %convert_element_type3A_1209 = arith.extui %lt3A_1208 : vector<1x512xi1> to vector<1x512xi32>
      %convert_element_type3A_1210 = arith.sitofp %convert_element_type3A_1209 : vector<1x512xi32> to vector<1x512xf32>
      %mul3A_1211 = arith.mulf %get3A_1205, %convert_element_type3A_1210 : vector<1x512xf32>
      %swap3A_1212 = arith.constant 0 : index
      %swap3A_1213 = arith.index_cast %multiple_of3A_1121 : i32 to index
      %swap3A_1214 = vector.load %arg2[%swap3A_1212, %swap3A_1213] : memref<1x5120xf32, #tpu.memory_space<vmem>>, vector<1x512xf32>
      tpu.vector_store %arg2[%swap3A_1212, %swap3A_1213], %mul3A_1211 {strides = array<i32>} : memref<1x5120xf32, #tpu.memory_space<vmem>>, vector<1x512xf32>,
    }
    %scan3A_253 = arith.constant 8 : i32
    %get3A_254 = arith.constant 1024 : index
    %get3A_255 = arith.constant 0 : index
    %get3A_256 = vector.load %arg0[%get3A_254, %get3A_255] : memref<5120x128xf32, #tpu.memory_space<vmem>>, vector<512x1xf32>
    %get3A_257 = arith.constant 1024 : index
    %get3A_258 = arith.constant 1 : index
    %get3A_259 = vector.load %arg0[%get3A_257, %get3A_258] : memref<5120x128xf32, #tpu.memory_space<vmem>>, vector<512x1xf32>
    %get3A_260 = arith.constant 1024 : index
    %get3A_261 = arith.constant 2 : index
    %get3A_262 = vector.load %arg0[%get3A_260, %get3A_261] : memref<5120x128xf32, #tpu.memory_space<vmem>>, vector<512x1xf32>
    %get3A_263 = arith.constant 1024 : index
    %get3A_264 = arith.constant 3 : index
    %get3A_265 = vector.load %arg0[%get3A_263, %get3A_264] : memref<5120x128xf32, #tpu.memory_space<vmem>>, vector<512x1xf32>
    %sub3A_266 = arith.subf %get3A_262, %get3A_256 : vector<512x1xf32>
    %add3A_267 = arith.constant 1.000000e+00 : f32
    %add3A_268 = vector.broadcast %add3A_267 : f32 to vector<512x1xf32>
    %add3A_269 = arith.addf %sub3A_266, %add3A_268 : vector<512x1xf32>
    %sub3A_270 = arith.subf %get3A_265, %get3A_259 : vector<512x1xf32>
    %add3A_271 = arith.constant 1.000000e+00 : f32
    %add3A_272 = vector.broadcast %add3A_271 : f32 to vector<512x1xf32>
    %add3A_273 = arith.addf %sub3A_270, %add3A_272 : vector<512x1xf32>
    %mul3A_274 = arith.mulf %add3A_269, %add3A_273 : vector<512x1xf32>
    %get3A_275 = arith.constant 0 : index
    %get3A_276 = arith.constant 1024 : index
    %get3A_277 = vector.load %arg1[%get3A_275, %get3A_276] : memref<8x5120xf32, #tpu.memory_space<vmem>>, vector<1x512xf32>
    %get3A_278 = arith.constant 1 : index
    %get3A_279 = arith.constant 1024 : index
    %get3A_280 = vector.load %arg1[%get3A_278, %get3A_279] : memref<8x5120xf32, #tpu.memory_space<vmem>>, vector<1x512xf32>
    %get3A_281 = arith.constant 2 : index
    %get3A_282 = arith.constant 1024 : index
    %get3A_283 = vector.load %arg1[%get3A_281, %get3A_282] : memref<8x5120xf32, #tpu.memory_space<vmem>>, vector<1x512xf32>
    %get3A_284 = arith.constant 3 : index
    %get3A_285 = arith.constant 1024 : index
    %get3A_286 = vector.load %arg1[%get3A_284, %get3A_285] : memref<8x5120xf32, #tpu.memory_space<vmem>>, vector<1x512xf32>
    %sub3A_287 = arith.subf %get3A_283, %get3A_277 : vector<1x512xf32>
    %add3A_288 = arith.constant 1.000000e+00 : f32
    %add3A_289 = vector.broadcast %add3A_288 : f32 to vector<1x512xf32>
    %add3A_290 = arith.addf %sub3A_287, %add3A_289 : vector<1x512xf32>
    %sub3A_291 = arith.subf %get3A_286, %get3A_280 : vector<1x512xf32>
    %add3A_292 = arith.constant 1.000000e+00 : f32
    %add3A_293 = vector.broadcast %add3A_292 : f32 to vector<1x512xf32>
    %add3A_294 = arith.addf %sub3A_291, %add3A_293 : vector<1x512xf32>
    %mul3A_295 = arith.mulf %add3A_290, %add3A_294 : vector<1x512xf32>
    %max3A_296 = vector.broadcast %get3A_256 : vector<512x1xf32> to vector<512x512xf32>
    %max3A_297 = vector.broadcast %get3A_277 : vector<1x512xf32> to vector<512x512xf32>
    %max3A_298 = arith.maximumf %max3A_296, %max3A_297 : vector<512x512xf32>
    %max3A_299 = vector.broadcast %get3A_259 : vector<512x1xf32> to vector<512x512xf32>
    %max3A_300 = vector.broadcast %get3A_280 : vector<1x512xf32> to vector<512x512xf32>
    %max3A_301 = arith.maximumf %max3A_299, %max3A_300 : vector<512x512xf32>
    %min3A_302 = vector.broadcast %get3A_262 : vector<512x1xf32> to vector<512x512xf32>
    %min3A_303 = vector.broadcast %get3A_283 : vector<1x512xf32> to vector<512x512xf32>
    %min3A_304 = arith.minimumf %min3A_302, %min3A_303 : vector<512x512xf32>
    %min3A_305 = vector.broadcast %get3A_265 : vector<512x1xf32> to vector<512x512xf32>
    %min3A_306 = vector.broadcast %get3A_286 : vector<1x512xf32> to vector<512x512xf32>
    %min3A_307 = arith.minimumf %min3A_305, %min3A_306 : vector<512x512xf32>
    %sub3A_308 = arith.subf %min3A_304, %max3A_298 : vector<512x512xf32>
    %add3A_309 = arith.constant 1.000000e+00 : f32
    %add3A_310 = vector.broadcast %add3A_309 : f32 to vector<512x512xf32>
    %add3A_311 = arith.addf %sub3A_308, %add3A_310 : vector<512x512xf32>
    %max3A_312 = arith.constant 0.000000e+00 : f32
    %max3A_313 = vector.broadcast %max3A_312 : f32 to vector<512x512xf32>
    %max3A_314 = arith.maximumf %add3A_311, %max3A_313 : vector<512x512xf32>
    %sub3A_315 = arith.subf %min3A_307, %max3A_301 : vector<512x512xf32>
    %add3A_316 = arith.constant 1.000000e+00 : f32
    %add3A_317 = vector.broadcast %add3A_316 : f32 to vector<512x512xf32>
    %add3A_318 = arith.addf %sub3A_315, %add3A_317 : vector<512x512xf32>
    %max3A_319 = arith.constant 0.000000e+00 : f32
    %max3A_320 = vector.broadcast %max3A_319 : f32 to vector<512x512xf32>
    %max3A_321 = arith.maximumf %add3A_318, %max3A_320 : vector<512x512xf32>
    %mul3A_322 = arith.mulf %max3A_314, %max3A_321 : vector<512x512xf32>
    %add3A_323 = vector.broadcast %mul3A_274 : vector<512x1xf32> to vector<512x512xf32>
    %add3A_324 = vector.broadcast %mul3A_295 : vector<1x512xf32> to vector<512x512xf32>
    %add3A_325 = arith.addf %add3A_323, %add3A_324 : vector<512x512xf32>
    %sub3A_326 = arith.subf %add3A_325, %mul3A_322 : vector<512x512xf32>
    %div3A_327 = arith.divf %mul3A_322, %sub3A_326 : vector<512x512xf32>
    %gt3A_328 = arith.constant 3.000000e-01 : f32
    %gt3A_329 = vector.broadcast %gt3A_328 : f32 to vector<512x512xf32>
    %gt3A_330 = arith.cmpf ogt, %div3A_327, %gt3A_329 : vector<512x512xf32>
    %and3A_331 = arith.andi %gt3A_330, %gt3A : vector<512x512xi1>
    %convert_element_type3A_332 = arith.extui %and3A_331 : vector<512x512xi1> to vector<512x512xi32>
    %convert_element_type3A_333 = arith.sitofp %convert_element_type3A_332 : vector<512x512xi32> to vector<512x512xf32>
    %swap3A_334 = arith.constant 0 : index
    %swap3A_335 = arith.constant 0 : index
    %swap3A_336 = vector.load %arg3[%swap3A_334, %swap3A_335] : memref<512x512xf32, #tpu.memory_space<vmem>>, vector<512x512xf32>
    tpu.vector_store %arg3[%swap3A_334, %swap3A_335], %convert_element_type3A_333 {strides = array<i32>} : memref<512x512xf32, #tpu.memory_space<vmem>>, vector<512x512xf32>,
    %get3A_337 = arith.constant 0 : index
    %get3A_338 = arith.constant 1024 : index
    %get3A_339 = vector.load %arg2[%get3A_337, %get3A_338] : memref<1x5120xf32, #tpu.memory_space<vmem>>, vector<1x512xf32>
    %while3A_340 = arith.constant true
    %while3A_341:2 = scf.while (%while3A_1118 = %get3A_339, %while3A_1119 = %while3A_340) : (vector<1x512xf32>, i1) -> (vector<1x512xf32>, i1) {
      scf.condition(%while3A_1119) %while3A_1118, %while3A_1119 : vector<1x512xf32>, i1
    } do {
    ^bb0(%while3A_1118: vector<1x512xf32>, %while3A_1119: i1):
      %get3A_1120 = arith.constant 0 : index
      %get3A_1121 = arith.constant 0 : index
      %get3A_1122 = vector.load %arg3[%get3A_1120, %get3A_1121] : memref<512x512xf32, #tpu.memory_space<vmem>>, vector<512x512xf32>
      %dot_general3A_1123 = arith.constant dense<0.000000e+00> : vector<1x512xf32>
      %dot_general3A_1124 = tpu.matmul %while3A_1118, %get3A_1122, %dot_general3A_1123 {dimension_numbers = #tpu.dot_dimension_numbers<[1], [0], [0], [1], [0, 0, 1, 1], [], []>, transpose_lhs_hint = false} : vector<1x512xf32>, vector<512x512xf32>, vector<1x512xf32> -> vector<1x512xf32>
      %lt3A_1125 = arith.constant 5.000000e-01 : f32
      %lt3A_1126 = vector.broadcast %lt3A_1125 : f32 to vector<1x512xf32>
      %lt3A_1127 = arith.cmpf olt, %dot_general3A_1124, %lt3A_1126 : vector<1x512xf32>
      %convert_element_type3A_1128 = arith.extui %lt3A_1127 : vector<1x512xi1> to vector<1x512xi32>
      %convert_element_type3A_1129 = arith.sitofp %convert_element_type3A_1128 : vector<1x512xi32> to vector<1x512xf32>
      %mul3A_1130 = arith.mulf %get3A_339, %convert_element_type3A_1129 : vector<1x512xf32>
      %ne3A = arith.cmpf one, %mul3A_1130, %while3A_1118 : vector<1x512xf32>
      %reduce_or3A = arith.constant 1.000000e+00 : f32
      %reduce_or3A_1131 = arith.constant 0.000000e+00 : f32
      %reduce_or3A_1132 = vector.broadcast %reduce_or3A : f32 to vector<1x512xf32>
      %reduce_or3A_1133 = vector.broadcast %reduce_or3A_1131 : f32 to vector<1x512xf32>
      %reduce_or3A_1134 = arith.select %ne3A, %reduce_or3A_1132, %reduce_or3A_1133 : vector<1x512xi1>, vector<1x512xf32>
      %reduce_or3A_1135 = vector.shape_cast %reduce_or3A_1134 : vector<1x512xf32> to vector<1x1x512xf32>
      %reduce_or3A_1136 = arith.constant dense<0xFF800000> : vector<1xf32>
      %reduce_or3A_1137 = vector.multi_reduction <maximumf>, %reduce_or3A_1135, %reduce_or3A_1136 [1, 2] : vector<1x1x512xf32> to vector<1xf32>
      %reduce_or3A_1138 = vector.shape_cast %reduce_or3A_1137 : vector<1xf32> to vector<1x1x1xf32>
      %reduce_or3A_1139 = vector.extract %reduce_or3A_1138[0, 0, 0] : f32 from vector<1x1x1xf32>
      %reduce_or3A_1140 = arith.constant 0.000000e+00 : f32
      %reduce_or3A_1141 = arith.cmpf ogt, %reduce_or3A_1139, %reduce_or3A_1140 : f32
      scf.yield %mul3A_1130, %reduce_or3A_1141 : vector<1x512xf32>, i1
    }
    %swap3A_342 = arith.constant 0 : index
    %swap3A_343 = arith.constant 1024 : index
    %swap3A_344 = vector.load %arg2[%swap3A_342, %swap3A_343] : memref<1x5120xf32, #tpu.memory_space<vmem>>, vector<1x512xf32>
    tpu.vector_store %arg2[%swap3A_342, %swap3A_343], %while3A_341#0 {strides = array<i32>} : memref<1x5120xf32, #tpu.memory_space<vmem>>, vector<1x512xf32>,
    %scan3A_345 = arith.constant 3 : i32
    %scan3A_346 = arith.constant 7 : i32
    %scan3A_347 = arith.addi %scan3A_345, %scan3A_346 : i32
    %scan3A_348 = arith.constant 1 : i32
    scf.for %scan3A_1118 = %scan3A_345 to %scan3A_347 step %scan3A_348  : i32 {
      %mul3A_1119 = arith.constant 512 : i32
      %mul3A_1120 = arith.muli %scan3A_1118, %mul3A_1119 : i32
      %multiple_of3A_1121 = tpu.assume_multiple %mul3A_1120, 512 : i32
      %get3A_1122 = arith.constant 1024 : index
      %get3A_1123 = arith.constant 0 : index
      %get3A_1124 = vector.load %arg0[%get3A_1122, %get3A_1123] : memref<5120x128xf32, #tpu.memory_space<vmem>>, vector<512x1xf32>
      %get3A_1125 = arith.constant 1024 : index
      %get3A_1126 = arith.constant 1 : index
      %get3A_1127 = vector.load %arg0[%get3A_1125, %get3A_1126] : memref<5120x128xf32, #tpu.memory_space<vmem>>, vector<512x1xf32>
      %get3A_1128 = arith.constant 1024 : index
      %get3A_1129 = arith.constant 2 : index
      %get3A_1130 = vector.load %arg0[%get3A_1128, %get3A_1129] : memref<5120x128xf32, #tpu.memory_space<vmem>>, vector<512x1xf32>
      %get3A_1131 = arith.constant 1024 : index
      %get3A_1132 = arith.constant 3 : index
      %get3A_1133 = vector.load %arg0[%get3A_1131, %get3A_1132] : memref<5120x128xf32, #tpu.memory_space<vmem>>, vector<512x1xf32>
      %sub3A_1134 = arith.subf %get3A_1130, %get3A_1124 : vector<512x1xf32>
      %add3A_1135 = arith.constant 1.000000e+00 : f32
      %add3A_1136 = vector.broadcast %add3A_1135 : f32 to vector<512x1xf32>
      %add3A_1137 = arith.addf %sub3A_1134, %add3A_1136 : vector<512x1xf32>
      %sub3A_1138 = arith.subf %get3A_1133, %get3A_1127 : vector<512x1xf32>
      %add3A_1139 = arith.constant 1.000000e+00 : f32
      %add3A_1140 = vector.broadcast %add3A_1139 : f32 to vector<512x1xf32>
      %add3A_1141 = arith.addf %sub3A_1138, %add3A_1140 : vector<512x1xf32>
      %mul3A_1142 = arith.mulf %add3A_1137, %add3A_1141 : vector<512x1xf32>
      %get3A_1143 = arith.constant 0 : index
      %get3A_1144 = arith.index_cast %multiple_of3A_1121 : i32 to index
      %get3A_1145 = vector.load %arg1[%get3A_1143, %get3A_1144] : memref<8x5120xf32, #tpu.memory_space<vmem>>, vector<1x512xf32>
      %get3A_1146 = arith.constant 1 : index
      %get3A_1147 = arith.index_cast %multiple_of3A_1121 : i32 to index
      %get3A_1148 = vector.load %arg1[%get3A_1146, %get3A_1147] : memref<8x5120xf32, #tpu.memory_space<vmem>>, vector<1x512xf32>
      %get3A_1149 = arith.constant 2 : index
      %get3A_1150 = arith.index_cast %multiple_of3A_1121 : i32 to index
      %get3A_1151 = vector.load %arg1[%get3A_1149, %get3A_1150] : memref<8x5120xf32, #tpu.memory_space<vmem>>, vector<1x512xf32>
      %get3A_1152 = arith.constant 3 : index
      %get3A_1153 = arith.index_cast %multiple_of3A_1121 : i32 to index
      %get3A_1154 = vector.load %arg1[%get3A_1152, %get3A_1153] : memref<8x5120xf32, #tpu.memory_space<vmem>>, vector<1x512xf32>
      %sub3A_1155 = arith.subf %get3A_1151, %get3A_1145 : vector<1x512xf32>
      %add3A_1156 = arith.constant 1.000000e+00 : f32
      %add3A_1157 = vector.broadcast %add3A_1156 : f32 to vector<1x512xf32>
      %add3A_1158 = arith.addf %sub3A_1155, %add3A_1157 : vector<1x512xf32>
      %sub3A_1159 = arith.subf %get3A_1154, %get3A_1148 : vector<1x512xf32>
      %add3A_1160 = arith.constant 1.000000e+00 : f32
      %add3A_1161 = vector.broadcast %add3A_1160 : f32 to vector<1x512xf32>
      %add3A_1162 = arith.addf %sub3A_1159, %add3A_1161 : vector<1x512xf32>
      %mul3A_1163 = arith.mulf %add3A_1158, %add3A_1162 : vector<1x512xf32>
      %max3A_1164 = vector.broadcast %get3A_1124 : vector<512x1xf32> to vector<512x512xf32>
      %max3A_1165 = vector.broadcast %get3A_1145 : vector<1x512xf32> to vector<512x512xf32>
      %max3A_1166 = arith.maximumf %max3A_1164, %max3A_1165 : vector<512x512xf32>
      %max3A_1167 = vector.broadcast %get3A_1127 : vector<512x1xf32> to vector<512x512xf32>
      %max3A_1168 = vector.broadcast %get3A_1148 : vector<1x512xf32> to vector<512x512xf32>
      %max3A_1169 = arith.maximumf %max3A_1167, %max3A_1168 : vector<512x512xf32>
      %min3A_1170 = vector.broadcast %get3A_1130 : vector<512x1xf32> to vector<512x512xf32>
      %min3A_1171 = vector.broadcast %get3A_1151 : vector<1x512xf32> to vector<512x512xf32>
      %min3A_1172 = arith.minimumf %min3A_1170, %min3A_1171 : vector<512x512xf32>
      %min3A_1173 = vector.broadcast %get3A_1133 : vector<512x1xf32> to vector<512x512xf32>
      %min3A_1174 = vector.broadcast %get3A_1154 : vector<1x512xf32> to vector<512x512xf32>
      %min3A_1175 = arith.minimumf %min3A_1173, %min3A_1174 : vector<512x512xf32>
      %sub3A_1176 = arith.subf %min3A_1172, %max3A_1166 : vector<512x512xf32>
      %add3A_1177 = arith.constant 1.000000e+00 : f32
      %add3A_1178 = vector.broadcast %add3A_1177 : f32 to vector<512x512xf32>
      %add3A_1179 = arith.addf %sub3A_1176, %add3A_1178 : vector<512x512xf32>
      %max3A_1180 = arith.constant 0.000000e+00 : f32
      %max3A_1181 = vector.broadcast %max3A_1180 : f32 to vector<512x512xf32>
      %max3A_1182 = arith.maximumf %add3A_1179, %max3A_1181 : vector<512x512xf32>
      %sub3A_1183 = arith.subf %min3A_1175, %max3A_1169 : vector<512x512xf32>
      %add3A_1184 = arith.constant 1.000000e+00 : f32
      %add3A_1185 = vector.broadcast %add3A_1184 : f32 to vector<512x512xf32>
      %add3A_1186 = arith.addf %sub3A_1183, %add3A_1185 : vector<512x512xf32>
      %max3A_1187 = arith.constant 0.000000e+00 : f32
      %max3A_1188 = vector.broadcast %max3A_1187 : f32 to vector<512x512xf32>
      %max3A_1189 = arith.maximumf %add3A_1186, %max3A_1188 : vector<512x512xf32>
      %mul3A_1190 = arith.mulf %max3A_1182, %max3A_1189 : vector<512x512xf32>
      %add3A_1191 = vector.broadcast %mul3A_1142 : vector<512x1xf32> to vector<512x512xf32>
      %add3A_1192 = vector.broadcast %mul3A_1163 : vector<1x512xf32> to vector<512x512xf32>
      %add3A_1193 = arith.addf %add3A_1191, %add3A_1192 : vector<512x512xf32>
      %sub3A_1194 = arith.subf %add3A_1193, %mul3A_1190 : vector<512x512xf32>
      %div3A_1195 = arith.divf %mul3A_1190, %sub3A_1194 : vector<512x512xf32>
      %gt3A_1196 = arith.constant 3.000000e-01 : f32
      %gt3A_1197 = vector.broadcast %gt3A_1196 : f32 to vector<512x512xf32>
      %gt3A_1198 = arith.cmpf ogt, %div3A_1195, %gt3A_1197 : vector<512x512xf32>
      %convert_element_type3A_1199 = arith.extui %gt3A_1198 : vector<512x512xi1> to vector<512x512xi32>
      %convert_element_type3A_1200 = arith.sitofp %convert_element_type3A_1199 : vector<512x512xi32> to vector<512x512xf32>
      %dot_general3A_1201 = arith.constant dense<0.000000e+00> : vector<1x512xf32>
      %dot_general3A_1202 = tpu.matmul %while3A_341#0, %convert_element_type3A_1200, %dot_general3A_1201 {dimension_numbers = #tpu.dot_dimension_numbers<[1], [0], [0], [1], [0, 0, 1, 1], [], []>, transpose_lhs_hint = false} : vector<1x512xf32>, vector<512x512xf32>, vector<1x512xf32> -> vector<1x512xf32>
      %get3A_1203 = arith.constant 0 : index
      %get3A_1204 = arith.index_cast %multiple_of3A_1121 : i32 to index
      %get3A_1205 = vector.load %arg2[%get3A_1203, %get3A_1204] : memref<1x5120xf32, #tpu.memory_space<vmem>>, vector<1x512xf32>
      %lt3A_1206 = arith.constant 5.000000e-01 : f32
      %lt3A_1207 = vector.broadcast %lt3A_1206 : f32 to vector<1x512xf32>
      %lt3A_1208 = arith.cmpf olt, %dot_general3A_1202, %lt3A_1207 : vector<1x512xf32>
      %convert_element_type3A_1209 = arith.extui %lt3A_1208 : vector<1x512xi1> to vector<1x512xi32>
      %convert_element_type3A_1210 = arith.sitofp %convert_element_type3A_1209 : vector<1x512xi32> to vector<1x512xf32>
      %mul3A_1211 = arith.mulf %get3A_1205, %convert_element_type3A_1210 : vector<1x512xf32>
      %swap3A_1212 = arith.constant 0 : index
      %swap3A_1213 = arith.index_cast %multiple_of3A_1121 : i32 to index
      %swap3A_1214 = vector.load %arg2[%swap3A_1212, %swap3A_1213] : memref<1x5120xf32, #tpu.memory_space<vmem>>, vector<1x512xf32>
      tpu.vector_store %arg2[%swap3A_1212, %swap3A_1213], %mul3A_1211 {strides = array<i32>} : memref<1x5120xf32, #tpu.memory_space<vmem>>, vector<1x512xf32>,
    }
    %scan3A_349 = arith.constant 7 : i32
    %get3A_350 = arith.constant 1536 : index
    %get3A_351 = arith.constant 0 : index
    %get3A_352 = vector.load %arg0[%get3A_350, %get3A_351] : memref<5120x128xf32, #tpu.memory_space<vmem>>, vector<512x1xf32>
    %get3A_353 = arith.constant 1536 : index
    %get3A_354 = arith.constant 1 : index
    %get3A_355 = vector.load %arg0[%get3A_353, %get3A_354] : memref<5120x128xf32, #tpu.memory_space<vmem>>, vector<512x1xf32>
    %get3A_356 = arith.constant 1536 : index
    %get3A_357 = arith.constant 2 : index
    %get3A_358 = vector.load %arg0[%get3A_356, %get3A_357] : memref<5120x128xf32, #tpu.memory_space<vmem>>, vector<512x1xf32>
    %get3A_359 = arith.constant 1536 : index
    %get3A_360 = arith.constant 3 : index
    %get3A_361 = vector.load %arg0[%get3A_359, %get3A_360] : memref<5120x128xf32, #tpu.memory_space<vmem>>, vector<512x1xf32>
    %sub3A_362 = arith.subf %get3A_358, %get3A_352 : vector<512x1xf32>
    %add3A_363 = arith.constant 1.000000e+00 : f32
    %add3A_364 = vector.broadcast %add3A_363 : f32 to vector<512x1xf32>
    %add3A_365 = arith.addf %sub3A_362, %add3A_364 : vector<512x1xf32>
    %sub3A_366 = arith.subf %get3A_361, %get3A_355 : vector<512x1xf32>
    %add3A_367 = arith.constant 1.000000e+00 : f32
    %add3A_368 = vector.broadcast %add3A_367 : f32 to vector<512x1xf32>
    %add3A_369 = arith.addf %sub3A_366, %add3A_368 : vector<512x1xf32>
    %mul3A_370 = arith.mulf %add3A_365, %add3A_369 : vector<512x1xf32>
    %get3A_371 = arith.constant 0 : index
    %get3A_372 = arith.constant 1536 : index
    %get3A_373 = vector.load %arg1[%get3A_371, %get3A_372] : memref<8x5120xf32, #tpu.memory_space<vmem>>, vector<1x512xf32>
    %get3A_374 = arith.constant 1 : index
    %get3A_375 = arith.constant 1536 : index
    %get3A_376 = vector.load %arg1[%get3A_374, %get3A_375] : memref<8x5120xf32, #tpu.memory_space<vmem>>, vector<1x512xf32>
    %get3A_377 = arith.constant 2 : index
    %get3A_378 = arith.constant 1536 : index
    %get3A_379 = vector.load %arg1[%get3A_377, %get3A_378] : memref<8x5120xf32, #tpu.memory_space<vmem>>, vector<1x512xf32>
    %get3A_380 = arith.constant 3 : index
    %get3A_381 = arith.constant 1536 : index
    %get3A_382 = vector.load %arg1[%get3A_380, %get3A_381] : memref<8x5120xf32, #tpu.memory_space<vmem>>, vector<1x512xf32>
    %sub3A_383 = arith.subf %get3A_379, %get3A_373 : vector<1x512xf32>
    %add3A_384 = arith.constant 1.000000e+00 : f32
    %add3A_385 = vector.broadcast %add3A_384 : f32 to vector<1x512xf32>
    %add3A_386 = arith.addf %sub3A_383, %add3A_385 : vector<1x512xf32>
    %sub3A_387 = arith.subf %get3A_382, %get3A_376 : vector<1x512xf32>
    %add3A_388 = arith.constant 1.000000e+00 : f32
    %add3A_389 = vector.broadcast %add3A_388 : f32 to vector<1x512xf32>
    %add3A_390 = arith.addf %sub3A_387, %add3A_389 : vector<1x512xf32>
    %mul3A_391 = arith.mulf %add3A_386, %add3A_390 : vector<1x512xf32>
    %max3A_392 = vector.broadcast %get3A_352 : vector<512x1xf32> to vector<512x512xf32>
    %max3A_393 = vector.broadcast %get3A_373 : vector<1x512xf32> to vector<512x512xf32>
    %max3A_394 = arith.maximumf %max3A_392, %max3A_393 : vector<512x512xf32>
    %max3A_395 = vector.broadcast %get3A_355 : vector<512x1xf32> to vector<512x512xf32>
    %max3A_396 = vector.broadcast %get3A_376 : vector<1x512xf32> to vector<512x512xf32>
    %max3A_397 = arith.maximumf %max3A_395, %max3A_396 : vector<512x512xf32>
    %min3A_398 = vector.broadcast %get3A_358 : vector<512x1xf32> to vector<512x512xf32>
    %min3A_399 = vector.broadcast %get3A_379 : vector<1x512xf32> to vector<512x512xf32>
    %min3A_400 = arith.minimumf %min3A_398, %min3A_399 : vector<512x512xf32>
    %min3A_401 = vector.broadcast %get3A_361 : vector<512x1xf32> to vector<512x512xf32>
    %min3A_402 = vector.broadcast %get3A_382 : vector<1x512xf32> to vector<512x512xf32>
    %min3A_403 = arith.minimumf %min3A_401, %min3A_402 : vector<512x512xf32>
    %sub3A_404 = arith.subf %min3A_400, %max3A_394 : vector<512x512xf32>
    %add3A_405 = arith.constant 1.000000e+00 : f32
    %add3A_406 = vector.broadcast %add3A_405 : f32 to vector<512x512xf32>
    %add3A_407 = arith.addf %sub3A_404, %add3A_406 : vector<512x512xf32>
    %max3A_408 = arith.constant 0.000000e+00 : f32
    %max3A_409 = vector.broadcast %max3A_408 : f32 to vector<512x512xf32>
    %max3A_410 = arith.maximumf %add3A_407, %max3A_409 : vector<512x512xf32>
    %sub3A_411 = arith.subf %min3A_403, %max3A_397 : vector<512x512xf32>
    %add3A_412 = arith.constant 1.000000e+00 : f32
    %add3A_413 = vector.broadcast %add3A_412 : f32 to vector<512x512xf32>
    %add3A_414 = arith.addf %sub3A_411, %add3A_413 : vector<512x512xf32>
    %max3A_415 = arith.constant 0.000000e+00 : f32
    %max3A_416 = vector.broadcast %max3A_415 : f32 to vector<512x512xf32>
    %max3A_417 = arith.maximumf %add3A_414, %max3A_416 : vector<512x512xf32>
    %mul3A_418 = arith.mulf %max3A_410, %max3A_417 : vector<512x512xf32>
    %add3A_419 = vector.broadcast %mul3A_370 : vector<512x1xf32> to vector<512x512xf32>
    %add3A_420 = vector.broadcast %mul3A_391 : vector<1x512xf32> to vector<512x512xf32>
    %add3A_421 = arith.addf %add3A_419, %add3A_420 : vector<512x512xf32>
    %sub3A_422 = arith.subf %add3A_421, %mul3A_418 : vector<512x512xf32>
    %div3A_423 = arith.divf %mul3A_418, %sub3A_422 : vector<512x512xf32>
    %gt3A_424 = arith.constant 3.000000e-01 : f32
    %gt3A_425 = vector.broadcast %gt3A_424 : f32 to vector<512x512xf32>
    %gt3A_426 = arith.cmpf ogt, %div3A_423, %gt3A_425 : vector<512x512xf32>
    %and3A_427 = arith.andi %gt3A_426, %gt3A : vector<512x512xi1>
    %convert_element_type3A_428 = arith.extui %and3A_427 : vector<512x512xi1> to vector<512x512xi32>
    %convert_element_type3A_429 = arith.sitofp %convert_element_type3A_428 : vector<512x512xi32> to vector<512x512xf32>
    %swap3A_430 = arith.constant 0 : index
    %swap3A_431 = arith.constant 0 : index
    %swap3A_432 = vector.load %arg3[%swap3A_430, %swap3A_431] : memref<512x512xf32, #tpu.memory_space<vmem>>, vector<512x512xf32>
    tpu.vector_store %arg3[%swap3A_430, %swap3A_431], %convert_element_type3A_429 {strides = array<i32>} : memref<512x512xf32, #tpu.memory_space<vmem>>, vector<512x512xf32>,
    %get3A_433 = arith.constant 0 : index
    %get3A_434 = arith.constant 1536 : index
    %get3A_435 = vector.load %arg2[%get3A_433, %get3A_434] : memref<1x5120xf32, #tpu.memory_space<vmem>>, vector<1x512xf32>
    %while3A_436 = arith.constant true
    %while3A_437:2 = scf.while (%while3A_1118 = %get3A_435, %while3A_1119 = %while3A_436) : (vector<1x512xf32>, i1) -> (vector<1x512xf32>, i1) {
      scf.condition(%while3A_1119) %while3A_1118, %while3A_1119 : vector<1x512xf32>, i1
    } do {
    ^bb0(%while3A_1118: vector<1x512xf32>, %while3A_1119: i1):
      %get3A_1120 = arith.constant 0 : index
      %get3A_1121 = arith.constant 0 : index
      %get3A_1122 = vector.load %arg3[%get3A_1120, %get3A_1121] : memref<512x512xf32, #tpu.memory_space<vmem>>, vector<512x512xf32>
      %dot_general3A_1123 = arith.constant dense<0.000000e+00> : vector<1x512xf32>
      %dot_general3A_1124 = tpu.matmul %while3A_1118, %get3A_1122, %dot_general3A_1123 {dimension_numbers = #tpu.dot_dimension_numbers<[1], [0], [0], [1], [0, 0, 1, 1], [], []>, transpose_lhs_hint = false} : vector<1x512xf32>, vector<512x512xf32>, vector<1x512xf32> -> vector<1x512xf32>
      %lt3A_1125 = arith.constant 5.000000e-01 : f32
      %lt3A_1126 = vector.broadcast %lt3A_1125 : f32 to vector<1x512xf32>
      %lt3A_1127 = arith.cmpf olt, %dot_general3A_1124, %lt3A_1126 : vector<1x512xf32>
      %convert_element_type3A_1128 = arith.extui %lt3A_1127 : vector<1x512xi1> to vector<1x512xi32>
      %convert_element_type3A_1129 = arith.sitofp %convert_element_type3A_1128 : vector<1x512xi32> to vector<1x512xf32>
      %mul3A_1130 = arith.mulf %get3A_435, %convert_element_type3A_1129 : vector<1x512xf32>
      %ne3A = arith.cmpf one, %mul3A_1130, %while3A_1118 : vector<1x512xf32>
      %reduce_or3A = arith.constant 1.000000e+00 : f32
      %reduce_or3A_1131 = arith.constant 0.000000e+00 : f32
      %reduce_or3A_1132 = vector.broadcast %reduce_or3A : f32 to vector<1x512xf32>
      %reduce_or3A_1133 = vector.broadcast %reduce_or3A_1131 : f32 to vector<1x512xf32>
      %reduce_or3A_1134 = arith.select %ne3A, %reduce_or3A_1132, %reduce_or3A_1133 : vector<1x512xi1>, vector<1x512xf32>
      %reduce_or3A_1135 = vector.shape_cast %reduce_or3A_1134 : vector<1x512xf32> to vector<1x1x512xf32>
      %reduce_or3A_1136 = arith.constant dense<0xFF800000> : vector<1xf32>
      %reduce_or3A_1137 = vector.multi_reduction <maximumf>, %reduce_or3A_1135, %reduce_or3A_1136 [1, 2] : vector<1x1x512xf32> to vector<1xf32>
      %reduce_or3A_1138 = vector.shape_cast %reduce_or3A_1137 : vector<1xf32> to vector<1x1x1xf32>
      %reduce_or3A_1139 = vector.extract %reduce_or3A_1138[0, 0, 0] : f32 from vector<1x1x1xf32>
      %reduce_or3A_1140 = arith.constant 0.000000e+00 : f32
      %reduce_or3A_1141 = arith.cmpf ogt, %reduce_or3A_1139, %reduce_or3A_1140 : f32
      scf.yield %mul3A_1130, %reduce_or3A_1141 : vector<1x512xf32>, i1
    }
    %swap3A_438 = arith.constant 0 : index
    %swap3A_439 = arith.constant 1536 : index
    %swap3A_440 = vector.load %arg2[%swap3A_438, %swap3A_439] : memref<1x5120xf32, #tpu.memory_space<vmem>>, vector<1x512xf32>
    tpu.vector_store %arg2[%swap3A_438, %swap3A_439], %while3A_437#0 {strides = array<i32>} : memref<1x5120xf32, #tpu.memory_space<vmem>>, vector<1x512xf32>,
    %scan3A_441 = arith.constant 4 : i32
    %scan3A_442 = arith.constant 6 : i32
    %scan3A_443 = arith.addi %scan3A_441, %scan3A_442 : i32
    %scan3A_444 = arith.constant 1 : i32
    scf.for %scan3A_1118 = %scan3A_441 to %scan3A_443 step %scan3A_444  : i32 {
      %mul3A_1119 = arith.constant 512 : i32
      %mul3A_1120 = arith.muli %scan3A_1118, %mul3A_1119 : i32
      %multiple_of3A_1121 = tpu.assume_multiple %mul3A_1120, 512 : i32
      %get3A_1122 = arith.constant 1536 : index
      %get3A_1123 = arith.constant 0 : index
      %get3A_1124 = vector.load %arg0[%get3A_1122, %get3A_1123] : memref<5120x128xf32, #tpu.memory_space<vmem>>, vector<512x1xf32>
      %get3A_1125 = arith.constant 1536 : index
      %get3A_1126 = arith.constant 1 : index
      %get3A_1127 = vector.load %arg0[%get3A_1125, %get3A_1126] : memref<5120x128xf32, #tpu.memory_space<vmem>>, vector<512x1xf32>
      %get3A_1128 = arith.constant 1536 : index
      %get3A_1129 = arith.constant 2 : index
      %get3A_1130 = vector.load %arg0[%get3A_1128, %get3A_1129] : memref<5120x128xf32, #tpu.memory_space<vmem>>, vector<512x1xf32>
      %get3A_1131 = arith.constant 1536 : index
      %get3A_1132 = arith.constant 3 : index
      %get3A_1133 = vector.load %arg0[%get3A_1131, %get3A_1132] : memref<5120x128xf32, #tpu.memory_space<vmem>>, vector<512x1xf32>
      %sub3A_1134 = arith.subf %get3A_1130, %get3A_1124 : vector<512x1xf32>
      %add3A_1135 = arith.constant 1.000000e+00 : f32
      %add3A_1136 = vector.broadcast %add3A_1135 : f32 to vector<512x1xf32>
      %add3A_1137 = arith.addf %sub3A_1134, %add3A_1136 : vector<512x1xf32>
      %sub3A_1138 = arith.subf %get3A_1133, %get3A_1127 : vector<512x1xf32>
      %add3A_1139 = arith.constant 1.000000e+00 : f32
      %add3A_1140 = vector.broadcast %add3A_1139 : f32 to vector<512x1xf32>
      %add3A_1141 = arith.addf %sub3A_1138, %add3A_1140 : vector<512x1xf32>
      %mul3A_1142 = arith.mulf %add3A_1137, %add3A_1141 : vector<512x1xf32>
      %get3A_1143 = arith.constant 0 : index
      %get3A_1144 = arith.index_cast %multiple_of3A_1121 : i32 to index
      %get3A_1145 = vector.load %arg1[%get3A_1143, %get3A_1144] : memref<8x5120xf32, #tpu.memory_space<vmem>>, vector<1x512xf32>
      %get3A_1146 = arith.constant 1 : index
      %get3A_1147 = arith.index_cast %multiple_of3A_1121 : i32 to index
      %get3A_1148 = vector.load %arg1[%get3A_1146, %get3A_1147] : memref<8x5120xf32, #tpu.memory_space<vmem>>, vector<1x512xf32>
      %get3A_1149 = arith.constant 2 : index
      %get3A_1150 = arith.index_cast %multiple_of3A_1121 : i32 to index
      %get3A_1151 = vector.load %arg1[%get3A_1149, %get3A_1150] : memref<8x5120xf32, #tpu.memory_space<vmem>>, vector<1x512xf32>
      %get3A_1152 = arith.constant 3 : index
      %get3A_1153 = arith.index_cast %multiple_of3A_1121 : i32 to index
      %get3A_1154 = vector.load %arg1[%get3A_1152, %get3A_1153] : memref<8x5120xf32, #tpu.memory_space<vmem>>, vector<1x512xf32>
      %sub3A_1155 = arith.subf %get3A_1151, %get3A_1145 : vector<1x512xf32>
      %add3A_1156 = arith.constant 1.000000e+00 : f32
      %add3A_1157 = vector.broadcast %add3A_1156 : f32 to vector<1x512xf32>
      %add3A_1158 = arith.addf %sub3A_1155, %add3A_1157 : vector<1x512xf32>
      %sub3A_1159 = arith.subf %get3A_1154, %get3A_1148 : vector<1x512xf32>
      %add3A_1160 = arith.constant 1.000000e+00 : f32
      %add3A_1161 = vector.broadcast %add3A_1160 : f32 to vector<1x512xf32>
      %add3A_1162 = arith.addf %sub3A_1159, %add3A_1161 : vector<1x512xf32>
      %mul3A_1163 = arith.mulf %add3A_1158, %add3A_1162 : vector<1x512xf32>
      %max3A_1164 = vector.broadcast %get3A_1124 : vector<512x1xf32> to vector<512x512xf32>
      %max3A_1165 = vector.broadcast %get3A_1145 : vector<1x512xf32> to vector<512x512xf32>
      %max3A_1166 = arith.maximumf %max3A_1164, %max3A_1165 : vector<512x512xf32>
      %max3A_1167 = vector.broadcast %get3A_1127 : vector<512x1xf32> to vector<512x512xf32>
      %max3A_1168 = vector.broadcast %get3A_1148 : vector<1x512xf32> to vector<512x512xf32>
      %max3A_1169 = arith.maximumf %max3A_1167, %max3A_1168 : vector<512x512xf32>
      %min3A_1170 = vector.broadcast %get3A_1130 : vector<512x1xf32> to vector<512x512xf32>
      %min3A_1171 = vector.broadcast %get3A_1151 : vector<1x512xf32> to vector<512x512xf32>
      %min3A_1172 = arith.minimumf %min3A_1170, %min3A_1171 : vector<512x512xf32>
      %min3A_1173 = vector.broadcast %get3A_1133 : vector<512x1xf32> to vector<512x512xf32>
      %min3A_1174 = vector.broadcast %get3A_1154 : vector<1x512xf32> to vector<512x512xf32>
      %min3A_1175 = arith.minimumf %min3A_1173, %min3A_1174 : vector<512x512xf32>
      %sub3A_1176 = arith.subf %min3A_1172, %max3A_1166 : vector<512x512xf32>
      %add3A_1177 = arith.constant 1.000000e+00 : f32
      %add3A_1178 = vector.broadcast %add3A_1177 : f32 to vector<512x512xf32>
      %add3A_1179 = arith.addf %sub3A_1176, %add3A_1178 : vector<512x512xf32>
      %max3A_1180 = arith.constant 0.000000e+00 : f32
      %max3A_1181 = vector.broadcast %max3A_1180 : f32 to vector<512x512xf32>
      %max3A_1182 = arith.maximumf %add3A_1179, %max3A_1181 : vector<512x512xf32>
      %sub3A_1183 = arith.subf %min3A_1175, %max3A_1169 : vector<512x512xf32>
      %add3A_1184 = arith.constant 1.000000e+00 : f32
      %add3A_1185 = vector.broadcast %add3A_1184 : f32 to vector<512x512xf32>
      %add3A_1186 = arith.addf %sub3A_1183, %add3A_1185 : vector<512x512xf32>
      %max3A_1187 = arith.constant 0.000000e+00 : f32
      %max3A_1188 = vector.broadcast %max3A_1187 : f32 to vector<512x512xf32>
      %max3A_1189 = arith.maximumf %add3A_1186, %max3A_1188 : vector<512x512xf32>
      %mul3A_1190 = arith.mulf %max3A_1182, %max3A_1189 : vector<512x512xf32>
      %add3A_1191 = vector.broadcast %mul3A_1142 : vector<512x1xf32> to vector<512x512xf32>
      %add3A_1192 = vector.broadcast %mul3A_1163 : vector<1x512xf32> to vector<512x512xf32>
      %add3A_1193 = arith.addf %add3A_1191, %add3A_1192 : vector<512x512xf32>
      %sub3A_1194 = arith.subf %add3A_1193, %mul3A_1190 : vector<512x512xf32>
      %div3A_1195 = arith.divf %mul3A_1190, %sub3A_1194 : vector<512x512xf32>
      %gt3A_1196 = arith.constant 3.000000e-01 : f32
      %gt3A_1197 = vector.broadcast %gt3A_1196 : f32 to vector<512x512xf32>
      %gt3A_1198 = arith.cmpf ogt, %div3A_1195, %gt3A_1197 : vector<512x512xf32>
      %convert_element_type3A_1199 = arith.extui %gt3A_1198 : vector<512x512xi1> to vector<512x512xi32>
      %convert_element_type3A_1200 = arith.sitofp %convert_element_type3A_1199 : vector<512x512xi32> to vector<512x512xf32>
      %dot_general3A_1201 = arith.constant dense<0.000000e+00> : vector<1x512xf32>
      %dot_general3A_1202 = tpu.matmul %while3A_437#0, %convert_element_type3A_1200, %dot_general3A_1201 {dimension_numbers = #tpu.dot_dimension_numbers<[1], [0], [0], [1], [0, 0, 1, 1], [], []>, transpose_lhs_hint = false} : vector<1x512xf32>, vector<512x512xf32>, vector<1x512xf32> -> vector<1x512xf32>
      %get3A_1203 = arith.constant 0 : index
      %get3A_1204 = arith.index_cast %multiple_of3A_1121 : i32 to index
      %get3A_1205 = vector.load %arg2[%get3A_1203, %get3A_1204] : memref<1x5120xf32, #tpu.memory_space<vmem>>, vector<1x512xf32>
      %lt3A_1206 = arith.constant 5.000000e-01 : f32
      %lt3A_1207 = vector.broadcast %lt3A_1206 : f32 to vector<1x512xf32>
      %lt3A_1208 = arith.cmpf olt, %dot_general3A_1202, %lt3A_1207 : vector<1x512xf32>
      %convert_element_type3A_1209 = arith.extui %lt3A_1208 : vector<1x512xi1> to vector<1x512xi32>
      %convert_element_type3A_1210 = arith.sitofp %convert_element_type3A_1209 : vector<1x512xi32> to vector<1x512xf32>
      %mul3A_1211 = arith.mulf %get3A_1205, %convert_element_type3A_1210 : vector<1x512xf32>
      %swap3A_1212 = arith.constant 0 : index
      %swap3A_1213 = arith.index_cast %multiple_of3A_1121 : i32 to index
      %swap3A_1214 = vector.load %arg2[%swap3A_1212, %swap3A_1213] : memref<1x5120xf32, #tpu.memory_space<vmem>>, vector<1x512xf32>
      tpu.vector_store %arg2[%swap3A_1212, %swap3A_1213], %mul3A_1211 {strides = array<i32>} : memref<1x5120xf32, #tpu.memory_space<vmem>>, vector<1x512xf32>,
    }
    %scan3A_445 = arith.constant 6 : i32
    %get3A_446 = arith.constant 2048 : index
    %get3A_447 = arith.constant 0 : index
    %get3A_448 = vector.load %arg0[%get3A_446, %get3A_447] : memref<5120x128xf32, #tpu.memory_space<vmem>>, vector<512x1xf32>
    %get3A_449 = arith.constant 2048 : index
    %get3A_450 = arith.constant 1 : index
    %get3A_451 = vector.load %arg0[%get3A_449, %get3A_450] : memref<5120x128xf32, #tpu.memory_space<vmem>>, vector<512x1xf32>
    %get3A_452 = arith.constant 2048 : index
    %get3A_453 = arith.constant 2 : index
    %get3A_454 = vector.load %arg0[%get3A_452, %get3A_453] : memref<5120x128xf32, #tpu.memory_space<vmem>>, vector<512x1xf32>
    %get3A_455 = arith.constant 2048 : index
    %get3A_456 = arith.constant 3 : index
    %get3A_457 = vector.load %arg0[%get3A_455, %get3A_456] : memref<5120x128xf32, #tpu.memory_space<vmem>>, vector<512x1xf32>
    %sub3A_458 = arith.subf %get3A_454, %get3A_448 : vector<512x1xf32>
    %add3A_459 = arith.constant 1.000000e+00 : f32
    %add3A_460 = vector.broadcast %add3A_459 : f32 to vector<512x1xf32>
    %add3A_461 = arith.addf %sub3A_458, %add3A_460 : vector<512x1xf32>
    %sub3A_462 = arith.subf %get3A_457, %get3A_451 : vector<512x1xf32>
    %add3A_463 = arith.constant 1.000000e+00 : f32
    %add3A_464 = vector.broadcast %add3A_463 : f32 to vector<512x1xf32>
    %add3A_465 = arith.addf %sub3A_462, %add3A_464 : vector<512x1xf32>
    %mul3A_466 = arith.mulf %add3A_461, %add3A_465 : vector<512x1xf32>
    %get3A_467 = arith.constant 0 : index
    %get3A_468 = arith.constant 2048 : index
    %get3A_469 = vector.load %arg1[%get3A_467, %get3A_468] : memref<8x5120xf32, #tpu.memory_space<vmem>>, vector<1x512xf32>
    %get3A_470 = arith.constant 1 : index
    %get3A_471 = arith.constant 2048 : index
    %get3A_472 = vector.load %arg1[%get3A_470, %get3A_471] : memref<8x5120xf32, #tpu.memory_space<vmem>>, vector<1x512xf32>
    %get3A_473 = arith.constant 2 : index
    %get3A_474 = arith.constant 2048 : index
    %get3A_475 = vector.load %arg1[%get3A_473, %get3A_474] : memref<8x5120xf32, #tpu.memory_space<vmem>>, vector<1x512xf32>
    %get3A_476 = arith.constant 3 : index
    %get3A_477 = arith.constant 2048 : index
    %get3A_478 = vector.load %arg1[%get3A_476, %get3A_477] : memref<8x5120xf32, #tpu.memory_space<vmem>>, vector<1x512xf32>
    %sub3A_479 = arith.subf %get3A_475, %get3A_469 : vector<1x512xf32>
    %add3A_480 = arith.constant 1.000000e+00 : f32
    %add3A_481 = vector.broadcast %add3A_480 : f32 to vector<1x512xf32>
    %add3A_482 = arith.addf %sub3A_479, %add3A_481 : vector<1x512xf32>
    %sub3A_483 = arith.subf %get3A_478, %get3A_472 : vector<1x512xf32>
    %add3A_484 = arith.constant 1.000000e+00 : f32
    %add3A_485 = vector.broadcast %add3A_484 : f32 to vector<1x512xf32>
    %add3A_486 = arith.addf %sub3A_483, %add3A_485 : vector<1x512xf32>
    %mul3A_487 = arith.mulf %add3A_482, %add3A_486 : vector<1x512xf32>
    %max3A_488 = vector.broadcast %get3A_448 : vector<512x1xf32> to vector<512x512xf32>
    %max3A_489 = vector.broadcast %get3A_469 : vector<1x512xf32> to vector<512x512xf32>
    %max3A_490 = arith.maximumf %max3A_488, %max3A_489 : vector<512x512xf32>
    %max3A_491 = vector.broadcast %get3A_451 : vector<512x1xf32> to vector<512x512xf32>
    %max3A_492 = vector.broadcast %get3A_472 : vector<1x512xf32> to vector<512x512xf32>
    %max3A_493 = arith.maximumf %max3A_491, %max3A_492 : vector<512x512xf32>
    %min3A_494 = vector.broadcast %get3A_454 : vector<512x1xf32> to vector<512x512xf32>
    %min3A_495 = vector.broadcast %get3A_475 : vector<1x512xf32> to vector<512x512xf32>
    %min3A_496 = arith.minimumf %min3A_494, %min3A_495 : vector<512x512xf32>
    %min3A_497 = vector.broadcast %get3A_457 : vector<512x1xf32> to vector<512x512xf32>
    %min3A_498 = vector.broadcast %get3A_478 : vector<1x512xf32> to vector<512x512xf32>
    %min3A_499 = arith.minimumf %min3A_497, %min3A_498 : vector<512x512xf32>
    %sub3A_500 = arith.subf %min3A_496, %max3A_490 : vector<512x512xf32>
    %add3A_501 = arith.constant 1.000000e+00 : f32
    %add3A_502 = vector.broadcast %add3A_501 : f32 to vector<512x512xf32>
    %add3A_503 = arith.addf %sub3A_500, %add3A_502 : vector<512x512xf32>
    %max3A_504 = arith.constant 0.000000e+00 : f32
    %max3A_505 = vector.broadcast %max3A_504 : f32 to vector<512x512xf32>
    %max3A_506 = arith.maximumf %add3A_503, %max3A_505 : vector<512x512xf32>
    %sub3A_507 = arith.subf %min3A_499, %max3A_493 : vector<512x512xf32>
    %add3A_508 = arith.constant 1.000000e+00 : f32
    %add3A_509 = vector.broadcast %add3A_508 : f32 to vector<512x512xf32>
    %add3A_510 = arith.addf %sub3A_507, %add3A_509 : vector<512x512xf32>
    %max3A_511 = arith.constant 0.000000e+00 : f32
    %max3A_512 = vector.broadcast %max3A_511 : f32 to vector<512x512xf32>
    %max3A_513 = arith.maximumf %add3A_510, %max3A_512 : vector<512x512xf32>
    %mul3A_514 = arith.mulf %max3A_506, %max3A_513 : vector<512x512xf32>
    %add3A_515 = vector.broadcast %mul3A_466 : vector<512x1xf32> to vector<512x512xf32>
    %add3A_516 = vector.broadcast %mul3A_487 : vector<1x512xf32> to vector<512x512xf32>
    %add3A_517 = arith.addf %add3A_515, %add3A_516 : vector<512x512xf32>
    %sub3A_518 = arith.subf %add3A_517, %mul3A_514 : vector<512x512xf32>
    %div3A_519 = arith.divf %mul3A_514, %sub3A_518 : vector<512x512xf32>
    %gt3A_520 = arith.constant 3.000000e-01 : f32
    %gt3A_521 = vector.broadcast %gt3A_520 : f32 to vector<512x512xf32>
    %gt3A_522 = arith.cmpf ogt, %div3A_519, %gt3A_521 : vector<512x512xf32>
    %and3A_523 = arith.andi %gt3A_522, %gt3A : vector<512x512xi1>
    %convert_element_type3A_524 = arith.extui %and3A_523 : vector<512x512xi1> to vector<512x512xi32>
    %convert_element_type3A_525 = arith.sitofp %convert_element_type3A_524 : vector<512x512xi32> to vector<512x512xf32>
    %swap3A_526 = arith.constant 0 : index
    %swap3A_527 = arith.constant 0 : index
    %swap3A_528 = vector.load %arg3[%swap3A_526, %swap3A_527] : memref<512x512xf32, #tpu.memory_space<vmem>>, vector<512x512xf32>
    tpu.vector_store %arg3[%swap3A_526, %swap3A_527], %convert_element_type3A_525 {strides = array<i32>} : memref<512x512xf32, #tpu.memory_space<vmem>>, vector<512x512xf32>,
    %get3A_529 = arith.constant 0 : index
    %get3A_530 = arith.constant 2048 : index
    %get3A_531 = vector.load %arg2[%get3A_529, %get3A_530] : memref<1x5120xf32, #tpu.memory_space<vmem>>, vector<1x512xf32>
    %while3A_532 = arith.constant true
    %while3A_533:2 = scf.while (%while3A_1118 = %get3A_531, %while3A_1119 = %while3A_532) : (vector<1x512xf32>, i1) -> (vector<1x512xf32>, i1) {
      scf.condition(%while3A_1119) %while3A_1118, %while3A_1119 : vector<1x512xf32>, i1
    } do {
    ^bb0(%while3A_1118: vector<1x512xf32>, %while3A_1119: i1):
      %get3A_1120 = arith.constant 0 : index
      %get3A_1121 = arith.constant 0 : index
      %get3A_1122 = vector.load %arg3[%get3A_1120, %get3A_1121] : memref<512x512xf32, #tpu.memory_space<vmem>>, vector<512x512xf32>
      %dot_general3A_1123 = arith.constant dense<0.000000e+00> : vector<1x512xf32>
      %dot_general3A_1124 = tpu.matmul %while3A_1118, %get3A_1122, %dot_general3A_1123 {dimension_numbers = #tpu.dot_dimension_numbers<[1], [0], [0], [1], [0, 0, 1, 1], [], []>, transpose_lhs_hint = false} : vector<1x512xf32>, vector<512x512xf32>, vector<1x512xf32> -> vector<1x512xf32>
      %lt3A_1125 = arith.constant 5.000000e-01 : f32
      %lt3A_1126 = vector.broadcast %lt3A_1125 : f32 to vector<1x512xf32>
      %lt3A_1127 = arith.cmpf olt, %dot_general3A_1124, %lt3A_1126 : vector<1x512xf32>
      %convert_element_type3A_1128 = arith.extui %lt3A_1127 : vector<1x512xi1> to vector<1x512xi32>
      %convert_element_type3A_1129 = arith.sitofp %convert_element_type3A_1128 : vector<1x512xi32> to vector<1x512xf32>
      %mul3A_1130 = arith.mulf %get3A_531, %convert_element_type3A_1129 : vector<1x512xf32>
      %ne3A = arith.cmpf one, %mul3A_1130, %while3A_1118 : vector<1x512xf32>
      %reduce_or3A = arith.constant 1.000000e+00 : f32
      %reduce_or3A_1131 = arith.constant 0.000000e+00 : f32
      %reduce_or3A_1132 = vector.broadcast %reduce_or3A : f32 to vector<1x512xf32>
      %reduce_or3A_1133 = vector.broadcast %reduce_or3A_1131 : f32 to vector<1x512xf32>
      %reduce_or3A_1134 = arith.select %ne3A, %reduce_or3A_1132, %reduce_or3A_1133 : vector<1x512xi1>, vector<1x512xf32>
      %reduce_or3A_1135 = vector.shape_cast %reduce_or3A_1134 : vector<1x512xf32> to vector<1x1x512xf32>
      %reduce_or3A_1136 = arith.constant dense<0xFF800000> : vector<1xf32>
      %reduce_or3A_1137 = vector.multi_reduction <maximumf>, %reduce_or3A_1135, %reduce_or3A_1136 [1, 2] : vector<1x1x512xf32> to vector<1xf32>
      %reduce_or3A_1138 = vector.shape_cast %reduce_or3A_1137 : vector<1xf32> to vector<1x1x1xf32>
      %reduce_or3A_1139 = vector.extract %reduce_or3A_1138[0, 0, 0] : f32 from vector<1x1x1xf32>
      %reduce_or3A_1140 = arith.constant 0.000000e+00 : f32
      %reduce_or3A_1141 = arith.cmpf ogt, %reduce_or3A_1139, %reduce_or3A_1140 : f32
      scf.yield %mul3A_1130, %reduce_or3A_1141 : vector<1x512xf32>, i1
    }
    %swap3A_534 = arith.constant 0 : index
    %swap3A_535 = arith.constant 2048 : index
    %swap3A_536 = vector.load %arg2[%swap3A_534, %swap3A_535] : memref<1x5120xf32, #tpu.memory_space<vmem>>, vector<1x512xf32>
    tpu.vector_store %arg2[%swap3A_534, %swap3A_535], %while3A_533#0 {strides = array<i32>} : memref<1x5120xf32, #tpu.memory_space<vmem>>, vector<1x512xf32>,
    %scan3A_537 = arith.constant 5 : i32
    %scan3A_538 = arith.constant 5 : i32
    %scan3A_539 = arith.addi %scan3A_537, %scan3A_538 : i32
    %scan3A_540 = arith.constant 1 : i32
    scf.for %scan3A_1118 = %scan3A_537 to %scan3A_539 step %scan3A_540  : i32 {
      %mul3A_1119 = arith.constant 512 : i32
      %mul3A_1120 = arith.muli %scan3A_1118, %mul3A_1119 : i32
      %multiple_of3A_1121 = tpu.assume_multiple %mul3A_1120, 512 : i32
      %get3A_1122 = arith.constant 2048 : index
      %get3A_1123 = arith.constant 0 : index
      %get3A_1124 = vector.load %arg0[%get3A_1122, %get3A_1123] : memref<5120x128xf32, #tpu.memory_space<vmem>>, vector<512x1xf32>
      %get3A_1125 = arith.constant 2048 : index
      %get3A_1126 = arith.constant 1 : index
      %get3A_1127 = vector.load %arg0[%get3A_1125, %get3A_1126] : memref<5120x128xf32, #tpu.memory_space<vmem>>, vector<512x1xf32>
      %get3A_1128 = arith.constant 2048 : index
      %get3A_1129 = arith.constant 2 : index
      %get3A_1130 = vector.load %arg0[%get3A_1128, %get3A_1129] : memref<5120x128xf32, #tpu.memory_space<vmem>>, vector<512x1xf32>
      %get3A_1131 = arith.constant 2048 : index
      %get3A_1132 = arith.constant 3 : index
      %get3A_1133 = vector.load %arg0[%get3A_1131, %get3A_1132] : memref<5120x128xf32, #tpu.memory_space<vmem>>, vector<512x1xf32>
      %sub3A_1134 = arith.subf %get3A_1130, %get3A_1124 : vector<512x1xf32>
      %add3A_1135 = arith.constant 1.000000e+00 : f32
      %add3A_1136 = vector.broadcast %add3A_1135 : f32 to vector<512x1xf32>
      %add3A_1137 = arith.addf %sub3A_1134, %add3A_1136 : vector<512x1xf32>
      %sub3A_1138 = arith.subf %get3A_1133, %get3A_1127 : vector<512x1xf32>
      %add3A_1139 = arith.constant 1.000000e+00 : f32
      %add3A_1140 = vector.broadcast %add3A_1139 : f32 to vector<512x1xf32>
      %add3A_1141 = arith.addf %sub3A_1138, %add3A_1140 : vector<512x1xf32>
      %mul3A_1142 = arith.mulf %add3A_1137, %add3A_1141 : vector<512x1xf32>
      %get3A_1143 = arith.constant 0 : index
      %get3A_1144 = arith.index_cast %multiple_of3A_1121 : i32 to index
      %get3A_1145 = vector.load %arg1[%get3A_1143, %get3A_1144] : memref<8x5120xf32, #tpu.memory_space<vmem>>, vector<1x512xf32>
      %get3A_1146 = arith.constant 1 : index
      %get3A_1147 = arith.index_cast %multiple_of3A_1121 : i32 to index
      %get3A_1148 = vector.load %arg1[%get3A_1146, %get3A_1147] : memref<8x5120xf32, #tpu.memory_space<vmem>>, vector<1x512xf32>
      %get3A_1149 = arith.constant 2 : index
      %get3A_1150 = arith.index_cast %multiple_of3A_1121 : i32 to index
      %get3A_1151 = vector.load %arg1[%get3A_1149, %get3A_1150] : memref<8x5120xf32, #tpu.memory_space<vmem>>, vector<1x512xf32>
      %get3A_1152 = arith.constant 3 : index
      %get3A_1153 = arith.index_cast %multiple_of3A_1121 : i32 to index
      %get3A_1154 = vector.load %arg1[%get3A_1152, %get3A_1153] : memref<8x5120xf32, #tpu.memory_space<vmem>>, vector<1x512xf32>
      %sub3A_1155 = arith.subf %get3A_1151, %get3A_1145 : vector<1x512xf32>
      %add3A_1156 = arith.constant 1.000000e+00 : f32
      %add3A_1157 = vector.broadcast %add3A_1156 : f32 to vector<1x512xf32>
      %add3A_1158 = arith.addf %sub3A_1155, %add3A_1157 : vector<1x512xf32>
      %sub3A_1159 = arith.subf %get3A_1154, %get3A_1148 : vector<1x512xf32>
      %add3A_1160 = arith.constant 1.000000e+00 : f32
      %add3A_1161 = vector.broadcast %add3A_1160 : f32 to vector<1x512xf32>
      %add3A_1162 = arith.addf %sub3A_1159, %add3A_1161 : vector<1x512xf32>
      %mul3A_1163 = arith.mulf %add3A_1158, %add3A_1162 : vector<1x512xf32>
      %max3A_1164 = vector.broadcast %get3A_1124 : vector<512x1xf32> to vector<512x512xf32>
      %max3A_1165 = vector.broadcast %get3A_1145 : vector<1x512xf32> to vector<512x512xf32>
      %max3A_1166 = arith.maximumf %max3A_1164, %max3A_1165 : vector<512x512xf32>
      %max3A_1167 = vector.broadcast %get3A_1127 : vector<512x1xf32> to vector<512x512xf32>
      %max3A_1168 = vector.broadcast %get3A_1148 : vector<1x512xf32> to vector<512x512xf32>
      %max3A_1169 = arith.maximumf %max3A_1167, %max3A_1168 : vector<512x512xf32>
      %min3A_1170 = vector.broadcast %get3A_1130 : vector<512x1xf32> to vector<512x512xf32>
      %min3A_1171 = vector.broadcast %get3A_1151 : vector<1x512xf32> to vector<512x512xf32>
      %min3A_1172 = arith.minimumf %min3A_1170, %min3A_1171 : vector<512x512xf32>
      %min3A_1173 = vector.broadcast %get3A_1133 : vector<512x1xf32> to vector<512x512xf32>
      %min3A_1174 = vector.broadcast %get3A_1154 : vector<1x512xf32> to vector<512x512xf32>
      %min3A_1175 = arith.minimumf %min3A_1173, %min3A_1174 : vector<512x512xf32>
      %sub3A_1176 = arith.subf %min3A_1172, %max3A_1166 : vector<512x512xf32>
      %add3A_1177 = arith.constant 1.000000e+00 : f32
      %add3A_1178 = vector.broadcast %add3A_1177 : f32 to vector<512x512xf32>
      %add3A_1179 = arith.addf %sub3A_1176, %add3A_1178 : vector<512x512xf32>
      %max3A_1180 = arith.constant 0.000000e+00 : f32
      %max3A_1181 = vector.broadcast %max3A_1180 : f32 to vector<512x512xf32>
      %max3A_1182 = arith.maximumf %add3A_1179, %max3A_1181 : vector<512x512xf32>
      %sub3A_1183 = arith.subf %min3A_1175, %max3A_1169 : vector<512x512xf32>
      %add3A_1184 = arith.constant 1.000000e+00 : f32
      %add3A_1185 = vector.broadcast %add3A_1184 : f32 to vector<512x512xf32>
      %add3A_1186 = arith.addf %sub3A_1183, %add3A_1185 : vector<512x512xf32>
      %max3A_1187 = arith.constant 0.000000e+00 : f32
      %max3A_1188 = vector.broadcast %max3A_1187 : f32 to vector<512x512xf32>
      %max3A_1189 = arith.maximumf %add3A_1186, %max3A_1188 : vector<512x512xf32>
      %mul3A_1190 = arith.mulf %max3A_1182, %max3A_1189 : vector<512x512xf32>
      %add3A_1191 = vector.broadcast %mul3A_1142 : vector<512x1xf32> to vector<512x512xf32>
      %add3A_1192 = vector.broadcast %mul3A_1163 : vector<1x512xf32> to vector<512x512xf32>
      %add3A_1193 = arith.addf %add3A_1191, %add3A_1192 : vector<512x512xf32>
      %sub3A_1194 = arith.subf %add3A_1193, %mul3A_1190 : vector<512x512xf32>
      %div3A_1195 = arith.divf %mul3A_1190, %sub3A_1194 : vector<512x512xf32>
      %gt3A_1196 = arith.constant 3.000000e-01 : f32
      %gt3A_1197 = vector.broadcast %gt3A_1196 : f32 to vector<512x512xf32>
      %gt3A_1198 = arith.cmpf ogt, %div3A_1195, %gt3A_1197 : vector<512x512xf32>
      %convert_element_type3A_1199 = arith.extui %gt3A_1198 : vector<512x512xi1> to vector<512x512xi32>
      %convert_element_type3A_1200 = arith.sitofp %convert_element_type3A_1199 : vector<512x512xi32> to vector<512x512xf32>
      %dot_general3A_1201 = arith.constant dense<0.000000e+00> : vector<1x512xf32>
      %dot_general3A_1202 = tpu.matmul %while3A_533#0, %convert_element_type3A_1200, %dot_general3A_1201 {dimension_numbers = #tpu.dot_dimension_numbers<[1], [0], [0], [1], [0, 0, 1, 1], [], []>, transpose_lhs_hint = false} : vector<1x512xf32>, vector<512x512xf32>, vector<1x512xf32> -> vector<1x512xf32>
      %get3A_1203 = arith.constant 0 : index
      %get3A_1204 = arith.index_cast %multiple_of3A_1121 : i32 to index
      %get3A_1205 = vector.load %arg2[%get3A_1203, %get3A_1204] : memref<1x5120xf32, #tpu.memory_space<vmem>>, vector<1x512xf32>
      %lt3A_1206 = arith.constant 5.000000e-01 : f32
      %lt3A_1207 = vector.broadcast %lt3A_1206 : f32 to vector<1x512xf32>
      %lt3A_1208 = arith.cmpf olt, %dot_general3A_1202, %lt3A_1207 : vector<1x512xf32>
      %convert_element_type3A_1209 = arith.extui %lt3A_1208 : vector<1x512xi1> to vector<1x512xi32>
      %convert_element_type3A_1210 = arith.sitofp %convert_element_type3A_1209 : vector<1x512xi32> to vector<1x512xf32>
      %mul3A_1211 = arith.mulf %get3A_1205, %convert_element_type3A_1210 : vector<1x512xf32>
      %swap3A_1212 = arith.constant 0 : index
      %swap3A_1213 = arith.index_cast %multiple_of3A_1121 : i32 to index
      %swap3A_1214 = vector.load %arg2[%swap3A_1212, %swap3A_1213] : memref<1x5120xf32, #tpu.memory_space<vmem>>, vector<1x512xf32>
      tpu.vector_store %arg2[%swap3A_1212, %swap3A_1213], %mul3A_1211 {strides = array<i32>} : memref<1x5120xf32, #tpu.memory_space<vmem>>, vector<1x512xf32>,
    }
    %scan3A_541 = arith.constant 5 : i32
    %get3A_542 = arith.constant 2560 : index
    %get3A_543 = arith.constant 0 : index
    %get3A_544 = vector.load %arg0[%get3A_542, %get3A_543] : memref<5120x128xf32, #tpu.memory_space<vmem>>, vector<512x1xf32>
    %get3A_545 = arith.constant 2560 : index
    %get3A_546 = arith.constant 1 : index
    %get3A_547 = vector.load %arg0[%get3A_545, %get3A_546] : memref<5120x128xf32, #tpu.memory_space<vmem>>, vector<512x1xf32>
    %get3A_548 = arith.constant 2560 : index
    %get3A_549 = arith.constant 2 : index
    %get3A_550 = vector.load %arg0[%get3A_548, %get3A_549] : memref<5120x128xf32, #tpu.memory_space<vmem>>, vector<512x1xf32>
    %get3A_551 = arith.constant 2560 : index
    %get3A_552 = arith.constant 3 : index
    %get3A_553 = vector.load %arg0[%get3A_551, %get3A_552] : memref<5120x128xf32, #tpu.memory_space<vmem>>, vector<512x1xf32>
    %sub3A_554 = arith.subf %get3A_550, %get3A_544 : vector<512x1xf32>
    %add3A_555 = arith.constant 1.000000e+00 : f32
    %add3A_556 = vector.broadcast %add3A_555 : f32 to vector<512x1xf32>
    %add3A_557 = arith.addf %sub3A_554, %add3A_556 : vector<512x1xf32>
    %sub3A_558 = arith.subf %get3A_553, %get3A_547 : vector<512x1xf32>
    %add3A_559 = arith.constant 1.000000e+00 : f32
    %add3A_560 = vector.broadcast %add3A_559 : f32 to vector<512x1xf32>
    %add3A_561 = arith.addf %sub3A_558, %add3A_560 : vector<512x1xf32>
    %mul3A_562 = arith.mulf %add3A_557, %add3A_561 : vector<512x1xf32>
    %get3A_563 = arith.constant 0 : index
    %get3A_564 = arith.constant 2560 : index
    %get3A_565 = vector.load %arg1[%get3A_563, %get3A_564] : memref<8x5120xf32, #tpu.memory_space<vmem>>, vector<1x512xf32>
    %get3A_566 = arith.constant 1 : index
    %get3A_567 = arith.constant 2560 : index
    %get3A_568 = vector.load %arg1[%get3A_566, %get3A_567] : memref<8x5120xf32, #tpu.memory_space<vmem>>, vector<1x512xf32>
    %get3A_569 = arith.constant 2 : index
    %get3A_570 = arith.constant 2560 : index
    %get3A_571 = vector.load %arg1[%get3A_569, %get3A_570] : memref<8x5120xf32, #tpu.memory_space<vmem>>, vector<1x512xf32>
    %get3A_572 = arith.constant 3 : index
    %get3A_573 = arith.constant 2560 : index
    %get3A_574 = vector.load %arg1[%get3A_572, %get3A_573] : memref<8x5120xf32, #tpu.memory_space<vmem>>, vector<1x512xf32>
    %sub3A_575 = arith.subf %get3A_571, %get3A_565 : vector<1x512xf32>
    %add3A_576 = arith.constant 1.000000e+00 : f32
    %add3A_577 = vector.broadcast %add3A_576 : f32 to vector<1x512xf32>
    %add3A_578 = arith.addf %sub3A_575, %add3A_577 : vector<1x512xf32>
    %sub3A_579 = arith.subf %get3A_574, %get3A_568 : vector<1x512xf32>
    %add3A_580 = arith.constant 1.000000e+00 : f32
    %add3A_581 = vector.broadcast %add3A_580 : f32 to vector<1x512xf32>
    %add3A_582 = arith.addf %sub3A_579, %add3A_581 : vector<1x512xf32>
    %mul3A_583 = arith.mulf %add3A_578, %add3A_582 : vector<1x512xf32>
    %max3A_584 = vector.broadcast %get3A_544 : vector<512x1xf32> to vector<512x512xf32>
    %max3A_585 = vector.broadcast %get3A_565 : vector<1x512xf32> to vector<512x512xf32>
    %max3A_586 = arith.maximumf %max3A_584, %max3A_585 : vector<512x512xf32>
    %max3A_587 = vector.broadcast %get3A_547 : vector<512x1xf32> to vector<512x512xf32>
    %max3A_588 = vector.broadcast %get3A_568 : vector<1x512xf32> to vector<512x512xf32>
    %max3A_589 = arith.maximumf %max3A_587, %max3A_588 : vector<512x512xf32>
    %min3A_590 = vector.broadcast %get3A_550 : vector<512x1xf32> to vector<512x512xf32>
    %min3A_591 = vector.broadcast %get3A_571 : vector<1x512xf32> to vector<512x512xf32>
    %min3A_592 = arith.minimumf %min3A_590, %min3A_591 : vector<512x512xf32>
    %min3A_593 = vector.broadcast %get3A_553 : vector<512x1xf32> to vector<512x512xf32>
    %min3A_594 = vector.broadcast %get3A_574 : vector<1x512xf32> to vector<512x512xf32>
    %min3A_595 = arith.minimumf %min3A_593, %min3A_594 : vector<512x512xf32>
    %sub3A_596 = arith.subf %min3A_592, %max3A_586 : vector<512x512xf32>
    %add3A_597 = arith.constant 1.000000e+00 : f32
    %add3A_598 = vector.broadcast %add3A_597 : f32 to vector<512x512xf32>
    %add3A_599 = arith.addf %sub3A_596, %add3A_598 : vector<512x512xf32>
    %max3A_600 = arith.constant 0.000000e+00 : f32
    %max3A_601 = vector.broadcast %max3A_600 : f32 to vector<512x512xf32>
    %max3A_602 = arith.maximumf %add3A_599, %max3A_601 : vector<512x512xf32>
    %sub3A_603 = arith.subf %min3A_595, %max3A_589 : vector<512x512xf32>
    %add3A_604 = arith.constant 1.000000e+00 : f32
    %add3A_605 = vector.broadcast %add3A_604 : f32 to vector<512x512xf32>
    %add3A_606 = arith.addf %sub3A_603, %add3A_605 : vector<512x512xf32>
    %max3A_607 = arith.constant 0.000000e+00 : f32
    %max3A_608 = vector.broadcast %max3A_607 : f32 to vector<512x512xf32>
    %max3A_609 = arith.maximumf %add3A_606, %max3A_608 : vector<512x512xf32>
    %mul3A_610 = arith.mulf %max3A_602, %max3A_609 : vector<512x512xf32>
    %add3A_611 = vector.broadcast %mul3A_562 : vector<512x1xf32> to vector<512x512xf32>
    %add3A_612 = vector.broadcast %mul3A_583 : vector<1x512xf32> to vector<512x512xf32>
    %add3A_613 = arith.addf %add3A_611, %add3A_612 : vector<512x512xf32>
    %sub3A_614 = arith.subf %add3A_613, %mul3A_610 : vector<512x512xf32>
    %div3A_615 = arith.divf %mul3A_610, %sub3A_614 : vector<512x512xf32>
    %gt3A_616 = arith.constant 3.000000e-01 : f32
    %gt3A_617 = vector.broadcast %gt3A_616 : f32 to vector<512x512xf32>
    %gt3A_618 = arith.cmpf ogt, %div3A_615, %gt3A_617 : vector<512x512xf32>
    %and3A_619 = arith.andi %gt3A_618, %gt3A : vector<512x512xi1>
    %convert_element_type3A_620 = arith.extui %and3A_619 : vector<512x512xi1> to vector<512x512xi32>
    %convert_element_type3A_621 = arith.sitofp %convert_element_type3A_620 : vector<512x512xi32> to vector<512x512xf32>
    %swap3A_622 = arith.constant 0 : index
    %swap3A_623 = arith.constant 0 : index
    %swap3A_624 = vector.load %arg3[%swap3A_622, %swap3A_623] : memref<512x512xf32, #tpu.memory_space<vmem>>, vector<512x512xf32>
    tpu.vector_store %arg3[%swap3A_622, %swap3A_623], %convert_element_type3A_621 {strides = array<i32>} : memref<512x512xf32, #tpu.memory_space<vmem>>, vector<512x512xf32>,
    %get3A_625 = arith.constant 0 : index
    %get3A_626 = arith.constant 2560 : index
    %get3A_627 = vector.load %arg2[%get3A_625, %get3A_626] : memref<1x5120xf32, #tpu.memory_space<vmem>>, vector<1x512xf32>
    %while3A_628 = arith.constant true
    %while3A_629:2 = scf.while (%while3A_1118 = %get3A_627, %while3A_1119 = %while3A_628) : (vector<1x512xf32>, i1) -> (vector<1x512xf32>, i1) {
      scf.condition(%while3A_1119) %while3A_1118, %while3A_1119 : vector<1x512xf32>, i1
    } do {
    ^bb0(%while3A_1118: vector<1x512xf32>, %while3A_1119: i1):
      %get3A_1120 = arith.constant 0 : index
      %get3A_1121 = arith.constant 0 : index
      %get3A_1122 = vector.load %arg3[%get3A_1120, %get3A_1121] : memref<512x512xf32, #tpu.memory_space<vmem>>, vector<512x512xf32>
      %dot_general3A_1123 = arith.constant dense<0.000000e+00> : vector<1x512xf32>
      %dot_general3A_1124 = tpu.matmul %while3A_1118, %get3A_1122, %dot_general3A_1123 {dimension_numbers = #tpu.dot_dimension_numbers<[1], [0], [0], [1], [0, 0, 1, 1], [], []>, transpose_lhs_hint = false} : vector<1x512xf32>, vector<512x512xf32>, vector<1x512xf32> -> vector<1x512xf32>
      %lt3A_1125 = arith.constant 5.000000e-01 : f32
      %lt3A_1126 = vector.broadcast %lt3A_1125 : f32 to vector<1x512xf32>
      %lt3A_1127 = arith.cmpf olt, %dot_general3A_1124, %lt3A_1126 : vector<1x512xf32>
      %convert_element_type3A_1128 = arith.extui %lt3A_1127 : vector<1x512xi1> to vector<1x512xi32>
      %convert_element_type3A_1129 = arith.sitofp %convert_element_type3A_1128 : vector<1x512xi32> to vector<1x512xf32>
      %mul3A_1130 = arith.mulf %get3A_627, %convert_element_type3A_1129 : vector<1x512xf32>
      %ne3A = arith.cmpf one, %mul3A_1130, %while3A_1118 : vector<1x512xf32>
      %reduce_or3A = arith.constant 1.000000e+00 : f32
      %reduce_or3A_1131 = arith.constant 0.000000e+00 : f32
      %reduce_or3A_1132 = vector.broadcast %reduce_or3A : f32 to vector<1x512xf32>
      %reduce_or3A_1133 = vector.broadcast %reduce_or3A_1131 : f32 to vector<1x512xf32>
      %reduce_or3A_1134 = arith.select %ne3A, %reduce_or3A_1132, %reduce_or3A_1133 : vector<1x512xi1>, vector<1x512xf32>
      %reduce_or3A_1135 = vector.shape_cast %reduce_or3A_1134 : vector<1x512xf32> to vector<1x1x512xf32>
      %reduce_or3A_1136 = arith.constant dense<0xFF800000> : vector<1xf32>
      %reduce_or3A_1137 = vector.multi_reduction <maximumf>, %reduce_or3A_1135, %reduce_or3A_1136 [1, 2] : vector<1x1x512xf32> to vector<1xf32>
      %reduce_or3A_1138 = vector.shape_cast %reduce_or3A_1137 : vector<1xf32> to vector<1x1x1xf32>
      %reduce_or3A_1139 = vector.extract %reduce_or3A_1138[0, 0, 0] : f32 from vector<1x1x1xf32>
      %reduce_or3A_1140 = arith.constant 0.000000e+00 : f32
      %reduce_or3A_1141 = arith.cmpf ogt, %reduce_or3A_1139, %reduce_or3A_1140 : f32
      scf.yield %mul3A_1130, %reduce_or3A_1141 : vector<1x512xf32>, i1
    }
    %swap3A_630 = arith.constant 0 : index
    %swap3A_631 = arith.constant 2560 : index
    %swap3A_632 = vector.load %arg2[%swap3A_630, %swap3A_631] : memref<1x5120xf32, #tpu.memory_space<vmem>>, vector<1x512xf32>
    tpu.vector_store %arg2[%swap3A_630, %swap3A_631], %while3A_629#0 {strides = array<i32>} : memref<1x5120xf32, #tpu.memory_space<vmem>>, vector<1x512xf32>,
    %scan3A_633 = arith.constant 6 : i32
    %scan3A_634 = arith.constant 4 : i32
    %scan3A_635 = arith.addi %scan3A_633, %scan3A_634 : i32
    %scan3A_636 = arith.constant 1 : i32
    scf.for %scan3A_1118 = %scan3A_633 to %scan3A_635 step %scan3A_636  : i32 {
      %mul3A_1119 = arith.constant 512 : i32
      %mul3A_1120 = arith.muli %scan3A_1118, %mul3A_1119 : i32
      %multiple_of3A_1121 = tpu.assume_multiple %mul3A_1120, 512 : i32
      %get3A_1122 = arith.constant 2560 : index
      %get3A_1123 = arith.constant 0 : index
      %get3A_1124 = vector.load %arg0[%get3A_1122, %get3A_1123] : memref<5120x128xf32, #tpu.memory_space<vmem>>, vector<512x1xf32>
      %get3A_1125 = arith.constant 2560 : index
      %get3A_1126 = arith.constant 1 : index
      %get3A_1127 = vector.load %arg0[%get3A_1125, %get3A_1126] : memref<5120x128xf32, #tpu.memory_space<vmem>>, vector<512x1xf32>
      %get3A_1128 = arith.constant 2560 : index
      %get3A_1129 = arith.constant 2 : index
      %get3A_1130 = vector.load %arg0[%get3A_1128, %get3A_1129] : memref<5120x128xf32, #tpu.memory_space<vmem>>, vector<512x1xf32>
      %get3A_1131 = arith.constant 2560 : index
      %get3A_1132 = arith.constant 3 : index
      %get3A_1133 = vector.load %arg0[%get3A_1131, %get3A_1132] : memref<5120x128xf32, #tpu.memory_space<vmem>>, vector<512x1xf32>
      %sub3A_1134 = arith.subf %get3A_1130, %get3A_1124 : vector<512x1xf32>
      %add3A_1135 = arith.constant 1.000000e+00 : f32
      %add3A_1136 = vector.broadcast %add3A_1135 : f32 to vector<512x1xf32>
      %add3A_1137 = arith.addf %sub3A_1134, %add3A_1136 : vector<512x1xf32>
      %sub3A_1138 = arith.subf %get3A_1133, %get3A_1127 : vector<512x1xf32>
      %add3A_1139 = arith.constant 1.000000e+00 : f32
      %add3A_1140 = vector.broadcast %add3A_1139 : f32 to vector<512x1xf32>
      %add3A_1141 = arith.addf %sub3A_1138, %add3A_1140 : vector<512x1xf32>
      %mul3A_1142 = arith.mulf %add3A_1137, %add3A_1141 : vector<512x1xf32>
      %get3A_1143 = arith.constant 0 : index
      %get3A_1144 = arith.index_cast %multiple_of3A_1121 : i32 to index
      %get3A_1145 = vector.load %arg1[%get3A_1143, %get3A_1144] : memref<8x5120xf32, #tpu.memory_space<vmem>>, vector<1x512xf32>
      %get3A_1146 = arith.constant 1 : index
      %get3A_1147 = arith.index_cast %multiple_of3A_1121 : i32 to index
      %get3A_1148 = vector.load %arg1[%get3A_1146, %get3A_1147] : memref<8x5120xf32, #tpu.memory_space<vmem>>, vector<1x512xf32>
      %get3A_1149 = arith.constant 2 : index
      %get3A_1150 = arith.index_cast %multiple_of3A_1121 : i32 to index
      %get3A_1151 = vector.load %arg1[%get3A_1149, %get3A_1150] : memref<8x5120xf32, #tpu.memory_space<vmem>>, vector<1x512xf32>
      %get3A_1152 = arith.constant 3 : index
      %get3A_1153 = arith.index_cast %multiple_of3A_1121 : i32 to index
      %get3A_1154 = vector.load %arg1[%get3A_1152, %get3A_1153] : memref<8x5120xf32, #tpu.memory_space<vmem>>, vector<1x512xf32>
      %sub3A_1155 = arith.subf %get3A_1151, %get3A_1145 : vector<1x512xf32>
      %add3A_1156 = arith.constant 1.000000e+00 : f32
      %add3A_1157 = vector.broadcast %add3A_1156 : f32 to vector<1x512xf32>
      %add3A_1158 = arith.addf %sub3A_1155, %add3A_1157 : vector<1x512xf32>
      %sub3A_1159 = arith.subf %get3A_1154, %get3A_1148 : vector<1x512xf32>
      %add3A_1160 = arith.constant 1.000000e+00 : f32
      %add3A_1161 = vector.broadcast %add3A_1160 : f32 to vector<1x512xf32>
      %add3A_1162 = arith.addf %sub3A_1159, %add3A_1161 : vector<1x512xf32>
      %mul3A_1163 = arith.mulf %add3A_1158, %add3A_1162 : vector<1x512xf32>
      %max3A_1164 = vector.broadcast %get3A_1124 : vector<512x1xf32> to vector<512x512xf32>
      %max3A_1165 = vector.broadcast %get3A_1145 : vector<1x512xf32> to vector<512x512xf32>
      %max3A_1166 = arith.maximumf %max3A_1164, %max3A_1165 : vector<512x512xf32>
      %max3A_1167 = vector.broadcast %get3A_1127 : vector<512x1xf32> to vector<512x512xf32>
      %max3A_1168 = vector.broadcast %get3A_1148 : vector<1x512xf32> to vector<512x512xf32>
      %max3A_1169 = arith.maximumf %max3A_1167, %max3A_1168 : vector<512x512xf32>
      %min3A_1170 = vector.broadcast %get3A_1130 : vector<512x1xf32> to vector<512x512xf32>
      %min3A_1171 = vector.broadcast %get3A_1151 : vector<1x512xf32> to vector<512x512xf32>
      %min3A_1172 = arith.minimumf %min3A_1170, %min3A_1171 : vector<512x512xf32>
      %min3A_1173 = vector.broadcast %get3A_1133 : vector<512x1xf32> to vector<512x512xf32>
      %min3A_1174 = vector.broadcast %get3A_1154 : vector<1x512xf32> to vector<512x512xf32>
      %min3A_1175 = arith.minimumf %min3A_1173, %min3A_1174 : vector<512x512xf32>
      %sub3A_1176 = arith.subf %min3A_1172, %max3A_1166 : vector<512x512xf32>
      %add3A_1177 = arith.constant 1.000000e+00 : f32
      %add3A_1178 = vector.broadcast %add3A_1177 : f32 to vector<512x512xf32>
      %add3A_1179 = arith.addf %sub3A_1176, %add3A_1178 : vector<512x512xf32>
      %max3A_1180 = arith.constant 0.000000e+00 : f32
      %max3A_1181 = vector.broadcast %max3A_1180 : f32 to vector<512x512xf32>
      %max3A_1182 = arith.maximumf %add3A_1179, %max3A_1181 : vector<512x512xf32>
      %sub3A_1183 = arith.subf %min3A_1175, %max3A_1169 : vector<512x512xf32>
      %add3A_1184 = arith.constant 1.000000e+00 : f32
      %add3A_1185 = vector.broadcast %add3A_1184 : f32 to vector<512x512xf32>
      %add3A_1186 = arith.addf %sub3A_1183, %add3A_1185 : vector<512x512xf32>
      %max3A_1187 = arith.constant 0.000000e+00 : f32
      %max3A_1188 = vector.broadcast %max3A_1187 : f32 to vector<512x512xf32>
      %max3A_1189 = arith.maximumf %add3A_1186, %max3A_1188 : vector<512x512xf32>
      %mul3A_1190 = arith.mulf %max3A_1182, %max3A_1189 : vector<512x512xf32>
      %add3A_1191 = vector.broadcast %mul3A_1142 : vector<512x1xf32> to vector<512x512xf32>
      %add3A_1192 = vector.broadcast %mul3A_1163 : vector<1x512xf32> to vector<512x512xf32>
      %add3A_1193 = arith.addf %add3A_1191, %add3A_1192 : vector<512x512xf32>
      %sub3A_1194 = arith.subf %add3A_1193, %mul3A_1190 : vector<512x512xf32>
      %div3A_1195 = arith.divf %mul3A_1190, %sub3A_1194 : vector<512x512xf32>
      %gt3A_1196 = arith.constant 3.000000e-01 : f32
      %gt3A_1197 = vector.broadcast %gt3A_1196 : f32 to vector<512x512xf32>
      %gt3A_1198 = arith.cmpf ogt, %div3A_1195, %gt3A_1197 : vector<512x512xf32>
      %convert_element_type3A_1199 = arith.extui %gt3A_1198 : vector<512x512xi1> to vector<512x512xi32>
      %convert_element_type3A_1200 = arith.sitofp %convert_element_type3A_1199 : vector<512x512xi32> to vector<512x512xf32>
      %dot_general3A_1201 = arith.constant dense<0.000000e+00> : vector<1x512xf32>
      %dot_general3A_1202 = tpu.matmul %while3A_629#0, %convert_element_type3A_1200, %dot_general3A_1201 {dimension_numbers = #tpu.dot_dimension_numbers<[1], [0], [0], [1], [0, 0, 1, 1], [], []>, transpose_lhs_hint = false} : vector<1x512xf32>, vector<512x512xf32>, vector<1x512xf32> -> vector<1x512xf32>
      %get3A_1203 = arith.constant 0 : index
      %get3A_1204 = arith.index_cast %multiple_of3A_1121 : i32 to index
      %get3A_1205 = vector.load %arg2[%get3A_1203, %get3A_1204] : memref<1x5120xf32, #tpu.memory_space<vmem>>, vector<1x512xf32>
      %lt3A_1206 = arith.constant 5.000000e-01 : f32
      %lt3A_1207 = vector.broadcast %lt3A_1206 : f32 to vector<1x512xf32>
      %lt3A_1208 = arith.cmpf olt, %dot_general3A_1202, %lt3A_1207 : vector<1x512xf32>
      %convert_element_type3A_1209 = arith.extui %lt3A_1208 : vector<1x512xi1> to vector<1x512xi32>
      %convert_element_type3A_1210 = arith.sitofp %convert_element_type3A_1209 : vector<1x512xi32> to vector<1x512xf32>
      %mul3A_1211 = arith.mulf %get3A_1205, %convert_element_type3A_1210 : vector<1x512xf32>
      %swap3A_1212 = arith.constant 0 : index
      %swap3A_1213 = arith.index_cast %multiple_of3A_1121 : i32 to index
      %swap3A_1214 = vector.load %arg2[%swap3A_1212, %swap3A_1213] : memref<1x5120xf32, #tpu.memory_space<vmem>>, vector<1x512xf32>
      tpu.vector_store %arg2[%swap3A_1212, %swap3A_1213], %mul3A_1211 {strides = array<i32>} : memref<1x5120xf32, #tpu.memory_space<vmem>>, vector<1x512xf32>,
    }
    %scan3A_637 = arith.constant 4 : i32
    %get3A_638 = arith.constant 3072 : index
    %get3A_639 = arith.constant 0 : index
    %get3A_640 = vector.load %arg0[%get3A_638, %get3A_639] : memref<5120x128xf32, #tpu.memory_space<vmem>>, vector<512x1xf32>
    %get3A_641 = arith.constant 3072 : index
    %get3A_642 = arith.constant 1 : index
    %get3A_643 = vector.load %arg0[%get3A_641, %get3A_642] : memref<5120x128xf32, #tpu.memory_space<vmem>>, vector<512x1xf32>
    %get3A_644 = arith.constant 3072 : index
    %get3A_645 = arith.constant 2 : index
    %get3A_646 = vector.load %arg0[%get3A_644, %get3A_645] : memref<5120x128xf32, #tpu.memory_space<vmem>>, vector<512x1xf32>
    %get3A_647 = arith.constant 3072 : index
    %get3A_648 = arith.constant 3 : index
    %get3A_649 = vector.load %arg0[%get3A_647, %get3A_648] : memref<5120x128xf32, #tpu.memory_space<vmem>>, vector<512x1xf32>
    %sub3A_650 = arith.subf %get3A_646, %get3A_640 : vector<512x1xf32>
    %add3A_651 = arith.constant 1.000000e+00 : f32
    %add3A_652 = vector.broadcast %add3A_651 : f32 to vector<512x1xf32>
    %add3A_653 = arith.addf %sub3A_650, %add3A_652 : vector<512x1xf32>
    %sub3A_654 = arith.subf %get3A_649, %get3A_643 : vector<512x1xf32>
    %add3A_655 = arith.constant 1.000000e+00 : f32
    %add3A_656 = vector.broadcast %add3A_655 : f32 to vector<512x1xf32>
    %add3A_657 = arith.addf %sub3A_654, %add3A_656 : vector<512x1xf32>
    %mul3A_658 = arith.mulf %add3A_653, %add3A_657 : vector<512x1xf32>
    %get3A_659 = arith.constant 0 : index
    %get3A_660 = arith.constant 3072 : index
    %get3A_661 = vector.load %arg1[%get3A_659, %get3A_660] : memref<8x5120xf32, #tpu.memory_space<vmem>>, vector<1x512xf32>
    %get3A_662 = arith.constant 1 : index
    %get3A_663 = arith.constant 3072 : index
    %get3A_664 = vector.load %arg1[%get3A_662, %get3A_663] : memref<8x5120xf32, #tpu.memory_space<vmem>>, vector<1x512xf32>
    %get3A_665 = arith.constant 2 : index
    %get3A_666 = arith.constant 3072 : index
    %get3A_667 = vector.load %arg1[%get3A_665, %get3A_666] : memref<8x5120xf32, #tpu.memory_space<vmem>>, vector<1x512xf32>
    %get3A_668 = arith.constant 3 : index
    %get3A_669 = arith.constant 3072 : index
    %get3A_670 = vector.load %arg1[%get3A_668, %get3A_669] : memref<8x5120xf32, #tpu.memory_space<vmem>>, vector<1x512xf32>
    %sub3A_671 = arith.subf %get3A_667, %get3A_661 : vector<1x512xf32>
    %add3A_672 = arith.constant 1.000000e+00 : f32
    %add3A_673 = vector.broadcast %add3A_672 : f32 to vector<1x512xf32>
    %add3A_674 = arith.addf %sub3A_671, %add3A_673 : vector<1x512xf32>
    %sub3A_675 = arith.subf %get3A_670, %get3A_664 : vector<1x512xf32>
    %add3A_676 = arith.constant 1.000000e+00 : f32
    %add3A_677 = vector.broadcast %add3A_676 : f32 to vector<1x512xf32>
    %add3A_678 = arith.addf %sub3A_675, %add3A_677 : vector<1x512xf32>
    %mul3A_679 = arith.mulf %add3A_674, %add3A_678 : vector<1x512xf32>
    %max3A_680 = vector.broadcast %get3A_640 : vector<512x1xf32> to vector<512x512xf32>
    %max3A_681 = vector.broadcast %get3A_661 : vector<1x512xf32> to vector<512x512xf32>
    %max3A_682 = arith.maximumf %max3A_680, %max3A_681 : vector<512x512xf32>
    %max3A_683 = vector.broadcast %get3A_643 : vector<512x1xf32> to vector<512x512xf32>
    %max3A_684 = vector.broadcast %get3A_664 : vector<1x512xf32> to vector<512x512xf32>
    %max3A_685 = arith.maximumf %max3A_683, %max3A_684 : vector<512x512xf32>
    %min3A_686 = vector.broadcast %get3A_646 : vector<512x1xf32> to vector<512x512xf32>
    %min3A_687 = vector.broadcast %get3A_667 : vector<1x512xf32> to vector<512x512xf32>
    %min3A_688 = arith.minimumf %min3A_686, %min3A_687 : vector<512x512xf32>
    %min3A_689 = vector.broadcast %get3A_649 : vector<512x1xf32> to vector<512x512xf32>
    %min3A_690 = vector.broadcast %get3A_670 : vector<1x512xf32> to vector<512x512xf32>
    %min3A_691 = arith.minimumf %min3A_689, %min3A_690 : vector<512x512xf32>
    %sub3A_692 = arith.subf %min3A_688, %max3A_682 : vector<512x512xf32>
    %add3A_693 = arith.constant 1.000000e+00 : f32
    %add3A_694 = vector.broadcast %add3A_693 : f32 to vector<512x512xf32>
    %add3A_695 = arith.addf %sub3A_692, %add3A_694 : vector<512x512xf32>
    %max3A_696 = arith.constant 0.000000e+00 : f32
    %max3A_697 = vector.broadcast %max3A_696 : f32 to vector<512x512xf32>
    %max3A_698 = arith.maximumf %add3A_695, %max3A_697 : vector<512x512xf32>
    %sub3A_699 = arith.subf %min3A_691, %max3A_685 : vector<512x512xf32>
    %add3A_700 = arith.constant 1.000000e+00 : f32
    %add3A_701 = vector.broadcast %add3A_700 : f32 to vector<512x512xf32>
    %add3A_702 = arith.addf %sub3A_699, %add3A_701 : vector<512x512xf32>
    %max3A_703 = arith.constant 0.000000e+00 : f32
    %max3A_704 = vector.broadcast %max3A_703 : f32 to vector<512x512xf32>
    %max3A_705 = arith.maximumf %add3A_702, %max3A_704 : vector<512x512xf32>
    %mul3A_706 = arith.mulf %max3A_698, %max3A_705 : vector<512x512xf32>
    %add3A_707 = vector.broadcast %mul3A_658 : vector<512x1xf32> to vector<512x512xf32>
    %add3A_708 = vector.broadcast %mul3A_679 : vector<1x512xf32> to vector<512x512xf32>
    %add3A_709 = arith.addf %add3A_707, %add3A_708 : vector<512x512xf32>
    %sub3A_710 = arith.subf %add3A_709, %mul3A_706 : vector<512x512xf32>
    %div3A_711 = arith.divf %mul3A_706, %sub3A_710 : vector<512x512xf32>
    %gt3A_712 = arith.constant 3.000000e-01 : f32
    %gt3A_713 = vector.broadcast %gt3A_712 : f32 to vector<512x512xf32>
    %gt3A_714 = arith.cmpf ogt, %div3A_711, %gt3A_713 : vector<512x512xf32>
    %and3A_715 = arith.andi %gt3A_714, %gt3A : vector<512x512xi1>
    %convert_element_type3A_716 = arith.extui %and3A_715 : vector<512x512xi1> to vector<512x512xi32>
    %convert_element_type3A_717 = arith.sitofp %convert_element_type3A_716 : vector<512x512xi32> to vector<512x512xf32>
    %swap3A_718 = arith.constant 0 : index
    %swap3A_719 = arith.constant 0 : index
    %swap3A_720 = vector.load %arg3[%swap3A_718, %swap3A_719] : memref<512x512xf32, #tpu.memory_space<vmem>>, vector<512x512xf32>
    tpu.vector_store %arg3[%swap3A_718, %swap3A_719], %convert_element_type3A_717 {strides = array<i32>} : memref<512x512xf32, #tpu.memory_space<vmem>>, vector<512x512xf32>,
    %get3A_721 = arith.constant 0 : index
    %get3A_722 = arith.constant 3072 : index
    %get3A_723 = vector.load %arg2[%get3A_721, %get3A_722] : memref<1x5120xf32, #tpu.memory_space<vmem>>, vector<1x512xf32>
    %while3A_724 = arith.constant true
    %while3A_725:2 = scf.while (%while3A_1118 = %get3A_723, %while3A_1119 = %while3A_724) : (vector<1x512xf32>, i1) -> (vector<1x512xf32>, i1) {
      scf.condition(%while3A_1119) %while3A_1118, %while3A_1119 : vector<1x512xf32>, i1
    } do {
    ^bb0(%while3A_1118: vector<1x512xf32>, %while3A_1119: i1):
      %get3A_1120 = arith.constant 0 : index
      %get3A_1121 = arith.constant 0 : index
      %get3A_1122 = vector.load %arg3[%get3A_1120, %get3A_1121] : memref<512x512xf32, #tpu.memory_space<vmem>>, vector<512x512xf32>
      %dot_general3A_1123 = arith.constant dense<0.000000e+00> : vector<1x512xf32>
      %dot_general3A_1124 = tpu.matmul %while3A_1118, %get3A_1122, %dot_general3A_1123 {dimension_numbers = #tpu.dot_dimension_numbers<[1], [0], [0], [1], [0, 0, 1, 1], [], []>, transpose_lhs_hint = false} : vector<1x512xf32>, vector<512x512xf32>, vector<1x512xf32> -> vector<1x512xf32>
      %lt3A_1125 = arith.constant 5.000000e-01 : f32
      %lt3A_1126 = vector.broadcast %lt3A_1125 : f32 to vector<1x512xf32>
      %lt3A_1127 = arith.cmpf olt, %dot_general3A_1124, %lt3A_1126 : vector<1x512xf32>
      %convert_element_type3A_1128 = arith.extui %lt3A_1127 : vector<1x512xi1> to vector<1x512xi32>
      %convert_element_type3A_1129 = arith.sitofp %convert_element_type3A_1128 : vector<1x512xi32> to vector<1x512xf32>
      %mul3A_1130 = arith.mulf %get3A_723, %convert_element_type3A_1129 : vector<1x512xf32>
      %ne3A = arith.cmpf one, %mul3A_1130, %while3A_1118 : vector<1x512xf32>
      %reduce_or3A = arith.constant 1.000000e+00 : f32
      %reduce_or3A_1131 = arith.constant 0.000000e+00 : f32
      %reduce_or3A_1132 = vector.broadcast %reduce_or3A : f32 to vector<1x512xf32>
      %reduce_or3A_1133 = vector.broadcast %reduce_or3A_1131 : f32 to vector<1x512xf32>
      %reduce_or3A_1134 = arith.select %ne3A, %reduce_or3A_1132, %reduce_or3A_1133 : vector<1x512xi1>, vector<1x512xf32>
      %reduce_or3A_1135 = vector.shape_cast %reduce_or3A_1134 : vector<1x512xf32> to vector<1x1x512xf32>
      %reduce_or3A_1136 = arith.constant dense<0xFF800000> : vector<1xf32>
      %reduce_or3A_1137 = vector.multi_reduction <maximumf>, %reduce_or3A_1135, %reduce_or3A_1136 [1, 2] : vector<1x1x512xf32> to vector<1xf32>
      %reduce_or3A_1138 = vector.shape_cast %reduce_or3A_1137 : vector<1xf32> to vector<1x1x1xf32>
      %reduce_or3A_1139 = vector.extract %reduce_or3A_1138[0, 0, 0] : f32 from vector<1x1x1xf32>
      %reduce_or3A_1140 = arith.constant 0.000000e+00 : f32
      %reduce_or3A_1141 = arith.cmpf ogt, %reduce_or3A_1139, %reduce_or3A_1140 : f32
      scf.yield %mul3A_1130, %reduce_or3A_1141 : vector<1x512xf32>, i1
    }
    %swap3A_726 = arith.constant 0 : index
    %swap3A_727 = arith.constant 3072 : index
    %swap3A_728 = vector.load %arg2[%swap3A_726, %swap3A_727] : memref<1x5120xf32, #tpu.memory_space<vmem>>, vector<1x512xf32>
    tpu.vector_store %arg2[%swap3A_726, %swap3A_727], %while3A_725#0 {strides = array<i32>} : memref<1x5120xf32, #tpu.memory_space<vmem>>, vector<1x512xf32>,
    %scan3A_729 = arith.constant 7 : i32
    %scan3A_730 = arith.constant 3 : i32
    %scan3A_731 = arith.addi %scan3A_729, %scan3A_730 : i32
    %scan3A_732 = arith.constant 1 : i32
    scf.for %scan3A_1118 = %scan3A_729 to %scan3A_731 step %scan3A_732  : i32 {
      %mul3A_1119 = arith.constant 512 : i32
      %mul3A_1120 = arith.muli %scan3A_1118, %mul3A_1119 : i32
      %multiple_of3A_1121 = tpu.assume_multiple %mul3A_1120, 512 : i32
      %get3A_1122 = arith.constant 3072 : index
      %get3A_1123 = arith.constant 0 : index
      %get3A_1124 = vector.load %arg0[%get3A_1122, %get3A_1123] : memref<5120x128xf32, #tpu.memory_space<vmem>>, vector<512x1xf32>
      %get3A_1125 = arith.constant 3072 : index
      %get3A_1126 = arith.constant 1 : index
      %get3A_1127 = vector.load %arg0[%get3A_1125, %get3A_1126] : memref<5120x128xf32, #tpu.memory_space<vmem>>, vector<512x1xf32>
      %get3A_1128 = arith.constant 3072 : index
      %get3A_1129 = arith.constant 2 : index
      %get3A_1130 = vector.load %arg0[%get3A_1128, %get3A_1129] : memref<5120x128xf32, #tpu.memory_space<vmem>>, vector<512x1xf32>
      %get3A_1131 = arith.constant 3072 : index
      %get3A_1132 = arith.constant 3 : index
      %get3A_1133 = vector.load %arg0[%get3A_1131, %get3A_1132] : memref<5120x128xf32, #tpu.memory_space<vmem>>, vector<512x1xf32>
      %sub3A_1134 = arith.subf %get3A_1130, %get3A_1124 : vector<512x1xf32>
      %add3A_1135 = arith.constant 1.000000e+00 : f32
      %add3A_1136 = vector.broadcast %add3A_1135 : f32 to vector<512x1xf32>
      %add3A_1137 = arith.addf %sub3A_1134, %add3A_1136 : vector<512x1xf32>
      %sub3A_1138 = arith.subf %get3A_1133, %get3A_1127 : vector<512x1xf32>
      %add3A_1139 = arith.constant 1.000000e+00 : f32
      %add3A_1140 = vector.broadcast %add3A_1139 : f32 to vector<512x1xf32>
      %add3A_1141 = arith.addf %sub3A_1138, %add3A_1140 : vector<512x1xf32>
      %mul3A_1142 = arith.mulf %add3A_1137, %add3A_1141 : vector<512x1xf32>
      %get3A_1143 = arith.constant 0 : index
      %get3A_1144 = arith.index_cast %multiple_of3A_1121 : i32 to index
      %get3A_1145 = vector.load %arg1[%get3A_1143, %get3A_1144] : memref<8x5120xf32, #tpu.memory_space<vmem>>, vector<1x512xf32>
      %get3A_1146 = arith.constant 1 : index
      %get3A_1147 = arith.index_cast %multiple_of3A_1121 : i32 to index
      %get3A_1148 = vector.load %arg1[%get3A_1146, %get3A_1147] : memref<8x5120xf32, #tpu.memory_space<vmem>>, vector<1x512xf32>
      %get3A_1149 = arith.constant 2 : index
      %get3A_1150 = arith.index_cast %multiple_of3A_1121 : i32 to index
      %get3A_1151 = vector.load %arg1[%get3A_1149, %get3A_1150] : memref<8x5120xf32, #tpu.memory_space<vmem>>, vector<1x512xf32>
      %get3A_1152 = arith.constant 3 : index
      %get3A_1153 = arith.index_cast %multiple_of3A_1121 : i32 to index
      %get3A_1154 = vector.load %arg1[%get3A_1152, %get3A_1153] : memref<8x5120xf32, #tpu.memory_space<vmem>>, vector<1x512xf32>
      %sub3A_1155 = arith.subf %get3A_1151, %get3A_1145 : vector<1x512xf32>
      %add3A_1156 = arith.constant 1.000000e+00 : f32
      %add3A_1157 = vector.broadcast %add3A_1156 : f32 to vector<1x512xf32>
      %add3A_1158 = arith.addf %sub3A_1155, %add3A_1157 : vector<1x512xf32>
      %sub3A_1159 = arith.subf %get3A_1154, %get3A_1148 : vector<1x512xf32>
      %add3A_1160 = arith.constant 1.000000e+00 : f32
      %add3A_1161 = vector.broadcast %add3A_1160 : f32 to vector<1x512xf32>
      %add3A_1162 = arith.addf %sub3A_1159, %add3A_1161 : vector<1x512xf32>
      %mul3A_1163 = arith.mulf %add3A_1158, %add3A_1162 : vector<1x512xf32>
      %max3A_1164 = vector.broadcast %get3A_1124 : vector<512x1xf32> to vector<512x512xf32>
      %max3A_1165 = vector.broadcast %get3A_1145 : vector<1x512xf32> to vector<512x512xf32>
      %max3A_1166 = arith.maximumf %max3A_1164, %max3A_1165 : vector<512x512xf32>
      %max3A_1167 = vector.broadcast %get3A_1127 : vector<512x1xf32> to vector<512x512xf32>
      %max3A_1168 = vector.broadcast %get3A_1148 : vector<1x512xf32> to vector<512x512xf32>
      %max3A_1169 = arith.maximumf %max3A_1167, %max3A_1168 : vector<512x512xf32>
      %min3A_1170 = vector.broadcast %get3A_1130 : vector<512x1xf32> to vector<512x512xf32>
      %min3A_1171 = vector.broadcast %get3A_1151 : vector<1x512xf32> to vector<512x512xf32>
      %min3A_1172 = arith.minimumf %min3A_1170, %min3A_1171 : vector<512x512xf32>
      %min3A_1173 = vector.broadcast %get3A_1133 : vector<512x1xf32> to vector<512x512xf32>
      %min3A_1174 = vector.broadcast %get3A_1154 : vector<1x512xf32> to vector<512x512xf32>
      %min3A_1175 = arith.minimumf %min3A_1173, %min3A_1174 : vector<512x512xf32>
      %sub3A_1176 = arith.subf %min3A_1172, %max3A_1166 : vector<512x512xf32>
      %add3A_1177 = arith.constant 1.000000e+00 : f32
      %add3A_1178 = vector.broadcast %add3A_1177 : f32 to vector<512x512xf32>
      %add3A_1179 = arith.addf %sub3A_1176, %add3A_1178 : vector<512x512xf32>
      %max3A_1180 = arith.constant 0.000000e+00 : f32
      %max3A_1181 = vector.broadcast %max3A_1180 : f32 to vector<512x512xf32>
      %max3A_1182 = arith.maximumf %add3A_1179, %max3A_1181 : vector<512x512xf32>
      %sub3A_1183 = arith.subf %min3A_1175, %max3A_1169 : vector<512x512xf32>
      %add3A_1184 = arith.constant 1.000000e+00 : f32
      %add3A_1185 = vector.broadcast %add3A_1184 : f32 to vector<512x512xf32>
      %add3A_1186 = arith.addf %sub3A_1183, %add3A_1185 : vector<512x512xf32>
      %max3A_1187 = arith.constant 0.000000e+00 : f32
      %max3A_1188 = vector.broadcast %max3A_1187 : f32 to vector<512x512xf32>
      %max3A_1189 = arith.maximumf %add3A_1186, %max3A_1188 : vector<512x512xf32>
      %mul3A_1190 = arith.mulf %max3A_1182, %max3A_1189 : vector<512x512xf32>
      %add3A_1191 = vector.broadcast %mul3A_1142 : vector<512x1xf32> to vector<512x512xf32>
      %add3A_1192 = vector.broadcast %mul3A_1163 : vector<1x512xf32> to vector<512x512xf32>
      %add3A_1193 = arith.addf %add3A_1191, %add3A_1192 : vector<512x512xf32>
      %sub3A_1194 = arith.subf %add3A_1193, %mul3A_1190 : vector<512x512xf32>
      %div3A_1195 = arith.divf %mul3A_1190, %sub3A_1194 : vector<512x512xf32>
      %gt3A_1196 = arith.constant 3.000000e-01 : f32
      %gt3A_1197 = vector.broadcast %gt3A_1196 : f32 to vector<512x512xf32>
      %gt3A_1198 = arith.cmpf ogt, %div3A_1195, %gt3A_1197 : vector<512x512xf32>
      %convert_element_type3A_1199 = arith.extui %gt3A_1198 : vector<512x512xi1> to vector<512x512xi32>
      %convert_element_type3A_1200 = arith.sitofp %convert_element_type3A_1199 : vector<512x512xi32> to vector<512x512xf32>
      %dot_general3A_1201 = arith.constant dense<0.000000e+00> : vector<1x512xf32>
      %dot_general3A_1202 = tpu.matmul %while3A_725#0, %convert_element_type3A_1200, %dot_general3A_1201 {dimension_numbers = #tpu.dot_dimension_numbers<[1], [0], [0], [1], [0, 0, 1, 1], [], []>, transpose_lhs_hint = false} : vector<1x512xf32>, vector<512x512xf32>, vector<1x512xf32> -> vector<1x512xf32>
      %get3A_1203 = arith.constant 0 : index
      %get3A_1204 = arith.index_cast %multiple_of3A_1121 : i32 to index
      %get3A_1205 = vector.load %arg2[%get3A_1203, %get3A_1204] : memref<1x5120xf32, #tpu.memory_space<vmem>>, vector<1x512xf32>
      %lt3A_1206 = arith.constant 5.000000e-01 : f32
      %lt3A_1207 = vector.broadcast %lt3A_1206 : f32 to vector<1x512xf32>
      %lt3A_1208 = arith.cmpf olt, %dot_general3A_1202, %lt3A_1207 : vector<1x512xf32>
      %convert_element_type3A_1209 = arith.extui %lt3A_1208 : vector<1x512xi1> to vector<1x512xi32>
      %convert_element_type3A_1210 = arith.sitofp %convert_element_type3A_1209 : vector<1x512xi32> to vector<1x512xf32>
      %mul3A_1211 = arith.mulf %get3A_1205, %convert_element_type3A_1210 : vector<1x512xf32>
      %swap3A_1212 = arith.constant 0 : index
      %swap3A_1213 = arith.index_cast %multiple_of3A_1121 : i32 to index
      %swap3A_1214 = vector.load %arg2[%swap3A_1212, %swap3A_1213] : memref<1x5120xf32, #tpu.memory_space<vmem>>, vector<1x512xf32>
      tpu.vector_store %arg2[%swap3A_1212, %swap3A_1213], %mul3A_1211 {strides = array<i32>} : memref<1x5120xf32, #tpu.memory_space<vmem>>, vector<1x512xf32>,
    }
    %scan3A_733 = arith.constant 3 : i32
    %get3A_734 = arith.constant 3584 : index
    %get3A_735 = arith.constant 0 : index
    %get3A_736 = vector.load %arg0[%get3A_734, %get3A_735] : memref<5120x128xf32, #tpu.memory_space<vmem>>, vector<512x1xf32>
    %get3A_737 = arith.constant 3584 : index
    %get3A_738 = arith.constant 1 : index
    %get3A_739 = vector.load %arg0[%get3A_737, %get3A_738] : memref<5120x128xf32, #tpu.memory_space<vmem>>, vector<512x1xf32>
    %get3A_740 = arith.constant 3584 : index
    %get3A_741 = arith.constant 2 : index
    %get3A_742 = vector.load %arg0[%get3A_740, %get3A_741] : memref<5120x128xf32, #tpu.memory_space<vmem>>, vector<512x1xf32>
    %get3A_743 = arith.constant 3584 : index
    %get3A_744 = arith.constant 3 : index
    %get3A_745 = vector.load %arg0[%get3A_743, %get3A_744] : memref<5120x128xf32, #tpu.memory_space<vmem>>, vector<512x1xf32>
    %sub3A_746 = arith.subf %get3A_742, %get3A_736 : vector<512x1xf32>
    %add3A_747 = arith.constant 1.000000e+00 : f32
    %add3A_748 = vector.broadcast %add3A_747 : f32 to vector<512x1xf32>
    %add3A_749 = arith.addf %sub3A_746, %add3A_748 : vector<512x1xf32>
    %sub3A_750 = arith.subf %get3A_745, %get3A_739 : vector<512x1xf32>
    %add3A_751 = arith.constant 1.000000e+00 : f32
    %add3A_752 = vector.broadcast %add3A_751 : f32 to vector<512x1xf32>
    %add3A_753 = arith.addf %sub3A_750, %add3A_752 : vector<512x1xf32>
    %mul3A_754 = arith.mulf %add3A_749, %add3A_753 : vector<512x1xf32>
    %get3A_755 = arith.constant 0 : index
    %get3A_756 = arith.constant 3584 : index
    %get3A_757 = vector.load %arg1[%get3A_755, %get3A_756] : memref<8x5120xf32, #tpu.memory_space<vmem>>, vector<1x512xf32>
    %get3A_758 = arith.constant 1 : index
    %get3A_759 = arith.constant 3584 : index
    %get3A_760 = vector.load %arg1[%get3A_758, %get3A_759] : memref<8x5120xf32, #tpu.memory_space<vmem>>, vector<1x512xf32>
    %get3A_761 = arith.constant 2 : index
    %get3A_762 = arith.constant 3584 : index
    %get3A_763 = vector.load %arg1[%get3A_761, %get3A_762] : memref<8x5120xf32, #tpu.memory_space<vmem>>, vector<1x512xf32>
    %get3A_764 = arith.constant 3 : index
    %get3A_765 = arith.constant 3584 : index
    %get3A_766 = vector.load %arg1[%get3A_764, %get3A_765] : memref<8x5120xf32, #tpu.memory_space<vmem>>, vector<1x512xf32>
    %sub3A_767 = arith.subf %get3A_763, %get3A_757 : vector<1x512xf32>
    %add3A_768 = arith.constant 1.000000e+00 : f32
    %add3A_769 = vector.broadcast %add3A_768 : f32 to vector<1x512xf32>
    %add3A_770 = arith.addf %sub3A_767, %add3A_769 : vector<1x512xf32>
    %sub3A_771 = arith.subf %get3A_766, %get3A_760 : vector<1x512xf32>
    %add3A_772 = arith.constant 1.000000e+00 : f32
    %add3A_773 = vector.broadcast %add3A_772 : f32 to vector<1x512xf32>
    %add3A_774 = arith.addf %sub3A_771, %add3A_773 : vector<1x512xf32>
    %mul3A_775 = arith.mulf %add3A_770, %add3A_774 : vector<1x512xf32>
    %max3A_776 = vector.broadcast %get3A_736 : vector<512x1xf32> to vector<512x512xf32>
    %max3A_777 = vector.broadcast %get3A_757 : vector<1x512xf32> to vector<512x512xf32>
    %max3A_778 = arith.maximumf %max3A_776, %max3A_777 : vector<512x512xf32>
    %max3A_779 = vector.broadcast %get3A_739 : vector<512x1xf32> to vector<512x512xf32>
    %max3A_780 = vector.broadcast %get3A_760 : vector<1x512xf32> to vector<512x512xf32>
    %max3A_781 = arith.maximumf %max3A_779, %max3A_780 : vector<512x512xf32>
    %min3A_782 = vector.broadcast %get3A_742 : vector<512x1xf32> to vector<512x512xf32>
    %min3A_783 = vector.broadcast %get3A_763 : vector<1x512xf32> to vector<512x512xf32>
    %min3A_784 = arith.minimumf %min3A_782, %min3A_783 : vector<512x512xf32>
    %min3A_785 = vector.broadcast %get3A_745 : vector<512x1xf32> to vector<512x512xf32>
    %min3A_786 = vector.broadcast %get3A_766 : vector<1x512xf32> to vector<512x512xf32>
    %min3A_787 = arith.minimumf %min3A_785, %min3A_786 : vector<512x512xf32>
    %sub3A_788 = arith.subf %min3A_784, %max3A_778 : vector<512x512xf32>
    %add3A_789 = arith.constant 1.000000e+00 : f32
    %add3A_790 = vector.broadcast %add3A_789 : f32 to vector<512x512xf32>
    %add3A_791 = arith.addf %sub3A_788, %add3A_790 : vector<512x512xf32>
    %max3A_792 = arith.constant 0.000000e+00 : f32
    %max3A_793 = vector.broadcast %max3A_792 : f32 to vector<512x512xf32>
    %max3A_794 = arith.maximumf %add3A_791, %max3A_793 : vector<512x512xf32>
    %sub3A_795 = arith.subf %min3A_787, %max3A_781 : vector<512x512xf32>
    %add3A_796 = arith.constant 1.000000e+00 : f32
    %add3A_797 = vector.broadcast %add3A_796 : f32 to vector<512x512xf32>
    %add3A_798 = arith.addf %sub3A_795, %add3A_797 : vector<512x512xf32>
    %max3A_799 = arith.constant 0.000000e+00 : f32
    %max3A_800 = vector.broadcast %max3A_799 : f32 to vector<512x512xf32>
    %max3A_801 = arith.maximumf %add3A_798, %max3A_800 : vector<512x512xf32>
    %mul3A_802 = arith.mulf %max3A_794, %max3A_801 : vector<512x512xf32>
    %add3A_803 = vector.broadcast %mul3A_754 : vector<512x1xf32> to vector<512x512xf32>
    %add3A_804 = vector.broadcast %mul3A_775 : vector<1x512xf32> to vector<512x512xf32>
    %add3A_805 = arith.addf %add3A_803, %add3A_804 : vector<512x512xf32>
    %sub3A_806 = arith.subf %add3A_805, %mul3A_802 : vector<512x512xf32>
    %div3A_807 = arith.divf %mul3A_802, %sub3A_806 : vector<512x512xf32>
    %gt3A_808 = arith.constant 3.000000e-01 : f32
    %gt3A_809 = vector.broadcast %gt3A_808 : f32 to vector<512x512xf32>
    %gt3A_810 = arith.cmpf ogt, %div3A_807, %gt3A_809 : vector<512x512xf32>
    %and3A_811 = arith.andi %gt3A_810, %gt3A : vector<512x512xi1>
    %convert_element_type3A_812 = arith.extui %and3A_811 : vector<512x512xi1> to vector<512x512xi32>
    %convert_element_type3A_813 = arith.sitofp %convert_element_type3A_812 : vector<512x512xi32> to vector<512x512xf32>
    %swap3A_814 = arith.constant 0 : index
    %swap3A_815 = arith.constant 0 : index
    %swap3A_816 = vector.load %arg3[%swap3A_814, %swap3A_815] : memref<512x512xf32, #tpu.memory_space<vmem>>, vector<512x512xf32>
    tpu.vector_store %arg3[%swap3A_814, %swap3A_815], %convert_element_type3A_813 {strides = array<i32>} : memref<512x512xf32, #tpu.memory_space<vmem>>, vector<512x512xf32>,
    %get3A_817 = arith.constant 0 : index
    %get3A_818 = arith.constant 3584 : index
    %get3A_819 = vector.load %arg2[%get3A_817, %get3A_818] : memref<1x5120xf32, #tpu.memory_space<vmem>>, vector<1x512xf32>
    %while3A_820 = arith.constant true
    %while3A_821:2 = scf.while (%while3A_1118 = %get3A_819, %while3A_1119 = %while3A_820) : (vector<1x512xf32>, i1) -> (vector<1x512xf32>, i1) {
      scf.condition(%while3A_1119) %while3A_1118, %while3A_1119 : vector<1x512xf32>, i1
    } do {
    ^bb0(%while3A_1118: vector<1x512xf32>, %while3A_1119: i1):
      %get3A_1120 = arith.constant 0 : index
      %get3A_1121 = arith.constant 0 : index
      %get3A_1122 = vector.load %arg3[%get3A_1120, %get3A_1121] : memref<512x512xf32, #tpu.memory_space<vmem>>, vector<512x512xf32>
      %dot_general3A_1123 = arith.constant dense<0.000000e+00> : vector<1x512xf32>
      %dot_general3A_1124 = tpu.matmul %while3A_1118, %get3A_1122, %dot_general3A_1123 {dimension_numbers = #tpu.dot_dimension_numbers<[1], [0], [0], [1], [0, 0, 1, 1], [], []>, transpose_lhs_hint = false} : vector<1x512xf32>, vector<512x512xf32>, vector<1x512xf32> -> vector<1x512xf32>
      %lt3A_1125 = arith.constant 5.000000e-01 : f32
      %lt3A_1126 = vector.broadcast %lt3A_1125 : f32 to vector<1x512xf32>
      %lt3A_1127 = arith.cmpf olt, %dot_general3A_1124, %lt3A_1126 : vector<1x512xf32>
      %convert_element_type3A_1128 = arith.extui %lt3A_1127 : vector<1x512xi1> to vector<1x512xi32>
      %convert_element_type3A_1129 = arith.sitofp %convert_element_type3A_1128 : vector<1x512xi32> to vector<1x512xf32>
      %mul3A_1130 = arith.mulf %get3A_819, %convert_element_type3A_1129 : vector<1x512xf32>
      %ne3A = arith.cmpf one, %mul3A_1130, %while3A_1118 : vector<1x512xf32>
      %reduce_or3A = arith.constant 1.000000e+00 : f32
      %reduce_or3A_1131 = arith.constant 0.000000e+00 : f32
      %reduce_or3A_1132 = vector.broadcast %reduce_or3A : f32 to vector<1x512xf32>
      %reduce_or3A_1133 = vector.broadcast %reduce_or3A_1131 : f32 to vector<1x512xf32>
      %reduce_or3A_1134 = arith.select %ne3A, %reduce_or3A_1132, %reduce_or3A_1133 : vector<1x512xi1>, vector<1x512xf32>
      %reduce_or3A_1135 = vector.shape_cast %reduce_or3A_1134 : vector<1x512xf32> to vector<1x1x512xf32>
      %reduce_or3A_1136 = arith.constant dense<0xFF800000> : vector<1xf32>
      %reduce_or3A_1137 = vector.multi_reduction <maximumf>, %reduce_or3A_1135, %reduce_or3A_1136 [1, 2] : vector<1x1x512xf32> to vector<1xf32>
      %reduce_or3A_1138 = vector.shape_cast %reduce_or3A_1137 : vector<1xf32> to vector<1x1x1xf32>
      %reduce_or3A_1139 = vector.extract %reduce_or3A_1138[0, 0, 0] : f32 from vector<1x1x1xf32>
      %reduce_or3A_1140 = arith.constant 0.000000e+00 : f32
      %reduce_or3A_1141 = arith.cmpf ogt, %reduce_or3A_1139, %reduce_or3A_1140 : f32
      scf.yield %mul3A_1130, %reduce_or3A_1141 : vector<1x512xf32>, i1
    }
    %swap3A_822 = arith.constant 0 : index
    %swap3A_823 = arith.constant 3584 : index
    %swap3A_824 = vector.load %arg2[%swap3A_822, %swap3A_823] : memref<1x5120xf32, #tpu.memory_space<vmem>>, vector<1x512xf32>
    tpu.vector_store %arg2[%swap3A_822, %swap3A_823], %while3A_821#0 {strides = array<i32>} : memref<1x5120xf32, #tpu.memory_space<vmem>>, vector<1x512xf32>,
    %scan3A_825 = arith.constant 8 : i32
    %scan3A_826 = arith.constant 2 : i32
    %scan3A_827 = arith.addi %scan3A_825, %scan3A_826 : i32
    %scan3A_828 = arith.constant 1 : i32
    scf.for %scan3A_1118 = %scan3A_825 to %scan3A_827 step %scan3A_828  : i32 {
      %mul3A_1119 = arith.constant 512 : i32
      %mul3A_1120 = arith.muli %scan3A_1118, %mul3A_1119 : i32
      %multiple_of3A_1121 = tpu.assume_multiple %mul3A_1120, 512 : i32
      %get3A_1122 = arith.constant 3584 : index
      %get3A_1123 = arith.constant 0 : index
      %get3A_1124 = vector.load %arg0[%get3A_1122, %get3A_1123] : memref<5120x128xf32, #tpu.memory_space<vmem>>, vector<512x1xf32>
      %get3A_1125 = arith.constant 3584 : index
      %get3A_1126 = arith.constant 1 : index
      %get3A_1127 = vector.load %arg0[%get3A_1125, %get3A_1126] : memref<5120x128xf32, #tpu.memory_space<vmem>>, vector<512x1xf32>
      %get3A_1128 = arith.constant 3584 : index
      %get3A_1129 = arith.constant 2 : index
      %get3A_1130 = vector.load %arg0[%get3A_1128, %get3A_1129] : memref<5120x128xf32, #tpu.memory_space<vmem>>, vector<512x1xf32>
      %get3A_1131 = arith.constant 3584 : index
      %get3A_1132 = arith.constant 3 : index
      %get3A_1133 = vector.load %arg0[%get3A_1131, %get3A_1132] : memref<5120x128xf32, #tpu.memory_space<vmem>>, vector<512x1xf32>
      %sub3A_1134 = arith.subf %get3A_1130, %get3A_1124 : vector<512x1xf32>
      %add3A_1135 = arith.constant 1.000000e+00 : f32
      %add3A_1136 = vector.broadcast %add3A_1135 : f32 to vector<512x1xf32>
      %add3A_1137 = arith.addf %sub3A_1134, %add3A_1136 : vector<512x1xf32>
      %sub3A_1138 = arith.subf %get3A_1133, %get3A_1127 : vector<512x1xf32>
      %add3A_1139 = arith.constant 1.000000e+00 : f32
      %add3A_1140 = vector.broadcast %add3A_1139 : f32 to vector<512x1xf32>
      %add3A_1141 = arith.addf %sub3A_1138, %add3A_1140 : vector<512x1xf32>
      %mul3A_1142 = arith.mulf %add3A_1137, %add3A_1141 : vector<512x1xf32>
      %get3A_1143 = arith.constant 0 : index
      %get3A_1144 = arith.index_cast %multiple_of3A_1121 : i32 to index
      %get3A_1145 = vector.load %arg1[%get3A_1143, %get3A_1144] : memref<8x5120xf32, #tpu.memory_space<vmem>>, vector<1x512xf32>
      %get3A_1146 = arith.constant 1 : index
      %get3A_1147 = arith.index_cast %multiple_of3A_1121 : i32 to index
      %get3A_1148 = vector.load %arg1[%get3A_1146, %get3A_1147] : memref<8x5120xf32, #tpu.memory_space<vmem>>, vector<1x512xf32>
      %get3A_1149 = arith.constant 2 : index
      %get3A_1150 = arith.index_cast %multiple_of3A_1121 : i32 to index
      %get3A_1151 = vector.load %arg1[%get3A_1149, %get3A_1150] : memref<8x5120xf32, #tpu.memory_space<vmem>>, vector<1x512xf32>
      %get3A_1152 = arith.constant 3 : index
      %get3A_1153 = arith.index_cast %multiple_of3A_1121 : i32 to index
      %get3A_1154 = vector.load %arg1[%get3A_1152, %get3A_1153] : memref<8x5120xf32, #tpu.memory_space<vmem>>, vector<1x512xf32>
      %sub3A_1155 = arith.subf %get3A_1151, %get3A_1145 : vector<1x512xf32>
      %add3A_1156 = arith.constant 1.000000e+00 : f32
      %add3A_1157 = vector.broadcast %add3A_1156 : f32 to vector<1x512xf32>
      %add3A_1158 = arith.addf %sub3A_1155, %add3A_1157 : vector<1x512xf32>
      %sub3A_1159 = arith.subf %get3A_1154, %get3A_1148 : vector<1x512xf32>
      %add3A_1160 = arith.constant 1.000000e+00 : f32
      %add3A_1161 = vector.broadcast %add3A_1160 : f32 to vector<1x512xf32>
      %add3A_1162 = arith.addf %sub3A_1159, %add3A_1161 : vector<1x512xf32>
      %mul3A_1163 = arith.mulf %add3A_1158, %add3A_1162 : vector<1x512xf32>
      %max3A_1164 = vector.broadcast %get3A_1124 : vector<512x1xf32> to vector<512x512xf32>
      %max3A_1165 = vector.broadcast %get3A_1145 : vector<1x512xf32> to vector<512x512xf32>
      %max3A_1166 = arith.maximumf %max3A_1164, %max3A_1165 : vector<512x512xf32>
      %max3A_1167 = vector.broadcast %get3A_1127 : vector<512x1xf32> to vector<512x512xf32>
      %max3A_1168 = vector.broadcast %get3A_1148 : vector<1x512xf32> to vector<512x512xf32>
      %max3A_1169 = arith.maximumf %max3A_1167, %max3A_1168 : vector<512x512xf32>
      %min3A_1170 = vector.broadcast %get3A_1130 : vector<512x1xf32> to vector<512x512xf32>
      %min3A_1171 = vector.broadcast %get3A_1151 : vector<1x512xf32> to vector<512x512xf32>
      %min3A_1172 = arith.minimumf %min3A_1170, %min3A_1171 : vector<512x512xf32>
      %min3A_1173 = vector.broadcast %get3A_1133 : vector<512x1xf32> to vector<512x512xf32>
      %min3A_1174 = vector.broadcast %get3A_1154 : vector<1x512xf32> to vector<512x512xf32>
      %min3A_1175 = arith.minimumf %min3A_1173, %min3A_1174 : vector<512x512xf32>
      %sub3A_1176 = arith.subf %min3A_1172, %max3A_1166 : vector<512x512xf32>
      %add3A_1177 = arith.constant 1.000000e+00 : f32
      %add3A_1178 = vector.broadcast %add3A_1177 : f32 to vector<512x512xf32>
      %add3A_1179 = arith.addf %sub3A_1176, %add3A_1178 : vector<512x512xf32>
      %max3A_1180 = arith.constant 0.000000e+00 : f32
      %max3A_1181 = vector.broadcast %max3A_1180 : f32 to vector<512x512xf32>
      %max3A_1182 = arith.maximumf %add3A_1179, %max3A_1181 : vector<512x512xf32>
      %sub3A_1183 = arith.subf %min3A_1175, %max3A_1169 : vector<512x512xf32>
      %add3A_1184 = arith.constant 1.000000e+00 : f32
      %add3A_1185 = vector.broadcast %add3A_1184 : f32 to vector<512x512xf32>
      %add3A_1186 = arith.addf %sub3A_1183, %add3A_1185 : vector<512x512xf32>
      %max3A_1187 = arith.constant 0.000000e+00 : f32
      %max3A_1188 = vector.broadcast %max3A_1187 : f32 to vector<512x512xf32>
      %max3A_1189 = arith.maximumf %add3A_1186, %max3A_1188 : vector<512x512xf32>
      %mul3A_1190 = arith.mulf %max3A_1182, %max3A_1189 : vector<512x512xf32>
      %add3A_1191 = vector.broadcast %mul3A_1142 : vector<512x1xf32> to vector<512x512xf32>
      %add3A_1192 = vector.broadcast %mul3A_1163 : vector<1x512xf32> to vector<512x512xf32>
      %add3A_1193 = arith.addf %add3A_1191, %add3A_1192 : vector<512x512xf32>
      %sub3A_1194 = arith.subf %add3A_1193, %mul3A_1190 : vector<512x512xf32>
      %div3A_1195 = arith.divf %mul3A_1190, %sub3A_1194 : vector<512x512xf32>
      %gt3A_1196 = arith.constant 3.000000e-01 : f32
      %gt3A_1197 = vector.broadcast %gt3A_1196 : f32 to vector<512x512xf32>
      %gt3A_1198 = arith.cmpf ogt, %div3A_1195, %gt3A_1197 : vector<512x512xf32>
      %convert_element_type3A_1199 = arith.extui %gt3A_1198 : vector<512x512xi1> to vector<512x512xi32>
      %convert_element_type3A_1200 = arith.sitofp %convert_element_type3A_1199 : vector<512x512xi32> to vector<512x512xf32>
      %dot_general3A_1201 = arith.constant dense<0.000000e+00> : vector<1x512xf32>
      %dot_general3A_1202 = tpu.matmul %while3A_821#0, %convert_element_type3A_1200, %dot_general3A_1201 {dimension_numbers = #tpu.dot_dimension_numbers<[1], [0], [0], [1], [0, 0, 1, 1], [], []>, transpose_lhs_hint = false} : vector<1x512xf32>, vector<512x512xf32>, vector<1x512xf32> -> vector<1x512xf32>
      %get3A_1203 = arith.constant 0 : index
      %get3A_1204 = arith.index_cast %multiple_of3A_1121 : i32 to index
      %get3A_1205 = vector.load %arg2[%get3A_1203, %get3A_1204] : memref<1x5120xf32, #tpu.memory_space<vmem>>, vector<1x512xf32>
      %lt3A_1206 = arith.constant 5.000000e-01 : f32
      %lt3A_1207 = vector.broadcast %lt3A_1206 : f32 to vector<1x512xf32>
      %lt3A_1208 = arith.cmpf olt, %dot_general3A_1202, %lt3A_1207 : vector<1x512xf32>
      %convert_element_type3A_1209 = arith.extui %lt3A_1208 : vector<1x512xi1> to vector<1x512xi32>
      %convert_element_type3A_1210 = arith.sitofp %convert_element_type3A_1209 : vector<1x512xi32> to vector<1x512xf32>
      %mul3A_1211 = arith.mulf %get3A_1205, %convert_element_type3A_1210 : vector<1x512xf32>
      %swap3A_1212 = arith.constant 0 : index
      %swap3A_1213 = arith.index_cast %multiple_of3A_1121 : i32 to index
      %swap3A_1214 = vector.load %arg2[%swap3A_1212, %swap3A_1213] : memref<1x5120xf32, #tpu.memory_space<vmem>>, vector<1x512xf32>
      tpu.vector_store %arg2[%swap3A_1212, %swap3A_1213], %mul3A_1211 {strides = array<i32>} : memref<1x5120xf32, #tpu.memory_space<vmem>>, vector<1x512xf32>,
    }
    %scan3A_829 = arith.constant 2 : i32
    %get3A_830 = arith.constant 4096 : index
    %get3A_831 = arith.constant 0 : index
    %get3A_832 = vector.load %arg0[%get3A_830, %get3A_831] : memref<5120x128xf32, #tpu.memory_space<vmem>>, vector<512x1xf32>
    %get3A_833 = arith.constant 4096 : index
    %get3A_834 = arith.constant 1 : index
    %get3A_835 = vector.load %arg0[%get3A_833, %get3A_834] : memref<5120x128xf32, #tpu.memory_space<vmem>>, vector<512x1xf32>
    %get3A_836 = arith.constant 4096 : index
    %get3A_837 = arith.constant 2 : index
    %get3A_838 = vector.load %arg0[%get3A_836, %get3A_837] : memref<5120x128xf32, #tpu.memory_space<vmem>>, vector<512x1xf32>
    %get3A_839 = arith.constant 4096 : index
    %get3A_840 = arith.constant 3 : index
    %get3A_841 = vector.load %arg0[%get3A_839, %get3A_840] : memref<5120x128xf32, #tpu.memory_space<vmem>>, vector<512x1xf32>
    %sub3A_842 = arith.subf %get3A_838, %get3A_832 : vector<512x1xf32>
    %add3A_843 = arith.constant 1.000000e+00 : f32
    %add3A_844 = vector.broadcast %add3A_843 : f32 to vector<512x1xf32>
    %add3A_845 = arith.addf %sub3A_842, %add3A_844 : vector<512x1xf32>
    %sub3A_846 = arith.subf %get3A_841, %get3A_835 : vector<512x1xf32>
    %add3A_847 = arith.constant 1.000000e+00 : f32
    %add3A_848 = vector.broadcast %add3A_847 : f32 to vector<512x1xf32>
    %add3A_849 = arith.addf %sub3A_846, %add3A_848 : vector<512x1xf32>
    %mul3A_850 = arith.mulf %add3A_845, %add3A_849 : vector<512x1xf32>
    %get3A_851 = arith.constant 0 : index
    %get3A_852 = arith.constant 4096 : index
    %get3A_853 = vector.load %arg1[%get3A_851, %get3A_852] : memref<8x5120xf32, #tpu.memory_space<vmem>>, vector<1x512xf32>
    %get3A_854 = arith.constant 1 : index
    %get3A_855 = arith.constant 4096 : index
    %get3A_856 = vector.load %arg1[%get3A_854, %get3A_855] : memref<8x5120xf32, #tpu.memory_space<vmem>>, vector<1x512xf32>
    %get3A_857 = arith.constant 2 : index
    %get3A_858 = arith.constant 4096 : index
    %get3A_859 = vector.load %arg1[%get3A_857, %get3A_858] : memref<8x5120xf32, #tpu.memory_space<vmem>>, vector<1x512xf32>
    %get3A_860 = arith.constant 3 : index
    %get3A_861 = arith.constant 4096 : index
    %get3A_862 = vector.load %arg1[%get3A_860, %get3A_861] : memref<8x5120xf32, #tpu.memory_space<vmem>>, vector<1x512xf32>
    %sub3A_863 = arith.subf %get3A_859, %get3A_853 : vector<1x512xf32>
    %add3A_864 = arith.constant 1.000000e+00 : f32
    %add3A_865 = vector.broadcast %add3A_864 : f32 to vector<1x512xf32>
    %add3A_866 = arith.addf %sub3A_863, %add3A_865 : vector<1x512xf32>
    %sub3A_867 = arith.subf %get3A_862, %get3A_856 : vector<1x512xf32>
    %add3A_868 = arith.constant 1.000000e+00 : f32
    %add3A_869 = vector.broadcast %add3A_868 : f32 to vector<1x512xf32>
    %add3A_870 = arith.addf %sub3A_867, %add3A_869 : vector<1x512xf32>
    %mul3A_871 = arith.mulf %add3A_866, %add3A_870 : vector<1x512xf32>
    %max3A_872 = vector.broadcast %get3A_832 : vector<512x1xf32> to vector<512x512xf32>
    %max3A_873 = vector.broadcast %get3A_853 : vector<1x512xf32> to vector<512x512xf32>
    %max3A_874 = arith.maximumf %max3A_872, %max3A_873 : vector<512x512xf32>
    %max3A_875 = vector.broadcast %get3A_835 : vector<512x1xf32> to vector<512x512xf32>
    %max3A_876 = vector.broadcast %get3A_856 : vector<1x512xf32> to vector<512x512xf32>
    %max3A_877 = arith.maximumf %max3A_875, %max3A_876 : vector<512x512xf32>
    %min3A_878 = vector.broadcast %get3A_838 : vector<512x1xf32> to vector<512x512xf32>
    %min3A_879 = vector.broadcast %get3A_859 : vector<1x512xf32> to vector<512x512xf32>
    %min3A_880 = arith.minimumf %min3A_878, %min3A_879 : vector<512x512xf32>
    %min3A_881 = vector.broadcast %get3A_841 : vector<512x1xf32> to vector<512x512xf32>
    %min3A_882 = vector.broadcast %get3A_862 : vector<1x512xf32> to vector<512x512xf32>
    %min3A_883 = arith.minimumf %min3A_881, %min3A_882 : vector<512x512xf32>
    %sub3A_884 = arith.subf %min3A_880, %max3A_874 : vector<512x512xf32>
    %add3A_885 = arith.constant 1.000000e+00 : f32
    %add3A_886 = vector.broadcast %add3A_885 : f32 to vector<512x512xf32>
    %add3A_887 = arith.addf %sub3A_884, %add3A_886 : vector<512x512xf32>
    %max3A_888 = arith.constant 0.000000e+00 : f32
    %max3A_889 = vector.broadcast %max3A_888 : f32 to vector<512x512xf32>
    %max3A_890 = arith.maximumf %add3A_887, %max3A_889 : vector<512x512xf32>
    %sub3A_891 = arith.subf %min3A_883, %max3A_877 : vector<512x512xf32>
    %add3A_892 = arith.constant 1.000000e+00 : f32
    %add3A_893 = vector.broadcast %add3A_892 : f32 to vector<512x512xf32>
    %add3A_894 = arith.addf %sub3A_891, %add3A_893 : vector<512x512xf32>
    %max3A_895 = arith.constant 0.000000e+00 : f32
    %max3A_896 = vector.broadcast %max3A_895 : f32 to vector<512x512xf32>
    %max3A_897 = arith.maximumf %add3A_894, %max3A_896 : vector<512x512xf32>
    %mul3A_898 = arith.mulf %max3A_890, %max3A_897 : vector<512x512xf32>
    %add3A_899 = vector.broadcast %mul3A_850 : vector<512x1xf32> to vector<512x512xf32>
    %add3A_900 = vector.broadcast %mul3A_871 : vector<1x512xf32> to vector<512x512xf32>
    %add3A_901 = arith.addf %add3A_899, %add3A_900 : vector<512x512xf32>
    %sub3A_902 = arith.subf %add3A_901, %mul3A_898 : vector<512x512xf32>
    %div3A_903 = arith.divf %mul3A_898, %sub3A_902 : vector<512x512xf32>
    %gt3A_904 = arith.constant 3.000000e-01 : f32
    %gt3A_905 = vector.broadcast %gt3A_904 : f32 to vector<512x512xf32>
    %gt3A_906 = arith.cmpf ogt, %div3A_903, %gt3A_905 : vector<512x512xf32>
    %and3A_907 = arith.andi %gt3A_906, %gt3A : vector<512x512xi1>
    %convert_element_type3A_908 = arith.extui %and3A_907 : vector<512x512xi1> to vector<512x512xi32>
    %convert_element_type3A_909 = arith.sitofp %convert_element_type3A_908 : vector<512x512xi32> to vector<512x512xf32>
    %swap3A_910 = arith.constant 0 : index
    %swap3A_911 = arith.constant 0 : index
    %swap3A_912 = vector.load %arg3[%swap3A_910, %swap3A_911] : memref<512x512xf32, #tpu.memory_space<vmem>>, vector<512x512xf32>
    tpu.vector_store %arg3[%swap3A_910, %swap3A_911], %convert_element_type3A_909 {strides = array<i32>} : memref<512x512xf32, #tpu.memory_space<vmem>>, vector<512x512xf32>,
    %get3A_913 = arith.constant 0 : index
    %get3A_914 = arith.constant 4096 : index
    %get3A_915 = vector.load %arg2[%get3A_913, %get3A_914] : memref<1x5120xf32, #tpu.memory_space<vmem>>, vector<1x512xf32>
    %while3A_916 = arith.constant true
    %while3A_917:2 = scf.while (%while3A_1118 = %get3A_915, %while3A_1119 = %while3A_916) : (vector<1x512xf32>, i1) -> (vector<1x512xf32>, i1) {
      scf.condition(%while3A_1119) %while3A_1118, %while3A_1119 : vector<1x512xf32>, i1
    } do {
    ^bb0(%while3A_1118: vector<1x512xf32>, %while3A_1119: i1):
      %get3A_1120 = arith.constant 0 : index
      %get3A_1121 = arith.constant 0 : index
      %get3A_1122 = vector.load %arg3[%get3A_1120, %get3A_1121] : memref<512x512xf32, #tpu.memory_space<vmem>>, vector<512x512xf32>
      %dot_general3A_1123 = arith.constant dense<0.000000e+00> : vector<1x512xf32>
      %dot_general3A_1124 = tpu.matmul %while3A_1118, %get3A_1122, %dot_general3A_1123 {dimension_numbers = #tpu.dot_dimension_numbers<[1], [0], [0], [1], [0, 0, 1, 1], [], []>, transpose_lhs_hint = false} : vector<1x512xf32>, vector<512x512xf32>, vector<1x512xf32> -> vector<1x512xf32>
      %lt3A_1125 = arith.constant 5.000000e-01 : f32
      %lt3A_1126 = vector.broadcast %lt3A_1125 : f32 to vector<1x512xf32>
      %lt3A_1127 = arith.cmpf olt, %dot_general3A_1124, %lt3A_1126 : vector<1x512xf32>
      %convert_element_type3A_1128 = arith.extui %lt3A_1127 : vector<1x512xi1> to vector<1x512xi32>
      %convert_element_type3A_1129 = arith.sitofp %convert_element_type3A_1128 : vector<1x512xi32> to vector<1x512xf32>
      %mul3A_1130 = arith.mulf %get3A_915, %convert_element_type3A_1129 : vector<1x512xf32>
      %ne3A = arith.cmpf one, %mul3A_1130, %while3A_1118 : vector<1x512xf32>
      %reduce_or3A = arith.constant 1.000000e+00 : f32
      %reduce_or3A_1131 = arith.constant 0.000000e+00 : f32
      %reduce_or3A_1132 = vector.broadcast %reduce_or3A : f32 to vector<1x512xf32>
      %reduce_or3A_1133 = vector.broadcast %reduce_or3A_1131 : f32 to vector<1x512xf32>
      %reduce_or3A_1134 = arith.select %ne3A, %reduce_or3A_1132, %reduce_or3A_1133 : vector<1x512xi1>, vector<1x512xf32>
      %reduce_or3A_1135 = vector.shape_cast %reduce_or3A_1134 : vector<1x512xf32> to vector<1x1x512xf32>
      %reduce_or3A_1136 = arith.constant dense<0xFF800000> : vector<1xf32>
      %reduce_or3A_1137 = vector.multi_reduction <maximumf>, %reduce_or3A_1135, %reduce_or3A_1136 [1, 2] : vector<1x1x512xf32> to vector<1xf32>
      %reduce_or3A_1138 = vector.shape_cast %reduce_or3A_1137 : vector<1xf32> to vector<1x1x1xf32>
      %reduce_or3A_1139 = vector.extract %reduce_or3A_1138[0, 0, 0] : f32 from vector<1x1x1xf32>
      %reduce_or3A_1140 = arith.constant 0.000000e+00 : f32
      %reduce_or3A_1141 = arith.cmpf ogt, %reduce_or3A_1139, %reduce_or3A_1140 : f32
      scf.yield %mul3A_1130, %reduce_or3A_1141 : vector<1x512xf32>, i1
    }
    %swap3A_918 = arith.constant 0 : index
    %swap3A_919 = arith.constant 4096 : index
    %swap3A_920 = vector.load %arg2[%swap3A_918, %swap3A_919] : memref<1x5120xf32, #tpu.memory_space<vmem>>, vector<1x512xf32>
    tpu.vector_store %arg2[%swap3A_918, %swap3A_919], %while3A_917#0 {strides = array<i32>} : memref<1x5120xf32, #tpu.memory_space<vmem>>, vector<1x512xf32>,
    %scan3A_921 = arith.constant 9 : i32
    %mul3A_922 = arith.constant 512 : i32
    %mul3A_923 = arith.muli %scan3A_921, %mul3A_922 : i32
    %multiple_of3A = tpu.assume_multiple %mul3A_923, 512 : i32
    %get3A_924 = arith.constant 4096 : index
    %get3A_925 = arith.constant 0 : index
    %get3A_926 = vector.load %arg0[%get3A_924, %get3A_925] : memref<5120x128xf32, #tpu.memory_space<vmem>>, vector<512x1xf32>
    %get3A_927 = arith.constant 4096 : index
    %get3A_928 = arith.constant 1 : index
    %get3A_929 = vector.load %arg0[%get3A_927, %get3A_928] : memref<5120x128xf32, #tpu.memory_space<vmem>>, vector<512x1xf32>
    %get3A_930 = arith.constant 4096 : index
    %get3A_931 = arith.constant 2 : index
    %get3A_932 = vector.load %arg0[%get3A_930, %get3A_931] : memref<5120x128xf32, #tpu.memory_space<vmem>>, vector<512x1xf32>
    %get3A_933 = arith.constant 4096 : index
    %get3A_934 = arith.constant 3 : index
    %get3A_935 = vector.load %arg0[%get3A_933, %get3A_934] : memref<5120x128xf32, #tpu.memory_space<vmem>>, vector<512x1xf32>
    %sub3A_936 = arith.subf %get3A_932, %get3A_926 : vector<512x1xf32>
    %add3A_937 = arith.constant 1.000000e+00 : f32
    %add3A_938 = vector.broadcast %add3A_937 : f32 to vector<512x1xf32>
    %add3A_939 = arith.addf %sub3A_936, %add3A_938 : vector<512x1xf32>
    %sub3A_940 = arith.subf %get3A_935, %get3A_929 : vector<512x1xf32>
    %add3A_941 = arith.constant 1.000000e+00 : f32
    %add3A_942 = vector.broadcast %add3A_941 : f32 to vector<512x1xf32>
    %add3A_943 = arith.addf %sub3A_940, %add3A_942 : vector<512x1xf32>
    %mul3A_944 = arith.mulf %add3A_939, %add3A_943 : vector<512x1xf32>
    %get3A_945 = arith.constant 0 : index
    %get3A_946 = arith.index_cast %multiple_of3A : i32 to index
    %get3A_947 = vector.load %arg1[%get3A_945, %get3A_946] : memref<8x5120xf32, #tpu.memory_space<vmem>>, vector<1x512xf32>
    %get3A_948 = arith.constant 1 : index
    %get3A_949 = arith.index_cast %multiple_of3A : i32 to index
    %get3A_950 = vector.load %arg1[%get3A_948, %get3A_949] : memref<8x5120xf32, #tpu.memory_space<vmem>>, vector<1x512xf32>
    %get3A_951 = arith.constant 2 : index
    %get3A_952 = arith.index_cast %multiple_of3A : i32 to index
    %get3A_953 = vector.load %arg1[%get3A_951, %get3A_952] : memref<8x5120xf32, #tpu.memory_space<vmem>>, vector<1x512xf32>
    %get3A_954 = arith.constant 3 : index
    %get3A_955 = arith.index_cast %multiple_of3A : i32 to index
    %get3A_956 = vector.load %arg1[%get3A_954, %get3A_955] : memref<8x5120xf32, #tpu.memory_space<vmem>>, vector<1x512xf32>
    %sub3A_957 = arith.subf %get3A_953, %get3A_947 : vector<1x512xf32>
    %add3A_958 = arith.constant 1.000000e+00 : f32
    %add3A_959 = vector.broadcast %add3A_958 : f32 to vector<1x512xf32>
    %add3A_960 = arith.addf %sub3A_957, %add3A_959 : vector<1x512xf32>
    %sub3A_961 = arith.subf %get3A_956, %get3A_950 : vector<1x512xf32>
    %add3A_962 = arith.constant 1.000000e+00 : f32
    %add3A_963 = vector.broadcast %add3A_962 : f32 to vector<1x512xf32>
    %add3A_964 = arith.addf %sub3A_961, %add3A_963 : vector<1x512xf32>
    %mul3A_965 = arith.mulf %add3A_960, %add3A_964 : vector<1x512xf32>
    %max3A_966 = vector.broadcast %get3A_926 : vector<512x1xf32> to vector<512x512xf32>
    %max3A_967 = vector.broadcast %get3A_947 : vector<1x512xf32> to vector<512x512xf32>
    %max3A_968 = arith.maximumf %max3A_966, %max3A_967 : vector<512x512xf32>
    %max3A_969 = vector.broadcast %get3A_929 : vector<512x1xf32> to vector<512x512xf32>
    %max3A_970 = vector.broadcast %get3A_950 : vector<1x512xf32> to vector<512x512xf32>
    %max3A_971 = arith.maximumf %max3A_969, %max3A_970 : vector<512x512xf32>
    %min3A_972 = vector.broadcast %get3A_932 : vector<512x1xf32> to vector<512x512xf32>
    %min3A_973 = vector.broadcast %get3A_953 : vector<1x512xf32> to vector<512x512xf32>
    %min3A_974 = arith.minimumf %min3A_972, %min3A_973 : vector<512x512xf32>
    %min3A_975 = vector.broadcast %get3A_935 : vector<512x1xf32> to vector<512x512xf32>
    %min3A_976 = vector.broadcast %get3A_956 : vector<1x512xf32> to vector<512x512xf32>
    %min3A_977 = arith.minimumf %min3A_975, %min3A_976 : vector<512x512xf32>
    %sub3A_978 = arith.subf %min3A_974, %max3A_968 : vector<512x512xf32>
    %add3A_979 = arith.constant 1.000000e+00 : f32
    %add3A_980 = vector.broadcast %add3A_979 : f32 to vector<512x512xf32>
    %add3A_981 = arith.addf %sub3A_978, %add3A_980 : vector<512x512xf32>
    %max3A_982 = arith.constant 0.000000e+00 : f32
    %max3A_983 = vector.broadcast %max3A_982 : f32 to vector<512x512xf32>
    %max3A_984 = arith.maximumf %add3A_981, %max3A_983 : vector<512x512xf32>
    %sub3A_985 = arith.subf %min3A_977, %max3A_971 : vector<512x512xf32>
    %add3A_986 = arith.constant 1.000000e+00 : f32
    %add3A_987 = vector.broadcast %add3A_986 : f32 to vector<512x512xf32>
    %add3A_988 = arith.addf %sub3A_985, %add3A_987 : vector<512x512xf32>
    %max3A_989 = arith.constant 0.000000e+00 : f32
    %max3A_990 = vector.broadcast %max3A_989 : f32 to vector<512x512xf32>
    %max3A_991 = arith.maximumf %add3A_988, %max3A_990 : vector<512x512xf32>
    %mul3A_992 = arith.mulf %max3A_984, %max3A_991 : vector<512x512xf32>
    %add3A_993 = vector.broadcast %mul3A_944 : vector<512x1xf32> to vector<512x512xf32>
    %add3A_994 = vector.broadcast %mul3A_965 : vector<1x512xf32> to vector<512x512xf32>
    %add3A_995 = arith.addf %add3A_993, %add3A_994 : vector<512x512xf32>
    %sub3A_996 = arith.subf %add3A_995, %mul3A_992 : vector<512x512xf32>
    %div3A_997 = arith.divf %mul3A_992, %sub3A_996 : vector<512x512xf32>
    %gt3A_998 = arith.constant 3.000000e-01 : f32
    %gt3A_999 = vector.broadcast %gt3A_998 : f32 to vector<512x512xf32>
    %gt3A_1000 = arith.cmpf ogt, %div3A_997, %gt3A_999 : vector<512x512xf32>
    %convert_element_type3A_1001 = arith.extui %gt3A_1000 : vector<512x512xi1> to vector<512x512xi32>
    %convert_element_type3A_1002 = arith.sitofp %convert_element_type3A_1001 : vector<512x512xi32> to vector<512x512xf32>
    %dot_general3A = arith.constant dense<0.000000e+00> : vector<1x512xf32>
    %dot_general3A_1003 = tpu.matmul %while3A_917#0, %convert_element_type3A_1002, %dot_general3A {dimension_numbers = #tpu.dot_dimension_numbers<[1], [0], [0], [1], [0, 0, 1, 1], [], []>, transpose_lhs_hint = false} : vector<1x512xf32>, vector<512x512xf32>, vector<1x512xf32> -> vector<1x512xf32>
    %get3A_1004 = arith.constant 0 : index
    %get3A_1005 = arith.index_cast %multiple_of3A : i32 to index
    %get3A_1006 = vector.load %arg2[%get3A_1004, %get3A_1005] : memref<1x5120xf32, #tpu.memory_space<vmem>>, vector<1x512xf32>
    %lt3A = arith.constant 5.000000e-01 : f32
    %lt3A_1007 = vector.broadcast %lt3A : f32 to vector<1x512xf32>
    %lt3A_1008 = arith.cmpf olt, %dot_general3A_1003, %lt3A_1007 : vector<1x512xf32>
    %convert_element_type3A_1009 = arith.extui %lt3A_1008 : vector<1x512xi1> to vector<1x512xi32>
    %convert_element_type3A_1010 = arith.sitofp %convert_element_type3A_1009 : vector<1x512xi32> to vector<1x512xf32>
    %mul3A_1011 = arith.mulf %get3A_1006, %convert_element_type3A_1010 : vector<1x512xf32>
    %swap3A_1012 = arith.constant 0 : index
    %swap3A_1013 = arith.index_cast %multiple_of3A : i32 to index
    %swap3A_1014 = vector.load %arg2[%swap3A_1012, %swap3A_1013] : memref<1x5120xf32, #tpu.memory_space<vmem>>, vector<1x512xf32>
    tpu.vector_store %arg2[%swap3A_1012, %swap3A_1013], %mul3A_1011 {strides = array<i32>} : memref<1x5120xf32, #tpu.memory_space<vmem>>, vector<1x512xf32>,
    %scan3A_1015 = arith.constant 1 : i32
    %get3A_1016 = arith.constant 4608 : index
    %get3A_1017 = arith.constant 0 : index
    %get3A_1018 = vector.load %arg0[%get3A_1016, %get3A_1017] : memref<5120x128xf32, #tpu.memory_space<vmem>>, vector<512x1xf32>
    %get3A_1019 = arith.constant 4608 : index
    %get3A_1020 = arith.constant 1 : index
    %get3A_1021 = vector.load %arg0[%get3A_1019, %get3A_1020] : memref<5120x128xf32, #tpu.memory_space<vmem>>, vector<512x1xf32>
    %get3A_1022 = arith.constant 4608 : index
    %get3A_1023 = arith.constant 2 : index
    %get3A_1024 = vector.load %arg0[%get3A_1022, %get3A_1023] : memref<5120x128xf32, #tpu.memory_space<vmem>>, vector<512x1xf32>
    %get3A_1025 = arith.constant 4608 : index
    %get3A_1026 = arith.constant 3 : index
    %get3A_1027 = vector.load %arg0[%get3A_1025, %get3A_1026] : memref<5120x128xf32, #tpu.memory_space<vmem>>, vector<512x1xf32>
    %sub3A_1028 = arith.subf %get3A_1024, %get3A_1018 : vector<512x1xf32>
    %add3A_1029 = arith.constant 1.000000e+00 : f32
    %add3A_1030 = vector.broadcast %add3A_1029 : f32 to vector<512x1xf32>
    %add3A_1031 = arith.addf %sub3A_1028, %add3A_1030 : vector<512x1xf32>
    %sub3A_1032 = arith.subf %get3A_1027, %get3A_1021 : vector<512x1xf32>
    %add3A_1033 = arith.constant 1.000000e+00 : f32
    %add3A_1034 = vector.broadcast %add3A_1033 : f32 to vector<512x1xf32>
    %add3A_1035 = arith.addf %sub3A_1032, %add3A_1034 : vector<512x1xf32>
    %mul3A_1036 = arith.mulf %add3A_1031, %add3A_1035 : vector<512x1xf32>
    %get3A_1037 = arith.constant 0 : index
    %get3A_1038 = arith.constant 4608 : index
    %get3A_1039 = vector.load %arg1[%get3A_1037, %get3A_1038] : memref<8x5120xf32, #tpu.memory_space<vmem>>, vector<1x512xf32>
    %get3A_1040 = arith.constant 1 : index
    %get3A_1041 = arith.constant 4608 : index
    %get3A_1042 = vector.load %arg1[%get3A_1040, %get3A_1041] : memref<8x5120xf32, #tpu.memory_space<vmem>>, vector<1x512xf32>
    %get3A_1043 = arith.constant 2 : index
    %get3A_1044 = arith.constant 4608 : index
    %get3A_1045 = vector.load %arg1[%get3A_1043, %get3A_1044] : memref<8x5120xf32, #tpu.memory_space<vmem>>, vector<1x512xf32>
    %get3A_1046 = arith.constant 3 : index
    %get3A_1047 = arith.constant 4608 : index
    %get3A_1048 = vector.load %arg1[%get3A_1046, %get3A_1047] : memref<8x5120xf32, #tpu.memory_space<vmem>>, vector<1x512xf32>
    %sub3A_1049 = arith.subf %get3A_1045, %get3A_1039 : vector<1x512xf32>
    %add3A_1050 = arith.constant 1.000000e+00 : f32
    %add3A_1051 = vector.broadcast %add3A_1050 : f32 to vector<1x512xf32>
    %add3A_1052 = arith.addf %sub3A_1049, %add3A_1051 : vector<1x512xf32>
    %sub3A_1053 = arith.subf %get3A_1048, %get3A_1042 : vector<1x512xf32>
    %add3A_1054 = arith.constant 1.000000e+00 : f32
    %add3A_1055 = vector.broadcast %add3A_1054 : f32 to vector<1x512xf32>
    %add3A_1056 = arith.addf %sub3A_1053, %add3A_1055 : vector<1x512xf32>
    %mul3A_1057 = arith.mulf %add3A_1052, %add3A_1056 : vector<1x512xf32>
    %max3A_1058 = vector.broadcast %get3A_1018 : vector<512x1xf32> to vector<512x512xf32>
    %max3A_1059 = vector.broadcast %get3A_1039 : vector<1x512xf32> to vector<512x512xf32>
    %max3A_1060 = arith.maximumf %max3A_1058, %max3A_1059 : vector<512x512xf32>
    %max3A_1061 = vector.broadcast %get3A_1021 : vector<512x1xf32> to vector<512x512xf32>
    %max3A_1062 = vector.broadcast %get3A_1042 : vector<1x512xf32> to vector<512x512xf32>
    %max3A_1063 = arith.maximumf %max3A_1061, %max3A_1062 : vector<512x512xf32>
    %min3A_1064 = vector.broadcast %get3A_1024 : vector<512x1xf32> to vector<512x512xf32>
    %min3A_1065 = vector.broadcast %get3A_1045 : vector<1x512xf32> to vector<512x512xf32>
    %min3A_1066 = arith.minimumf %min3A_1064, %min3A_1065 : vector<512x512xf32>
    %min3A_1067 = vector.broadcast %get3A_1027 : vector<512x1xf32> to vector<512x512xf32>
    %min3A_1068 = vector.broadcast %get3A_1048 : vector<1x512xf32> to vector<512x512xf32>
    %min3A_1069 = arith.minimumf %min3A_1067, %min3A_1068 : vector<512x512xf32>
    %sub3A_1070 = arith.subf %min3A_1066, %max3A_1060 : vector<512x512xf32>
    %add3A_1071 = arith.constant 1.000000e+00 : f32
    %add3A_1072 = vector.broadcast %add3A_1071 : f32 to vector<512x512xf32>
    %add3A_1073 = arith.addf %sub3A_1070, %add3A_1072 : vector<512x512xf32>
    %max3A_1074 = arith.constant 0.000000e+00 : f32
    %max3A_1075 = vector.broadcast %max3A_1074 : f32 to vector<512x512xf32>
    %max3A_1076 = arith.maximumf %add3A_1073, %max3A_1075 : vector<512x512xf32>
    %sub3A_1077 = arith.subf %min3A_1069, %max3A_1063 : vector<512x512xf32>
    %add3A_1078 = arith.constant 1.000000e+00 : f32
    %add3A_1079 = vector.broadcast %add3A_1078 : f32 to vector<512x512xf32>
    %add3A_1080 = arith.addf %sub3A_1077, %add3A_1079 : vector<512x512xf32>
    %max3A_1081 = arith.constant 0.000000e+00 : f32
    %max3A_1082 = vector.broadcast %max3A_1081 : f32 to vector<512x512xf32>
    %max3A_1083 = arith.maximumf %add3A_1080, %max3A_1082 : vector<512x512xf32>
    %mul3A_1084 = arith.mulf %max3A_1076, %max3A_1083 : vector<512x512xf32>
    %add3A_1085 = vector.broadcast %mul3A_1036 : vector<512x1xf32> to vector<512x512xf32>
    %add3A_1086 = vector.broadcast %mul3A_1057 : vector<1x512xf32> to vector<512x512xf32>
    %add3A_1087 = arith.addf %add3A_1085, %add3A_1086 : vector<512x512xf32>
    %sub3A_1088 = arith.subf %add3A_1087, %mul3A_1084 : vector<512x512xf32>
    %div3A_1089 = arith.divf %mul3A_1084, %sub3A_1088 : vector<512x512xf32>
    %gt3A_1090 = arith.constant 3.000000e-01 : f32
    %gt3A_1091 = vector.broadcast %gt3A_1090 : f32 to vector<512x512xf32>
    %gt3A_1092 = arith.cmpf ogt, %div3A_1089, %gt3A_1091 : vector<512x512xf32>
    %and3A_1093 = arith.andi %gt3A_1092, %gt3A : vector<512x512xi1>
    %convert_element_type3A_1094 = arith.extui %and3A_1093 : vector<512x512xi1> to vector<512x512xi32>
    %convert_element_type3A_1095 = arith.sitofp %convert_element_type3A_1094 : vector<512x512xi32> to vector<512x512xf32>
    %swap3A_1096 = arith.constant 0 : index
    %swap3A_1097 = arith.constant 0 : index
    %swap3A_1098 = vector.load %arg3[%swap3A_1096, %swap3A_1097] : memref<512x512xf32, #tpu.memory_space<vmem>>, vector<512x512xf32>
    tpu.vector_store %arg3[%swap3A_1096, %swap3A_1097], %convert_element_type3A_1095 {strides = array<i32>} : memref<512x512xf32, #tpu.memory_space<vmem>>, vector<512x512xf32>,
    %get3A_1099 = arith.constant 0 : index
    %get3A_1100 = arith.constant 4608 : index
    %get3A_1101 = vector.load %arg2[%get3A_1099, %get3A_1100] : memref<1x5120xf32, #tpu.memory_space<vmem>>, vector<1x512xf32>
    %while3A_1102 = arith.constant true
    %while3A_1103:2 = scf.while (%while3A_1118 = %get3A_1101, %while3A_1119 = %while3A_1102) : (vector<1x512xf32>, i1) -> (vector<1x512xf32>, i1) {
      scf.condition(%while3A_1119) %while3A_1118, %while3A_1119 : vector<1x512xf32>, i1
    } do {
    ^bb0(%while3A_1118: vector<1x512xf32>, %while3A_1119: i1):
      %get3A_1120 = arith.constant 0 : index
      %get3A_1121 = arith.constant 0 : index
      %get3A_1122 = vector.load %arg3[%get3A_1120, %get3A_1121] : memref<512x512xf32, #tpu.memory_space<vmem>>, vector<512x512xf32>
      %dot_general3A_1123 = arith.constant dense<0.000000e+00> : vector<1x512xf32>
      %dot_general3A_1124 = tpu.matmul %while3A_1118, %get3A_1122, %dot_general3A_1123 {dimension_numbers = #tpu.dot_dimension_numbers<[1], [0], [0], [1], [0, 0, 1, 1], [], []>, transpose_lhs_hint = false} : vector<1x512xf32>, vector<512x512xf32>, vector<1x512xf32> -> vector<1x512xf32>
      %lt3A_1125 = arith.constant 5.000000e-01 : f32
      %lt3A_1126 = vector.broadcast %lt3A_1125 : f32 to vector<1x512xf32>
      %lt3A_1127 = arith.cmpf olt, %dot_general3A_1124, %lt3A_1126 : vector<1x512xf32>
      %convert_element_type3A_1128 = arith.extui %lt3A_1127 : vector<1x512xi1> to vector<1x512xi32>
      %convert_element_type3A_1129 = arith.sitofp %convert_element_type3A_1128 : vector<1x512xi32> to vector<1x512xf32>
      %mul3A_1130 = arith.mulf %get3A_1101, %convert_element_type3A_1129 : vector<1x512xf32>
      %ne3A = arith.cmpf one, %mul3A_1130, %while3A_1118 : vector<1x512xf32>
      %reduce_or3A = arith.constant 1.000000e+00 : f32
      %reduce_or3A_1131 = arith.constant 0.000000e+00 : f32
      %reduce_or3A_1132 = vector.broadcast %reduce_or3A : f32 to vector<1x512xf32>
      %reduce_or3A_1133 = vector.broadcast %reduce_or3A_1131 : f32 to vector<1x512xf32>
      %reduce_or3A_1134 = arith.select %ne3A, %reduce_or3A_1132, %reduce_or3A_1133 : vector<1x512xi1>, vector<1x512xf32>
      %reduce_or3A_1135 = vector.shape_cast %reduce_or3A_1134 : vector<1x512xf32> to vector<1x1x512xf32>
      %reduce_or3A_1136 = arith.constant dense<0xFF800000> : vector<1xf32>
      %reduce_or3A_1137 = vector.multi_reduction <maximumf>, %reduce_or3A_1135, %reduce_or3A_1136 [1, 2] : vector<1x1x512xf32> to vector<1xf32>
      %reduce_or3A_1138 = vector.shape_cast %reduce_or3A_1137 : vector<1xf32> to vector<1x1x1xf32>
      %reduce_or3A_1139 = vector.extract %reduce_or3A_1138[0, 0, 0] : f32 from vector<1x1x1xf32>
      %reduce_or3A_1140 = arith.constant 0.000000e+00 : f32
      %reduce_or3A_1141 = arith.cmpf ogt, %reduce_or3A_1139, %reduce_or3A_1140 : f32
      scf.yield %mul3A_1130, %reduce_or3A_1141 : vector<1x512xf32>, i1
    }
    %swap3A_1104 = arith.constant 0 : index
    %swap3A_1105 = arith.constant 4608 : index
    %swap3A_1106 = vector.load %arg2[%swap3A_1104, %swap3A_1105] : memref<1x5120xf32, #tpu.memory_space<vmem>>, vector<1x512xf32>
    tpu.vector_store %arg2[%swap3A_1104, %swap3A_1105], %while3A_1103#0 {strides = array<i32>} : memref<1x5120xf32, #tpu.memory_space<vmem>>, vector<1x512xf32>,
    %get3A_1107 = arith.constant 0 : index
    %get3A_1108 = arith.constant 0 : index
    %get3A_1109 = vector.load %arg1[%get3A_1107, %get3A_1108] : memref<8x5120xf32, #tpu.memory_space<vmem>>, vector<8x5120xf32>
    %get3A_1110 = arith.constant 0 : index
    %get3A_1111 = arith.constant 0 : index
    %get3A_1112 = vector.load %arg2[%get3A_1110, %get3A_1111] : memref<1x5120xf32, #tpu.memory_space<vmem>>, vector<1x5120xf32>
    %mul3A_1113 = vector.broadcast %get3A_1112 : vector<1x5120xf32> to vector<8x5120xf32>
    %mul3A_1114 = arith.mulf %get3A_1109, %mul3A_1113 : vector<8x5120xf32>
    %swap3A_1115 = arith.constant 0 : index
    %swap3A_1116 = arith.constant 0 : index
    %swap3A_1117 = vector.load %arg1[%swap3A_1115, %swap3A_1116] : memref<8x5120xf32, #tpu.memory_space<vmem>>, vector<8x5120xf32>
    tpu.vector_store %arg1[%swap3A_1115, %swap3A_1116], %mul3A_1114 {strides = array<i32>} : memref<8x5120xf32, #tpu.memory_space<vmem>>, vector<8x5120xf32>,
    return
  }
}

</mosaic_0001>

<sc_bundles>
// kernel: kernel.5.cloned.1.call-start
scs
__scs_entry_jumppad:
0x0: {  	(pc) =	sbr.rel $0x88, $3  }
0x1: {  	(tag) =	ssettag $0x0;
	lr =	simm.s32 $0x1  }
0x2: {  	[smem:$0x3F9F] =	sst lr;
	_ =	strace $0xD0000000  }
0x3: {  	_ = 	snop  }
0x4: {  	_ = 	snop  }
0x5: {  	_ = 	snop  }
0x6: {  	_ = 	snop  }
0x7: {  	_ = 	snop  }
__scs_overlays_trampoline_lowered:
0x8: {  	[smem:$0x3FAE] =	sst s0  }
0x9: {  	[smem:$0x3FAF] =	sst s1  }
0xa: {  	[smem:$0x3FB0] =	sst s2  }
0xb: {  	[smem:$0x3FB1] =	sst s3  }
0xc: {  	[smem:$0x3FB2] =	sst s4  }
0xd: {  	[smem:$0x3FB3] =	sst s5  }
0xe: {  	[smem:$0x3FB4] =	sst s6  }
0xf: {  	[smem:$0x3FB5] =	sst s7  }
0x10: {  	[smem:$0x3FB6] =	sst s8  }
0x11: {  	[smem:$0x3FB7] =	sst s9;
	s0 =	simm.s32 @!p0 $0x0  }
0x12: {  	s1 =	sld [smem:$0x3F9D];
	s0 =	simm.s32 @p0 $0x1  }
0x13: {  	[smem:$0x3FB8] =	sst s0;
	s0 =	simm.s32 @!p1 $0x0  }
0x14: {  	s2 =	sld [smem:$0x3F9C];
	s0 =	simm.s32 @p1 $0x1  }
0x15: {  	[smem:$0x3FB9] =	sst s0;
	s0 =	simm.s32 @!p2 $0x0  }
0x16: {  	s3 =	sld [smem:$0x3FDB];
	s0 =	simm.s32 @p2 $0x1  }
0x17: {  	s4 =	simm.s32 $0x1BF5;
	[smem:$0x3FBB] =	sst s0  }
0x18: {  	s0 =	sld [smem:$0x3F9E];
	_ =	swait.ge [sflag:s4], $0x0  }
0x19: {  	s7 =	sld [smem:$0x3F9F]  }
0x1a: {  	s8 =	sadd.s32 $0xFFFFE003, lr  }
0x1b: {  	s9 =	sadd.s32 $0xFFFFFEF7, lr;
	s5 =	simm.s32 $0xFFFFFFFF;
	p2 =	slt.u32 s8, $0xFFFFF086  }
0x1c: {  	p1 =	slt.u32 s9, $0xF7A;
	s5 =	simm.s32 @!p2 $0x0  }
0x1d: {  	s5 =	simm.s32 @p1 $0x1;
	p0 =	seq.s32 s7, s2  }
0x1e: {  	s7 =	smul.u32 @!p0 $0xF7A, s2;
	p2 =	seq.s32 @!p0 s5, $0x0  }
0x1f: {  	s9 =	smul.u32 $0xF7A, s1;
	s8 =	simm.s32 @!p0 $0x1BF5;
	p2 =	por !p2, p0  }
0x20: {  	[sflag:s8] =	ssyncset.s32 @!p0 $0xFFFFF086;
	s6 =	sadd.s32 @!p0 s3, s7;
	s7 =	simm.s32 @!p0 $0x108  }
0x21: {  	s3 =	sadd.s32 s3, s9;
	s6 =	sadd.s32 @!p0 $0x88, s6;
	s7 =	simm.s32 @p2 $0x1082  }
0x22: {  	[simem:s7], [sflag:s8] =	dma.local @!p0 [hbm:s6], $0xF7A  }
0x23: {  	s9 =	sor.u32 $0xD0000000, s2;
	s6 =	simm.s32 $0x108;
	_ =	swait.ge @!p0 [sflag:s8], $0x0  }
0x24: {  	s3 =	sadd.s32 $0x88, s3;
	s6 =	simm.s32 @!p1 $0x1082;
	[sflag:s4] =	ssyncset.s32 $0xFFFFF086  }
0x25: {  	[simem:s6], [sflag:s4] =	dma.local [hbm:s3], $0xF7A  }
0x26: {  	[smem:$0x3F9F] =	sst s1;
	(tag) =	ssettag s2;
	_ =	strace s9  }
0x27: {  	s1 =	sld [smem:$0x3FAF]  }
0x28: {  	s2 =	sld [smem:$0x3FB0]  }
0x29: {  	s4 =	sld [smem:$0x3FB2]  }
0x2a: {  	p0 =	seq.s32 s5, $0x0;
	s5 =	sld [smem:$0x3FB3]  }
0x2b: {  	s6 =	sld [smem:$0x3FB4]  }
0x2c: {  	s7 =	sld [smem:$0x3FB5]  }
0x2d: {  	s3 =	simm.s32 $0x108;
	s8 =	sld [smem:$0x3FB6]  }
0x2e: {  	s3 =	simm.s32 @!p0 $0x1082;
	s9 =	sld [smem:$0x3FB7]  }
0x2f: {  	lr =	sadd.s32 s0, s3;
	s0 =	sld [smem:$0x3FAE]  }
0x30: {  	s3 =	sld [smem:$0x3FB1]  }
0x31: {  	[smem:$0x3FBA] =	sst s10  }
0x32: {  	s10 =	sld [smem:$0x3FB8];
	_ =	sdelay $0x3  }
0x33: {  	p0 =	seq.s32 s10, $0x1;
	s10 =	sld [smem:$0x3FBA];
	_ =	sdelay $0x3  }
0x34: {  	[smem:$0x3FBA] =	sst s10  }
0x35: {  	s10 =	sld [smem:$0x3FB9];
	_ =	sdelay $0x3  }
0x36: {  	p1 =	seq.s32 s10, $0x1;
	s10 =	sld [smem:$0x3FBA];
	_ =	sdelay $0x3  }
0x37: {  	[smem:$0x3FBA] =	sst s10  }
0x38: {  	s10 =	sld [smem:$0x3FBB]  }
0x39: {  	_ = 	snop;
	(pc) =	sbr.ind lr, $3  }
0x3a: {  	_ = 	snop  }
0x3b: {  	_ = 	snop  }
0x3c: {  	p2 =	seq.s32 s10, $0x1;
	s10 =	sld [smem:$0x3FBA]  }
0x3d: {  	_ =	shalt  }
0x3e: {  	_ =	shalt  }
0x3f: {  	_ =	shalt  }
0x40: {  	_ =	shalt  }
0x41: {  	_ =	shalt  }
0x42: {  	_ =	shalt  }
0x43: {  	_ =	shalt  }
0x44: {  	_ =	shalt  }
0x45: {  	_ =	shalt  }
0x46: {  	_ =	shalt  }
0x47: {  	_ =	shalt  }
0x48: {  	_ =	shalt  }
0x49: {  	_ =	shalt  }
0x4a: {  	_ =	shalt  }
0x4b: {  	_ =	shalt  }
0x4c: {  	_ =	shalt  }
0x4d: {  	_ =	shalt  }
0x4e: {  	_ =	shalt  }
0x4f: {  	_ =	shalt  }
0x50: {  	_ =	shalt  }
0x51: {  	_ =	shalt  }
0x52: {  	_ =	shalt  }
0x53: {  	_ =	shalt  }
0x54: {  	_ =	shalt  }
0x55: {  	_ =	shalt  }
0x56: {  	_ =	shalt  }
0x57: {  	_ =	shalt  }
0x58: {  	_ =	shalt  }
0x59: {  	_ =	shalt  }
0x5a: {  	_ =	shalt  }
0x5b: {  	_ =	shalt  }
0x5c: {  	_ =	shalt  }
0x5d: {  	_ =	shalt  }
0x5e: {  	_ =	shalt  }
0x5f: {  	_ =	shalt  }
0x60: {  	_ =	shalt  }
0x61: {  	_ =	shalt  }
0x62: {  	_ =	shalt  }
0x63: {  	_ =	shalt  }
0x64: {  	_ =	shalt  }
0x65: {  	_ =	shalt  }
0x66: {  	_ =	shalt  }
0x67: {  	_ =	shalt  }
0x68: {  	_ =	shalt  }
0x69: {  	_ =	shalt  }
0x6a: {  	_ =	shalt  }
0x6b: {  	_ =	shalt  }
0x6c: {  	_ =	shalt  }
0x6d: {  	_ =	shalt  }
0x6e: {  	_ =	shalt  }
0x6f: {  	_ =	shalt  }
0x70: {  	_ =	shalt  }
0x71: {  	_ =	shalt  }
0x72: {  	_ =	shalt  }
0x73: {  	_ =	shalt  }
0x74: {  	_ =	shalt  }
0x75: {  	_ =	shalt  }
0x76: {  	_ =	shalt  }
0x77: {  	_ =	shalt  }
0x78: {  	_ =	shalt  }
0x79: {  	_ =	shalt  }
0x7a: {  	_ =	shalt  }
0x7b: {  	_ =	shalt  }
0x7c: {  	_ =	shalt  }
0x7d: {  	_ =	shalt  }
0x7e: {  	_ =	shalt  }
0x7f: {  	_ =	shalt  }
0x80: {  	_ =	shalt  }
0x81: {  	_ =	shalt  }
0x82: {  	_ =	shalt  }
0x83: {  	_ =	shalt  }
0x84: {  	_ =	shalt  }
0x85: {  	_ =	shalt  }
0x86: {  	_ =	shalt  }
0x87: {  	_ =	shalt  }
.Lfunc_end0:
.L_simem_size_0:
called_computation_lowered:
.L_overlay_start_0:
0x88: {  	s2 =	sld [smem:$0x3FD9]  }
0x89: {  	s3 =	sld [smem:$0x3FFE];
	_ =	sdelay $0x1  }
0x8a: {  	s1 =	srdreg.scid  }
0x8b: {  	s0 =	sand.u32 $0x1, s1  }
0x8c: {  	s17 =	sshll.u32 s0, $0xA;
	s2 =	sadd.s32 s3, s2  }
0x8d: {  	s2 =	sadd.s32 s2, s17  }
0x8e: {  	[smem:$0x3FC6] =	sst s2  }
0x8f: {  	_ = 	snop  }
0x90: {  	s2 =	sld [smem:$0x3FD0];
	(tm) =	ssettm $0x1  }
0x91: {  	s18 =	sld [smem:$0x3FFB];
	_ =	sdelay $0x3  }
0x92: {  	_ =	strace s18  }
0x93: {  	s3 =	sld [smem:$0x3FFC];
	_ =	sdelay $0x3  }
0x94: {  	_ =	strace s3  }
0x95: {  	s3 =	sld [smem:$0x3FFD];
	_ =	sdelay $0x3  }
0x96: {  	_ =	strace s3  }
0x97: {  	_ =	strace $0x8FFFFFFF  }
0x98: {  	s19 =	sld [smem:$0x3FDB];
	_ =	sdelay $0x1  }
0x99: {  	s4 =	simm.s32 $_scs_section_size  }
0x9a: {  	s5 =	simm.s32 $_size__tile_overlayer_lowered;
	s6 =	simm.s32 $_tile_overlayer_lowered  }
0x9b: {  	s22 =	simm.s32 $0x1BFF;
	s21 =	sshll.u32 s6, $0x1;
	s3 =	sadd.s32 s4, s19  }
0x9c: {  	s7 =	simm.s32 $0x0;
	s20 =	sshll.u32 s5, $0x1;
	s5 =	sadd.s32 s21, s3  }
0x9d: {  	[timem:s7], [sflag:s22] =	dma.local [hbm:s5], s20  }
0x9e: {  	_ =	swait.ge [sflag:s22], s20  }
0x9f: {  	s4 =	ssub.s32 $0x0, s20;
	[sflag:s22] =	ssyncset.done $0x0  }
0xa0: {  	[sflag:s22] =	ssyncadd.s32 s4;
	_ =	sdelay $0x1  }
0xa1: {  	s23 =	simm.s32 $0x1B8B  }
0xa2: {  	_ =	swait.ge [sflag:s23], $0x1  }
0xa3: {  	[sflag:s23] =	ssyncset.done $0x0  }
0xa4: {  	s25 =	simm.s32 $0x1B8E;
	s24 =	sld [smem:$0x3FFE];
	[sflag:s23] =	ssyncadd.s32 $0xFFFFFFFF  }
0xa5: {  	s26 =	simm.s32 $execute0_lowered;
	[smem:$0x3FD2] =	sst s25  }
0xa6: {  	s5 =	sshll.u32 s26, $0x1;
	_ =	strace $0x80000046;
	[dreg:$0x1] =	wrdreg $0xFFFFFFFF  }
0xa7: {  	s28 =	simm.s32 $_size_execute0_lowered;
	s3 =	sadd.s32 s3, s5;
	[dreg:$0x0] =	wrdreg $0x0  }
0xa8: {  	s5 =	sshll.u32 s28, $0x1;
	[dreg:$0x2] =	wrdreg s3  }
0xa9: {  	[dreg:$0x3] =	wrdreg s5  }
0xaa: {  	[dreg:$0x4] =	wrdreg $0xC0  }
0xab: {  	_ =	task [dreg:s7], $0x5FFFF  }
0xac: {  	[dreg:$0x1] =	wrdreg $0xFFFFFFFF  }
0xad: {  	[dreg:$0x0] =	wrdreg $0x60  }
0xae: {  	[dreg:$0x2] =	wrdreg s24  }
0xaf: {  	[dreg:$0x3] =	wrdreg s2  }
0xb0: {  	[dreg:$0x4] =	wrdreg $0x9  }
0xb1: {  	_ =	task.clear_ibuf [dreg:s7], $0x5FFFF;
	_ =	strace $0x90000046  }
0xb2: {  	s29 =	simm.s32 $0x9;
	_ =	strace $0x80000048  }
0xb3: {  	_ =	swait.ge [sflag:s29], $0x1  }
0xb4: {  	[sflag:s29] =	ssyncadd.s32 $0xFFFFFFFF  }
0xb5: {  	_ =	strace $0x90000048  }
0xb6: {  	_ =	sfence  }
0xb7: {  	s30 =	sld [smem:$0x0];
	_ =	sdelay $0x2  }
0xb8: {  	s31 =	sshll.u32 s1, $0xD;
	s1 =	sshrl.u32 s1, $0x2  }
0xb9: {  	s3 =	sand.u32 $0x4000, s31;
	s1 =	sadd.s32 s1, s30  }
0xba: {  	s0 =	sor.u32 s3, s0;
	s1 =	sshll.u32 s1, $0x11  }
0xbb: {  	s0 =	sor.u32 s1, s0  }
0xbc: {  	s0 =	sadd.s32 $0x8F2B, s0  }
0xbd: {  	[sflag:s0] =	ssyncadd.remote.s32 $0x1  }
0xbe: {  	_ =	sfence.sel $0xFFFF  }
0xbf: {  	[dreg:$0x0] =	wrdreg $0xFFFFFFFF;
	(pc) =	sbr.abs _section_cstart, $3  }
0xc0: {  	[dreg:$0x1] =	wrdreg $0xFFFFFFFF  }
0xc1: {  	_ =	task.clear_ibuf [dreg:s7], $0x2FFFF;
	_ =	strace $0x9FFFFFFF  }
0xc2: {  	(tm) =	ssettm $0x7FFFFFFF  }
0xc3: {  	_ =	shalt  }
tec
execute0_lowered:
.L_overlay_start_1:
0x0: {  	(tag) =	ssettag $0x1  }
0x1: {  	s1 =	srdreg.scid;
	s0 =	stileid.u32  }
0x2: {  	s7 =	rddreg [dreg:$0x0];
	s5 =	sand.u32 $0x1, s1;
	s4 =	sshll.u32 s0, $0x1  }
0x3: {  	s3 =	rddreg [dreg:$0x1];
	s2 =	simm.s32 $0x0;
	s4 =	sor.u32 s5, s4  }
0x4: {  	[smem:$0x7FF] =	sst s2;
	s6 =	smul.u32 $0x14, s4  }
0x5: {  	s1 =	rddreg [dreg:$0x2];
	_ =	strace $0x80000047;
	s9 =	ssub.s32 $0x2, s5  }
0x6: {  	s8 =	smul.u32 $0xA00, s4;
	s4 =	simm.s32 $0x2;
	s3 =	sadd.s32 s3, s6  }
0x7: {  	[tilespmem:s2], [sflag:$0x2] =	stream.linear.gather [hbm4b:s3+s2], $0xA0, $0x38;
	[tilespmem:$0x5100] =	vst v63  }
0x8: {  	s31 =	sshrl.u32 s9, $0x1;
	s30 =	sadd.s32 s8, s7;
	_ =	swait.ge [sflag:s4], $0xA0  }
0x9: {  	s6 =	simm.s32 $0x100;
	s8 =	ssub.s32 s9, s31;
	[sflag:s4] =	ssyncset.done $0x0  }
0xa: {  	s5 =	sadd.s32 $0x200, s30;
	s10 =	smax.u32 s8, $0x1;
	[sflag:s4] =	ssyncadd.s32 $0xFFFFFF60  }
0xb: {  	[tilespmem:s6], [sflag:$0x2] =	stream.linear.gather [hbm4b:s5+s2], $0x5000, $0x38;
	[tilespmem:$0x5100] =	vst v63  }
0xc: {  	p0 =	sne.s32 s10, $0x1;
	_ =	swait.ge [sflag:s4], $0x5000  }
.Ltmp0:
0xd: {  	s7 =	sadd.s32 $0x14200, s7;
	[sflag:s4] =	ssyncset.done $0x0;
	(pc) =	sbr.rel @!p0 .LBB2_2-.Ltmp0, $4  }
0xe: {  	s9 =	simm.s32 $0xA0;
	s8 =	simm.s32 $0x1;
	[sflag:s4] =	ssyncadd.s32 $0xFFFFB000  }
0xf: {  	[hbm4b:s7+s9] =	stream.indirect.scatter [tilespmem:s6], [sflag:$0x1], $0x80, s2, s9, $0xb8;
	[tilespmem:$0x5100] =	vst v63  }
0x10: {  	_ =	swait.ge [sflag:s8], $0x5000  }
0x11: {  	s10 =	sadd.s32 $0xFFFFFFFF, s10;
	[sflag:s8] =	ssyncset.done $0x0  }
.LBB2_1:
0x12: {  	p0 =	sne.s32 s10, $0x1;
	s10 =	sadd.s32 $0xFFFFFFFF, s10;
	[sflag:s8] =	ssyncadd.s32 $0xFFFFB000  }
0x13: {  	[tilespmem:s2], [sflag:$0x2] =	stream.linear.gather [hbm4b:s3+s2], $0xA0, $0x38;
	[tilespmem:$0x5100] =	vst v63  }
0x14: {  	_ =	swait.ge [sflag:s4], $0xA0  }
0x15: {  	[sflag:s4] =	ssyncset.done $0x0  }
0x16: {  	[sflag:s4] =	ssyncadd.s32 $0xFFFFFF60  }
0x17: {  	[tilespmem:s6], [sflag:$0x2] =	stream.linear.gather [hbm4b:s5+s2], $0x5000, $0x38;
	[tilespmem:$0x5100] =	vst v63  }
0x18: {  	_ =	swait.ge [sflag:s4], $0x5000  }
.Ltmp1:
0x19: {  	[sflag:s4] =	ssyncset.done $0x0;
	(pc) =	sbr.rel @p0 .LBB2_1-.Ltmp1, $4  }
0x1a: {  	[sflag:s4] =	ssyncadd.s32 $0xFFFFB000  }
0x1b: {  	[hbm4b:s7+s9] =	stream.indirect.scatter [tilespmem:s6], [sflag:$0x1], $0x80, s2, s9, $0xb8;
	[tilespmem:$0x5100] =	vst v63  }
0x1c: {  	_ =	swait.ge [sflag:s8], $0x5000  }
0x1d: {  	[sflag:s8] =	ssyncset.done $0x0  }
.LBB2_2:
0x1e: {  	[sflag:s8] =	ssyncadd.s32 $0xFFFFB000  }
0x1f: {  	_ =	sfence.sel $0x180000  }
0x20: {  	[bflag:$0x0] =	sbarrier.arrive $0xFFFF  }
0x21: {  	p0 =	sne.s32 s0, $0x0;
	_ =	strace $0x90000047  }
0x22: {  	s0 =	sadd.s32 @!p0 $0x100000, s1;
	[bflag:$0x2] =	sbarrier.arrive $0xFFFF  }
0x23: {  	[sflag:s0] =	ssyncadd.tile.s32 @!p0 $0x1;
	_ =	shalt  }
.Lfunc_end2:
_tile_overlayer_lowered:
.L_overlay_start_2:
0x24: {  	(tag) =	ssettag $0x2  }
0x25: {  	s0 =	rddreg [dreg:$0x0];
	s2 =	stileid.u32  }
0x26: {  	s1 =	rddreg [dreg:$0x1];
	p0 =	sne.s32 s2, $0x0  }
0x27: {  	s3 =	rddreg [dreg:$0x2];
	[bflag:$0x3] =	sbarrier.arrive $0xFFFF;
	s2 =	simm.s32 @!p0 $0x1C02  }
0x28: {  	[timem:s3], [sflag:s2] =	dma.local @!p0 [hbm:s0], s1  }
0x29: {  	s0 =	simm.s32 @!p0 $0x2  }
0x2a: {  	_ =	swait.ge @!p0 [sflag:s0], s1  }
0x2b: {  	s1 =	ssub.s32 @!p0 $0x0, s1;
	[sflag:s0] =	ssyncset.done @!p0 $0x0  }
0x2c: {  	[sflag:s0] =	ssyncadd.s32 @!p0 s1  }
0x2d: {  	[bflag:$0x3] =	sbarrier.arrive $0xFFFF  }
0x2e: {  	_ =	shalt  }

</sc_bundles>
